<compile_context>
chip_gen: v7x
topology: tpu7x:2x2x1
jax: 0.10.2.dev20260603
libtpu: 0.0.44.dev20260713+nightly
codegen_flags: <defaults>
</compile_context>

<pallas_src>
import functools

import jax
import jax.numpy as jnp
from jax import lax
from jax.experimental import pallas as pl
from jax.experimental.pallas import tpu as pltpu
from jax.experimental.pallas import tpu_sc as plsc

_TCA = 25
_GCA = 9
_KS = (24, 23, 22)
_ITERS = 10
_MAXK = 24
_VOCAB = 1000000
_DIM = 32
_NSCAN = _VOCAB - 1
_NW = 32
_T16 = 31248
_TLAST = _VOCAB - (_NW - 1) * _T16
_CR = 1024
_NCH = 32
_GRP = _CR // 16
_BIG = 3.0e38


def _kmeans_run(data, pmask, k):
    jj = lax.broadcasted_iota(jnp.int32, (1, _MAXK), 1)
    kmask = jj < k
    cents0 = data[:_MAXK]
    ones_col = jnp.ones((32, 1), jnp.float32)

    def labels_of(cents):
        diff = data[:, None, :] - cents[None, :, :]
        d2 = jnp.sum(diff * diff, axis=-1)
        d2 = jnp.where(kmask, d2, _BIG)
        m = jnp.min(d2, axis=1, keepdims=True)
        return jnp.min(jnp.where(d2 == m, jj, _MAXK), axis=1, keepdims=True)

    def body(_, cents):
        lab = labels_of(cents)
        onehot = ((lab == jj) & pmask).astype(jnp.float32)
        counts = lax.dot_general(onehot, ones_col,
                                 (((0,), (0,)), ((), ())))
        sums = lax.dot_general(onehot, data,
                               (((0,), (0,)), ((), ())))
        newc = sums / jnp.maximum(counts, 1.0)
        return jnp.where(counts > 0, newc, cents)

    cents = lax.fori_loop(0, _ITERS, body, cents0)
    lab = labels_of(cents)
    onehot = ((lab == jj) & pmask).astype(jnp.float32)
    ii = lax.broadcasted_iota(jnp.int32, (32, 1), 0)
    good = jnp.sum(onehot * (ii < _GCA), axis=0, keepdims=True)
    bad = jnp.sum(onehot * ((ii >= _GCA) & pmask), axis=0, keepdims=True)
    sizes = jnp.where((bad == 0.0) & (good > 0.0), good, 0.0)
    return sizes, cents


def _kmeans_centroid(data, pmask):
    jj = lax.broadcasted_iota(jnp.int32, (1, _MAXK), 1)
    ms, cents_sel = [], []
    for k in _KS:
        sizes, cents = _kmeans_run(data, pmask, k)
        m = jnp.max(sizes)
        arg = jnp.min(jnp.where(sizes == m, jj, _MAXK))
        oh = (jj == arg).astype(jnp.float32)
        csel = lax.dot_general(oh, cents, (((1,), (0,)), ((), ())))
        ms.append(m)
        cents_sel.append(csel)

    gm = jnp.maximum(jnp.maximum(ms[0], ms[1]), ms[2])
    s0 = ms[0] == gm
    s1 = (ms[1] == gm) & (~s0)
    s2 = (ms[2] == gm) & (~s0) & (~s1)
    centroid = (jnp.where(s0, 1.0, 0.0) * cents_sel[0]
                + jnp.where(s1, 1.0, 0.0) * cents_sel[1]
                + jnp.where(s2, 1.0, 0.0) * cents_sel[2])
    return centroid, gm


def _tc_kmeans_body(idxp_ref, grp_ref, emb_ref, cent_ref, len_ref,
                    rows_v, sem):
    copies = [
        pltpu.make_async_copy(emb_ref.at[pl.ds(idxp_ref[j] * 128, 128)],
                              rows_v.at[j], sem)
        for j in range(_TCA)
    ]
    for c in copies:
        c.start()
    for c in copies:
        c.wait()
    pmask = lax.broadcasted_iota(jnp.int32, (32, 1), 0) < _TCA
    grp = grp_ref[...]
    gath = rows_v[...]
    data = jnp.zeros((32, _DIM), jnp.float32)
    for g in range(4):
        data = data + jnp.where((grp == g) & pmask,
                                gath[:, g * _DIM:(g + 1) * _DIM], 0.0)
    centroid, gm = _kmeans_centroid(data, pmask)
    dd = lax.broadcasted_iota(jnp.int32, (_DIM, 128), 0)
    ll = lax.broadcasted_iota(jnp.int32, (_DIM, 128), 1)
    rotidx = lax.rem(dd + ll, _DIM)
    crot = jnp.zeros((_DIM, 128), jnp.float32)
    for k in range(_DIM):
        crot = crot + centroid[0, k] * (rotidx == k).astype(jnp.float32)
    cent_ref[...] = crot
    len_ref[0, 0] = gm.astype(jnp.int32)


_tc_kmeans = pl.pallas_call(
    _tc_kmeans_body,
    in_specs=[
        pl.BlockSpec(memory_space=pltpu.SMEM),
        pl.BlockSpec(memory_space=pltpu.VMEM),
        pl.BlockSpec(memory_space=pl.ANY),
    ],
    out_shape=(
        jax.ShapeDtypeStruct((_DIM, 128), jnp.float32),
        jax.ShapeDtypeStruct((1, 1), jnp.int32),
    ),
    out_specs=(
        pl.BlockSpec(memory_space=pltpu.VMEM),
        pl.BlockSpec(memory_space=pltpu.SMEM),
    ),
    scratch_shapes=[
        pltpu.VMEM((32, 128), jnp.float32),
        pltpu.SemaphoreType.DMA,
    ],
)


@functools.cache
def _sc_scan_fn():
    mesh = plsc.VectorSubcoreMesh(core_axis_name="c", subcore_axis_name="s")

    @functools.partial(
        pl.kernel,
        out_type=(
            jax.ShapeDtypeStruct((_NW, 128), jnp.float32),
            jax.ShapeDtypeStruct((_NW, 128), jnp.int32),
        ),
        mesh=mesh,
        compiler_params=pltpu.CompilerParams(needs_layout_passes=False),
        scratch_types=[
            pltpu.VMEM((_CR * _DIM,), jnp.float32),
            pltpu.VMEM((_CR * _DIM,), jnp.float32),
            pltpu.VMEM((_DIM, 128), jnp.float32),
            pltpu.VMEM((128,), jnp.float32),
            pltpu.VMEM((128,), jnp.int32),
            pltpu.SemaphoreType.DMA,
            pltpu.SemaphoreType.DMA,
        ],
    )
    def _sc_scan(cent_hbm, emb_hbm, omin_hbm, orow_hbm,
                 buf_a, buf_b, cent_v, ovmin, ovrow, sem_a, sem_b):
        wid = lax.axis_index("s") * 2 + lax.axis_index("c")
        base = wid * _T16
        count = jnp.where(wid == _NW - 1, _TLAST, _T16)
        lane = lax.broadcasted_iota(jnp.int32, (16,), 0)
        lane33 = lane * (_DIM + 1)

        pltpu.sync_copy(cent_hbm, cent_v)
        cvecs = [cent_v[d, pl.ds(0, 16)] for d in range(_DIM)]

        def chunk_start(cid):
            return base + jnp.minimum(cid * _CR, count - _CR)

        def copy(cid, buf, sem):
            return pltpu.make_async_copy(
                emb_hbm.at[pl.ds(chunk_start(cid) * _DIM, _CR * _DIM)],
                buf, sem)

        def compute(cid, buf, carry):
            st = chunk_start(cid)

            def jbody(j, carry2):
                minvec, rowb = carry2
                rows = st + j * 16 + lane
                fbl = j * (16 * _DIM) + lane33
                accs = [jnp.zeros((16,), jnp.float32) for _ in range(4)]
                for d in range(_DIM):
                    if d <= 32 - 16:
                        idx = fbl + d
                    else:
                        idx = fbl + jnp.where(lane >= (_DIM - d),
                                              d - _DIM, d)
                    v = plsc.load_gather(buf, [idx])
                    t = v - cvecs[d]
                    accs[d % 4] = accs[d % 4] + t * t
                acc = (accs[0] + accs[1]) + (accs[2] + accs[3])
                acc = jnp.where(rows < _NSCAN, acc, _BIG)
                upd = acc < minvec
                minvec = jnp.where(upd, acc, minvec)
                rowb = jnp.where(upd, rows, rowb)
                return (minvec, rowb)

            return lax.fori_loop(0, _GRP, jbody, carry)

        copy(0, buf_a, sem_a).start()

        def cbody(c2, carry):
            a = 2 * c2
            copy(a + 1, buf_b, sem_b).start()
            copy(a, buf_a, sem_a).wait()
            carry = compute(a, buf_a, carry)
            copy(jnp.minimum(a + 2, _NCH - 1), buf_a, sem_a).start()
            copy(a + 1, buf_b, sem_b).wait()
            carry = compute(a + 1, buf_b, carry)
            return carry

        minvec0 = jnp.full((16,), _BIG, jnp.float32)
        rowb0 = jnp.zeros((16,), jnp.int32)
        minvec, rowb = lax.fori_loop(0, _NCH // 2, cbody, (minvec0, rowb0))
        copy(_NCH - 1, buf_a, sem_a).wait()

        ovmin[pl.ds(0, 16)] = minvec
        ovrow[pl.ds(0, 16)] = rowb
        for t in range(1, 8):
            ovmin[pl.ds(t * 16, 16)] = jnp.full((16,), _BIG, jnp.float32)
            ovrow[pl.ds(t * 16, 16)] = jnp.full((16,), _VOCAB, jnp.int32)
        pltpu.sync_copy(ovmin, omin_hbm.at[wid])
        pltpu.sync_copy(ovrow, orow_hbm.at[wid])

    return _sc_scan


def _tc_merge_body(omin_ref, orow_ref, idx_ref, dist_ref):
    m = omin_ref[...]
    r = orow_ref[...]
    gmin = jnp.min(m)
    idx_ref[0, 0] = jnp.min(jnp.where(m == gmin, r, _VOCAB))
    dist_ref[0, 0] = jnp.sqrt(gmin)


_tc_merge = pl.pallas_call(
    _tc_merge_body,
    out_shape=(
        jax.ShapeDtypeStruct((1, 1), jnp.int32),
        jax.ShapeDtypeStruct((1, 1), jnp.float32),
    ),
    out_specs=(
        pl.BlockSpec(memory_space=pltpu.SMEM),
        pl.BlockSpec(memory_space=pltpu.SMEM),
    ),
)


def kernel(embeddings, good_idx, bad_idx):
    idx = jnp.concatenate([
        good_idx.astype(jnp.int32),
        bad_idx.astype(jnp.int32),
        jnp.zeros((32 - _TCA,), jnp.int32),
    ])
    embf = embeddings.reshape(_VOCAB * _DIM)
    idx_p = idx // 4
    grp = (idx % 4).reshape(32, 1)
    cent_b, clue_len = _tc_kmeans(idx_p, grp, embf)
    omin, orow = _sc_scan_fn()(cent_b, embf)
    clue_idx, min_dist = _tc_merge(omin, orow)
    return clue_idx[0, 0], clue_len[0, 0], min_dist[0, 0]

# --- scband reference (transcript-rebuilt; emitter-appended) ---
"""Pipeline reference for scband-embedding-cluster-sender-54546084660012 (READ-ONLY COPY).

The authoritative reference and input builder live on the scoring server;
editing this copy changes nothing except your own understanding.
"""

import jax, jax.numpy as jnp
import numpy as np

TCA = 25
GCA = 9
CLUSTER_AMOUNTS = [TCA - 1, TCA - 2, TCA - 3]
KMEANS_ITERS = 10
VOCAB = 1000000
DIM = 32


def _kmeans(data, k, iters=KMEANS_ITERS):
    # Deterministic Lloyd's algorithm (replaces scipy.cluster.vq.kmeans2).
    centroids = data[:k]
    for _ in range(iters):
        d2 = jnp.sum((data[:, None, :] - centroids[None, :, :]) ** 2, axis=-1)  # [n, k]
        labels = jnp.argmin(d2, axis=1)
        onehot = jax.nn.one_hot(labels, k, dtype=data.dtype)  # [n, k]
        counts = jnp.sum(onehot, axis=0)  # [k]
        sums = onehot.T @ data  # [k, d]
        new_c = sums / jnp.maximum(counts, 1.0)[:, None]
        centroids = jnp.where((counts > 0)[:, None], new_c, centroids)
    d2 = jnp.sum((data[:, None, :] - centroids[None, :, :]) ** 2, axis=-1)
    labels = jnp.argmin(d2, axis=1)
    return centroids, labels


def setup_inputs(seed: int = 0) -> dict:
    key = jax.random.key(seed)
    k1, k2, k3 = jax.random.split(key, 3)
    embeddings = jax.random.normal(k1, (VOCAB, DIM), dtype=jnp.float32)
    good_idx = jax.random.randint(k2, (GCA,), 0, VOCAB, dtype=jnp.int64) if jax.config.jax_enable_x64 else jax.random.randint(k2, (GCA,), 0, VOCAB).astype(jnp.int32)
    bad_idx = jax.random.randint(k3, (TCA - GCA,), 0, VOCAB).astype(good_idx.dtype)
    return {"embeddings": embeddings, "good_idx": good_idx, "bad_idx": bad_idx}


def reference(embeddings, good_idx, bad_idx):
    # embedder: gather word embeddings by index (word strings -> precomputed indices)
    good_embeds = jnp.take(embeddings, good_idx, axis=0)
    bad_embeds = jnp.take(embeddings, bad_idx, axis=0)
    data = jnp.concatenate([good_embeds, bad_embeds], axis=0)  # [tca, d]

    max_k = max(CLUSTER_AMOUNTS)
    sizes_list = []
    cents_list = []
    # largest_good_cluster: try several cluster amounts, keep the largest
    # cluster whose label appears only among good words.
    for k in CLUSTER_AMOUNTS:
        centroids, labels = _kmeans(data, k)
        onehot = jax.nn.one_hot(labels, k, dtype=embeddings.dtype)
        good_count = jnp.sum(onehot[:GCA], axis=0)
        bad_count = jnp.sum(onehot[GCA:], axis=0)
        qualifies = (bad_count == 0) & (good_count > 0)
        sizes = jnp.where(qualifies, good_count, 0.0)
        pad = max_k - k
        sizes = jnp.pad(sizes, (0, pad))
        cents = jnp.pad(centroids, ((0, pad), (0, 0)))
        sizes_list.append(sizes)
        cents_list.append(cents)

    sizes_all = jnp.concatenate(sizes_list)           # [3*max_k]
    cents_all = jnp.concatenate(cents_list, axis=0)   # [3*max_k, d]
    best = jnp.argmax(sizes_all)
    clue_len = sizes_all[best].astype(jnp.int32)
    centroid = cents_all[best]

    # find_closest_word: brute-force 1-NN over the (vocab-1) embedding rows
    norm_dif = jnp.linalg.norm(embeddings[:-1] - centroid[None, :], axis=1)
    clue_index = jnp.argmin(norm_dif)
    min_dist = jnp.min(norm_dif)
    return clue_index, clue_len, min_dist

if __name__ == "__main__":
    import jax
    _d = setup_inputs()
    print(jax.jit(kernel)(*tuple(_d.values())))

</pallas_src>

<mosaic_0001>
#map = affine_map<(d0, d1) -> (0, 0)>
#map1 = affine_map<(d0, d1) -> (0)>
module attributes {stable_mosaic.version = 14 : i64} {
  func.func @_sc_scan(%arg0: i32, %arg1: i32, %arg2: memref<32x128xf32, #tpu.memory_space<hbm>>, %arg3: memref<32000000xf32, #tpu.memory_space<hbm>>, %arg4: memref<32x128xf32, #tpu.memory_space<hbm>>, %arg5: memref<32x128xi32, #tpu.memory_space<hbm>>, %arg6: memref<32768xf32, #tpu.memory_space<vmem>>, %arg7: memref<32768xf32, #tpu.memory_space<vmem>>, %arg8: memref<32x128xf32, #tpu.memory_space<vmem>>, %arg9: memref<128xf32, #tpu.memory_space<vmem>>, %arg10: memref<128xi32, #tpu.memory_space<vmem>>, %arg11: memref<!tpu.dma_semaphore, #tpu.memory_space<semaphore_mem>>, %arg12: memref<!tpu.dma_semaphore, #tpu.memory_space<semaphore_mem>>) attributes {dimension_semantics = [#tpu.dimension_semantics<core_parallel>, #tpu.dimension_semantics<subcore_parallel>], iteration_bounds = array<i64: 2, 16>, scalar_prefetch = 0 : i64, scratch_operands = 7 : i64, tpu.core_type = #tpu.core_type<sc_vector_subcore>, window_params = [{transform_indices = #map}, {transform_indices = #map1}, {transform_indices = #map}, {transform_indices = #map}]} {
    %mul3A = arith.constant 2 : i32
    %mul3A_0 = arith.muli %arg1, %mul3A : i32
    %add3A = arith.addi %mul3A_0, %arg0 : i32
    %mul3A_1 = arith.constant 31248 : i32
    %mul3A_2 = arith.muli %add3A, %mul3A_1 : i32
    %eq3A = arith.constant 31 : i32
    %eq3A_3 = arith.cmpi eq, %add3A, %eq3A : i32
    %jit3A = arith.constant 31312 : i32
    %jit3A_4 = arith.constant 31248 : i32
    %select_n3A = arith.select %eq3A_3, %jit3A, %jit3A_4 : i32
    %iota3A = tpu.iota {dimensions = array<i32: 0>} : vector<16xi32>
    %mul3A_5 = arith.constant 33 : i32
    %mul3A_6 = vector.broadcast %mul3A_5 : i32 to vector<16xi32>
    %mul3A_7 = arith.muli %iota3A, %mul3A_6 : vector<16xi32>
    "tpu.region"() ({
      %run_scoped3A = tpu.sem_alloc : memref<!tpu.dma_semaphore, #tpu.memory_space<semaphore_mem>>
      tpu.enqueue_dma source(%arg2 : memref<32x128xf32, #tpu.memory_space<hbm>>) target(%arg8 : memref<32x128xf32, #tpu.memory_space<vmem>>) target_semaphore(%run_scoped3A : memref<!tpu.dma_semaphore, #tpu.memory_space<semaphore_mem>>)
      tpu.wait_dma2 semaphore(%run_scoped3A : memref<!tpu.dma_semaphore, #tpu.memory_space<semaphore_mem>>) src(%arg2 : memref<32x128xf32, #tpu.memory_space<hbm>>) dst(%arg8 : memref<32x128xf32, #tpu.memory_space<vmem>>)
      tpu.yield
    }) : () -> ()
    %get3A = arith.constant 0 : i32
    %get3A_8 = arith.index_cast %get3A : i32 to index
    %get3A_9 = arith.constant 0 : index
    %get3A_10 = tpu.vector_load %arg8[%get3A_8, %get3A_9] {strides = array<i32>} : memref<32x128xf32, #tpu.memory_space<vmem>>, vector<16xf32>,
    %get3A_11 = arith.constant 1 : i32
    %get3A_12 = arith.index_cast %get3A_11 : i32 to index
    %get3A_13 = arith.constant 0 : index
    %get3A_14 = tpu.vector_load %arg8[%get3A_12, %get3A_13] {strides = array<i32>} : memref<32x128xf32, #tpu.memory_space<vmem>>, vector<16xf32>,
    %get3A_15 = arith.constant 2 : i32
    %get3A_16 = arith.index_cast %get3A_15 : i32 to index
    %get3A_17 = arith.constant 0 : index
    %get3A_18 = tpu.vector_load %arg8[%get3A_16, %get3A_17] {strides = array<i32>} : memref<32x128xf32, #tpu.memory_space<vmem>>, vector<16xf32>,
    %get3A_19 = arith.constant 3 : i32
    %get3A_20 = arith.index_cast %get3A_19 : i32 to index
    %get3A_21 = arith.constant 0 : index
    %get3A_22 = tpu.vector_load %arg8[%get3A_20, %get3A_21] {strides = array<i32>} : memref<32x128xf32, #tpu.memory_space<vmem>>, vector<16xf32>,
    %get3A_23 = arith.constant 4 : i32
    %get3A_24 = arith.index_cast %get3A_23 : i32 to index
    %get3A_25 = arith.constant 0 : index
    %get3A_26 = tpu.vector_load %arg8[%get3A_24, %get3A_25] {strides = array<i32>} : memref<32x128xf32, #tpu.memory_space<vmem>>, vector<16xf32>,
    %get3A_27 = arith.constant 5 : i32
    %get3A_28 = arith.index_cast %get3A_27 : i32 to index
    %get3A_29 = arith.constant 0 : index
    %get3A_30 = tpu.vector_load %arg8[%get3A_28, %get3A_29] {strides = array<i32>} : memref<32x128xf32, #tpu.memory_space<vmem>>, vector<16xf32>,
    %get3A_31 = arith.constant 6 : i32
    %get3A_32 = arith.index_cast %get3A_31 : i32 to index
    %get3A_33 = arith.constant 0 : index
    %get3A_34 = tpu.vector_load %arg8[%get3A_32, %get3A_33] {strides = array<i32>} : memref<32x128xf32, #tpu.memory_space<vmem>>, vector<16xf32>,
    %get3A_35 = arith.constant 7 : i32
    %get3A_36 = arith.index_cast %get3A_35 : i32 to index
    %get3A_37 = arith.constant 0 : index
    %get3A_38 = tpu.vector_load %arg8[%get3A_36, %get3A_37] {strides = array<i32>} : memref<32x128xf32, #tpu.memory_space<vmem>>, vector<16xf32>,
    %get3A_39 = arith.constant 8 : i32
    %get3A_40 = arith.index_cast %get3A_39 : i32 to index
    %get3A_41 = arith.constant 0 : index
    %get3A_42 = tpu.vector_load %arg8[%get3A_40, %get3A_41] {strides = array<i32>} : memref<32x128xf32, #tpu.memory_space<vmem>>, vector<16xf32>,
    %get3A_43 = arith.constant 9 : i32
    %get3A_44 = arith.index_cast %get3A_43 : i32 to index
    %get3A_45 = arith.constant 0 : index
    %get3A_46 = tpu.vector_load %arg8[%get3A_44, %get3A_45] {strides = array<i32>} : memref<32x128xf32, #tpu.memory_space<vmem>>, vector<16xf32>,
    %get3A_47 = arith.constant 10 : i32
    %get3A_48 = arith.index_cast %get3A_47 : i32 to index
    %get3A_49 = arith.constant 0 : index
    %get3A_50 = tpu.vector_load %arg8[%get3A_48, %get3A_49] {strides = array<i32>} : memref<32x128xf32, #tpu.memory_space<vmem>>, vector<16xf32>,
    %get3A_51 = arith.constant 11 : i32
    %get3A_52 = arith.index_cast %get3A_51 : i32 to index
    %get3A_53 = arith.constant 0 : index
    %get3A_54 = tpu.vector_load %arg8[%get3A_52, %get3A_53] {strides = array<i32>} : memref<32x128xf32, #tpu.memory_space<vmem>>, vector<16xf32>,
    %get3A_55 = arith.constant 12 : i32
    %get3A_56 = arith.index_cast %get3A_55 : i32 to index
    %get3A_57 = arith.constant 0 : index
    %get3A_58 = tpu.vector_load %arg8[%get3A_56, %get3A_57] {strides = array<i32>} : memref<32x128xf32, #tpu.memory_space<vmem>>, vector<16xf32>,
    %get3A_59 = arith.constant 13 : i32
    %get3A_60 = arith.index_cast %get3A_59 : i32 to index
    %get3A_61 = arith.constant 0 : index
    %get3A_62 = tpu.vector_load %arg8[%get3A_60, %get3A_61] {strides = array<i32>} : memref<32x128xf32, #tpu.memory_space<vmem>>, vector<16xf32>,
    %get3A_63 = arith.constant 14 : i32
    %get3A_64 = arith.index_cast %get3A_63 : i32 to index
    %get3A_65 = arith.constant 0 : index
    %get3A_66 = tpu.vector_load %arg8[%get3A_64, %get3A_65] {strides = array<i32>} : memref<32x128xf32, #tpu.memory_space<vmem>>, vector<16xf32>,
    %get3A_67 = arith.constant 15 : i32
    %get3A_68 = arith.index_cast %get3A_67 : i32 to index
    %get3A_69 = arith.constant 0 : index
    %get3A_70 = tpu.vector_load %arg8[%get3A_68, %get3A_69] {strides = array<i32>} : memref<32x128xf32, #tpu.memory_space<vmem>>, vector<16xf32>,
    %get3A_71 = arith.constant 16 : i32
    %get3A_72 = arith.index_cast %get3A_71 : i32 to index
    %get3A_73 = arith.constant 0 : index
    %get3A_74 = tpu.vector_load %arg8[%get3A_72, %get3A_73] {strides = array<i32>} : memref<32x128xf32, #tpu.memory_space<vmem>>, vector<16xf32>,
    %get3A_75 = arith.constant 17 : i32
    %get3A_76 = arith.index_cast %get3A_75 : i32 to index
    %get3A_77 = arith.constant 0 : index
    %get3A_78 = tpu.vector_load %arg8[%get3A_76, %get3A_77] {strides = array<i32>} : memref<32x128xf32, #tpu.memory_space<vmem>>, vector<16xf32>,
    %get3A_79 = arith.constant 18 : i32
    %get3A_80 = arith.index_cast %get3A_79 : i32 to index
    %get3A_81 = arith.constant 0 : index
    %get3A_82 = tpu.vector_load %arg8[%get3A_80, %get3A_81] {strides = array<i32>} : memref<32x128xf32, #tpu.memory_space<vmem>>, vector<16xf32>,
    %get3A_83 = arith.constant 19 : i32
    %get3A_84 = arith.index_cast %get3A_83 : i32 to index
    %get3A_85 = arith.constant 0 : index
    %get3A_86 = tpu.vector_load %arg8[%get3A_84, %get3A_85] {strides = array<i32>} : memref<32x128xf32, #tpu.memory_space<vmem>>, vector<16xf32>,
    %get3A_87 = arith.constant 20 : i32
    %get3A_88 = arith.index_cast %get3A_87 : i32 to index
    %get3A_89 = arith.constant 0 : index
    %get3A_90 = tpu.vector_load %arg8[%get3A_88, %get3A_89] {strides = array<i32>} : memref<32x128xf32, #tpu.memory_space<vmem>>, vector<16xf32>,
    %get3A_91 = arith.constant 21 : i32
    %get3A_92 = arith.index_cast %get3A_91 : i32 to index
    %get3A_93 = arith.constant 0 : index
    %get3A_94 = tpu.vector_load %arg8[%get3A_92, %get3A_93] {strides = array<i32>} : memref<32x128xf32, #tpu.memory_space<vmem>>, vector<16xf32>,
    %get3A_95 = arith.constant 22 : i32
    %get3A_96 = arith.index_cast %get3A_95 : i32 to index
    %get3A_97 = arith.constant 0 : index
    %get3A_98 = tpu.vector_load %arg8[%get3A_96, %get3A_97] {strides = array<i32>} : memref<32x128xf32, #tpu.memory_space<vmem>>, vector<16xf32>,
    %get3A_99 = arith.constant 23 : i32
    %get3A_100 = arith.index_cast %get3A_99 : i32 to index
    %get3A_101 = arith.constant 0 : index
    %get3A_102 = tpu.vector_load %arg8[%get3A_100, %get3A_101] {strides = array<i32>} : memref<32x128xf32, #tpu.memory_space<vmem>>, vector<16xf32>,
    %get3A_103 = arith.constant 24 : i32
    %get3A_104 = arith.index_cast %get3A_103 : i32 to index
    %get3A_105 = arith.constant 0 : index
    %get3A_106 = tpu.vector_load %arg8[%get3A_104, %get3A_105] {strides = array<i32>} : memref<32x128xf32, #tpu.memory_space<vmem>>, vector<16xf32>,
    %get3A_107 = arith.constant 25 : i32
    %get3A_108 = arith.index_cast %get3A_107 : i32 to index
    %get3A_109 = arith.constant 0 : index
    %get3A_110 = tpu.vector_load %arg8[%get3A_108, %get3A_109] {strides = array<i32>} : memref<32x128xf32, #tpu.memory_space<vmem>>, vector<16xf32>,
    %get3A_111 = arith.constant 26 : i32
    %get3A_112 = arith.index_cast %get3A_111 : i32 to index
    %get3A_113 = arith.constant 0 : index
    %get3A_114 = tpu.vector_load %arg8[%get3A_112, %get3A_113] {strides = array<i32>} : memref<32x128xf32, #tpu.memory_space<vmem>>, vector<16xf32>,
    %get3A_115 = arith.constant 27 : i32
    %get3A_116 = arith.index_cast %get3A_115 : i32 to index
    %get3A_117 = arith.constant 0 : index
    %get3A_118 = tpu.vector_load %arg8[%get3A_116, %get3A_117] {strides = array<i32>} : memref<32x128xf32, #tpu.memory_space<vmem>>, vector<16xf32>,
    %get3A_119 = arith.constant 28 : i32
    %get3A_120 = arith.index_cast %get3A_119 : i32 to index
    %get3A_121 = arith.constant 0 : index
    %get3A_122 = tpu.vector_load %arg8[%get3A_120, %get3A_121] {strides = array<i32>} : memref<32x128xf32, #tpu.memory_space<vmem>>, vector<16xf32>,
    %get3A_123 = arith.constant 29 : i32
    %get3A_124 = arith.index_cast %get3A_123 : i32 to index
    %get3A_125 = arith.constant 0 : index
    %get3A_126 = tpu.vector_load %arg8[%get3A_124, %get3A_125] {strides = array<i32>} : memref<32x128xf32, #tpu.memory_space<vmem>>, vector<16xf32>,
    %get3A_127 = arith.constant 30 : i32
    %get3A_128 = arith.index_cast %get3A_127 : i32 to index
    %get3A_129 = arith.constant 0 : index
    %get3A_130 = tpu.vector_load %arg8[%get3A_128, %get3A_129] {strides = array<i32>} : memref<32x128xf32, #tpu.memory_space<vmem>>, vector<16xf32>,
    %get3A_131 = arith.constant 31 : i32
    %get3A_132 = arith.index_cast %get3A_131 : i32 to index
    %get3A_133 = arith.constant 0 : index
    %get3A_134 = tpu.vector_load %arg8[%get3A_132, %get3A_133] {strides = array<i32>} : memref<32x128xf32, #tpu.memory_space<vmem>>, vector<16xf32>,
    %sub3A = arith.constant 1024 : i32
    %sub3A_135 = arith.subi %select_n3A, %sub3A : i32
    %min3A = arith.constant 0 : i32
    %min3A_136 = arith.minsi %min3A, %sub3A_135 : i32
    %add3A_137 = arith.addi %mul3A_2, %min3A_136 : i32
    %mul3A_138 = arith.constant 32 : i32
    %mul3A_139 = arith.muli %add3A_137, %mul3A_138 : i32
    %dma_start3A = tpu.memref_slice %arg3[%mul3A_139] : memref<32000000xf32, #tpu.memory_space<hbm>> -> memref<32768xf32, #tpu.memory_space<hbm>>
    %dma_start3A_140 = tpu.memref_slice %arg3[%mul3A_139] : memref<32000000xf32, #tpu.memory_space<hbm>> -> memref<32768xf32, #tpu.memory_space<hbm>>
    tpu.enqueue_dma source(%dma_start3A_140 : memref<32768xf32, #tpu.memory_space<hbm>>) target(%arg6 : memref<32768xf32, #tpu.memory_space<vmem>>) target_semaphore(%arg11 : memref<!tpu.dma_semaphore, #tpu.memory_space<semaphore_mem>>)
    %broadcast_in_dim3A = arith.constant 3.000000e+38 : f32
    %broadcast_in_dim3A_141 = vector.broadcast %broadcast_in_dim3A : f32 to vector<16xf32>
    %broadcast_in_dim3A_142 = arith.constant 0 : i32
    %broadcast_in_dim3A_143 = vector.broadcast %broadcast_in_dim3A_142 : i32 to vector<16xi32>
    %scan3A = arith.constant 0 : i32
    %scan3A_144 = arith.constant 16 : i32
    %scan3A_145 = arith.addi %scan3A, %scan3A_144 : i32
    %scan3A_146 = arith.constant 1 : i32
    %scan3A_147:2 = scf.for %scan3A_216 = %scan3A to %scan3A_145 step %scan3A_146 iter_args(%scan3A_217 = %broadcast_in_dim3A_141, %scan3A_218 = %broadcast_in_dim3A_143) -> (vector<16xf32>, vector<16xi32>)  : i32 {
      %mul3A_219 = arith.constant 2 : i32
      %mul3A_220 = arith.muli %mul3A_219, %scan3A_216 : i32
      %add3A_221 = arith.constant 1 : i32
      %add3A_222 = arith.addi %mul3A_220, %add3A_221 : i32
      %mul3A_223 = arith.constant 1024 : i32
      %mul3A_224 = arith.muli %add3A_222, %mul3A_223 : i32
      %sub3A_225 = arith.constant 1024 : i32
      %sub3A_226 = arith.subi %select_n3A, %sub3A_225 : i32
      %min3A_227 = arith.minsi %mul3A_224, %sub3A_226 : i32
      %add3A_228 = arith.addi %mul3A_2, %min3A_227 : i32
      %mul3A_229 = arith.constant 32 : i32
      %mul3A_230 = arith.muli %add3A_228, %mul3A_229 : i32
      %dma_start3A_231 = tpu.memref_slice %arg3[%mul3A_230] : memref<32000000xf32, #tpu.memory_space<hbm>> -> memref<32768xf32, #tpu.memory_space<hbm>>
      %dma_start3A_232 = tpu.memref_slice %arg3[%mul3A_230] : memref<32000000xf32, #tpu.memory_space<hbm>> -> memref<32768xf32, #tpu.memory_space<hbm>>
      tpu.enqueue_dma source(%dma_start3A_232 : memref<32768xf32, #tpu.memory_space<hbm>>) target(%arg7 : memref<32768xf32, #tpu.memory_space<vmem>>) target_semaphore(%arg12 : memref<!tpu.dma_semaphore, #tpu.memory_space<semaphore_mem>>)
      %mul3A_233 = arith.constant 1024 : i32
      %mul3A_234 = arith.muli %mul3A_220, %mul3A_233 : i32
      %sub3A_235 = arith.constant 1024 : i32
      %sub3A_236 = arith.subi %select_n3A, %sub3A_235 : i32
      %min3A_237 = arith.minsi %mul3A_234, %sub3A_236 : i32
      %add3A_238 = arith.addi %mul3A_2, %min3A_237 : i32
      %mul3A_239 = arith.constant 32 : i32
      %mul3A_240 = arith.muli %add3A_238, %mul3A_239 : i32
      %dma_wait3A_241 = tpu.memref_slice %arg3[%mul3A_240] : memref<32000000xf32, #tpu.memory_space<hbm>> -> memref<32768xf32, #tpu.memory_space<hbm>>
      %dma_wait3A_242 = tpu.memref_slice %arg3[%mul3A_240] : memref<32000000xf32, #tpu.memory_space<hbm>> -> memref<32768xf32, #tpu.memory_space<hbm>>
      tpu.wait_dma2 semaphore(%arg11 : memref<!tpu.dma_semaphore, #tpu.memory_space<semaphore_mem>>) src(%dma_wait3A_242 : memref<32768xf32, #tpu.memory_space<hbm>>) dst(%arg6 : memref<32768xf32, #tpu.memory_space<vmem>>)
      %mul3A_243 = arith.constant 1024 : i32
      %mul3A_244 = arith.muli %mul3A_220, %mul3A_243 : i32
      %sub3A_245 = arith.constant 1024 : i32
      %sub3A_246 = arith.subi %select_n3A, %sub3A_245 : i32
      %min3A_247 = arith.minsi %mul3A_244, %sub3A_246 : i32
      %add3A_248 = arith.addi %mul3A_2, %min3A_247 : i32
      %scan3A_249 = arith.constant 0 : i32
      %scan3A_250 = arith.constant 64 : i32
      %scan3A_251 = arith.addi %scan3A_249, %scan3A_250 : i32
      %scan3A_252 = arith.constant 1 : i32
      %scan3A_253:2 = scf.for %scan3A_295 = %scan3A_249 to %scan3A_251 step %scan3A_252 iter_args(%scan3A_296 = %scan3A_217, %scan3A_297 = %scan3A_218) -> (vector<16xf32>, vector<16xi32>)  : i32 {
        %mul3A_298 = arith.constant 16 : i32
        %mul3A_299 = arith.muli %scan3A_295, %mul3A_298 : i32
        %add3A_300 = arith.addi %add3A_248, %mul3A_299 : i32
        %add3A_301 = vector.broadcast %add3A_300 : i32 to vector<16xi32>
        %add3A_302 = arith.addi %add3A_301, %iota3A : vector<16xi32>
        %mul3A_303 = arith.constant 512 : i32
        %mul3A_304 = arith.muli %scan3A_295, %mul3A_303 : i32
        %add3A_305 = vector.broadcast %mul3A_304 : i32 to vector<16xi32>
        %add3A_306 = arith.addi %add3A_305, %mul3A_7 : vector<16xi32>
        %broadcast_in_dim3A_307 = arith.constant 0.000000e+00 : f32
        %broadcast_in_dim3A_308 = vector.broadcast %broadcast_in_dim3A_307 : f32 to vector<16xf32>
        %broadcast_in_dim3A_309 = arith.constant 0.000000e+00 : f32
        %broadcast_in_dim3A_310 = vector.broadcast %broadcast_in_dim3A_309 : f32 to vector<16xf32>
        %broadcast_in_dim3A_311 = arith.constant 0.000000e+00 : f32
        %broadcast_in_dim3A_312 = vector.broadcast %broadcast_in_dim3A_311 : f32 to vector<16xf32>
        %broadcast_in_dim3A_313 = arith.constant 0.000000e+00 : f32
        %broadcast_in_dim3A_314 = vector.broadcast %broadcast_in_dim3A_313 : f32 to vector<16xf32>
        %add3A_315 = arith.constant 0 : i32
        %add3A_316 = vector.broadcast %add3A_315 : i32 to vector<16xi32>
        %add3A_317 = arith.addi %add3A_306, %add3A_316 : vector<16xi32>
        %gather3A = tpu.vector_load_idx %arg6[%add3A_317] : memref<32768xf32, #tpu.memory_space<vmem>>[vector<16xi32>], vector<16xf32>,
        %sub3A_318 = arith.subf %gather3A, %get3A_10 : vector<16xf32>
        %mul3A_319 = arith.mulf %sub3A_318, %sub3A_318 : vector<16xf32>
        %add3A_320 = arith.addf %broadcast_in_dim3A_308, %mul3A_319 : vector<16xf32>
        %add3A_321 = arith.constant 1 : i32
        %add3A_322 = vector.broadcast %add3A_321 : i32 to vector<16xi32>
        %add3A_323 = arith.addi %add3A_306, %add3A_322 : vector<16xi32>
        %gather3A_324 = tpu.vector_load_idx %arg6[%add3A_323] : memref<32768xf32, #tpu.memory_space<vmem>>[vector<16xi32>], vector<16xf32>,
        %sub3A_325 = arith.subf %gather3A_324, %get3A_14 : vector<16xf32>
        %mul3A_326 = arith.mulf %sub3A_325, %sub3A_325 : vector<16xf32>
        %add3A_327 = arith.addf %broadcast_in_dim3A_310, %mul3A_326 : vector<16xf32>
        %add3A_328 = arith.constant 2 : i32
        %add3A_329 = vector.broadcast %add3A_328 : i32 to vector<16xi32>
        %add3A_330 = arith.addi %add3A_306, %add3A_329 : vector<16xi32>
        %gather3A_331 = tpu.vector_load_idx %arg6[%add3A_330] : memref<32768xf32, #tpu.memory_space<vmem>>[vector<16xi32>], vector<16xf32>,
        %sub3A_332 = arith.subf %gather3A_331, %get3A_18 : vector<16xf32>
        %mul3A_333 = arith.mulf %sub3A_332, %sub3A_332 : vector<16xf32>
        %add3A_334 = arith.addf %broadcast_in_dim3A_312, %mul3A_333 : vector<16xf32>
        %add3A_335 = arith.constant 3 : i32
        %add3A_336 = vector.broadcast %add3A_335 : i32 to vector<16xi32>
        %add3A_337 = arith.addi %add3A_306, %add3A_336 : vector<16xi32>
        %gather3A_338 = tpu.vector_load_idx %arg6[%add3A_337] : memref<32768xf32, #tpu.memory_space<vmem>>[vector<16xi32>], vector<16xf32>,
        %sub3A_339 = arith.subf %gather3A_338, %get3A_22 : vector<16xf32>
        %mul3A_340 = arith.mulf %sub3A_339, %sub3A_339 : vector<16xf32>
        %add3A_341 = arith.addf %broadcast_in_dim3A_314, %mul3A_340 : vector<16xf32>
        %add3A_342 = arith.constant 4 : i32
        %add3A_343 = vector.broadcast %add3A_342 : i32 to vector<16xi32>
        %add3A_344 = arith.addi %add3A_306, %add3A_343 : vector<16xi32>
        %gather3A_345 = tpu.vector_load_idx %arg6[%add3A_344] : memref<32768xf32, #tpu.memory_space<vmem>>[vector<16xi32>], vector<16xf32>,
        %sub3A_346 = arith.subf %gather3A_345, %get3A_26 : vector<16xf32>
        %mul3A_347 = arith.mulf %sub3A_346, %sub3A_346 : vector<16xf32>
        %add3A_348 = arith.addf %add3A_320, %mul3A_347 : vector<16xf32>
        %add3A_349 = arith.constant 5 : i32
        %add3A_350 = vector.broadcast %add3A_349 : i32 to vector<16xi32>
        %add3A_351 = arith.addi %add3A_306, %add3A_350 : vector<16xi32>
        %gather3A_352 = tpu.vector_load_idx %arg6[%add3A_351] : memref<32768xf32, #tpu.memory_space<vmem>>[vector<16xi32>], vector<16xf32>,
        %sub3A_353 = arith.subf %gather3A_352, %get3A_30 : vector<16xf32>
        %mul3A_354 = arith.mulf %sub3A_353, %sub3A_353 : vector<16xf32>
        %add3A_355 = arith.addf %add3A_327, %mul3A_354 : vector<16xf32>
        %add3A_356 = arith.constant 6 : i32
        %add3A_357 = vector.broadcast %add3A_356 : i32 to vector<16xi32>
        %add3A_358 = arith.addi %add3A_306, %add3A_357 : vector<16xi32>
        %gather3A_359 = tpu.vector_load_idx %arg6[%add3A_358] : memref<32768xf32, #tpu.memory_space<vmem>>[vector<16xi32>], vector<16xf32>,
        %sub3A_360 = arith.subf %gather3A_359, %get3A_34 : vector<16xf32>
        %mul3A_361 = arith.mulf %sub3A_360, %sub3A_360 : vector<16xf32>
        %add3A_362 = arith.addf %add3A_334, %mul3A_361 : vector<16xf32>
        %add3A_363 = arith.constant 7 : i32
        %add3A_364 = vector.broadcast %add3A_363 : i32 to vector<16xi32>
        %add3A_365 = arith.addi %add3A_306, %add3A_364 : vector<16xi32>
        %gather3A_366 = tpu.vector_load_idx %arg6[%add3A_365] : memref<32768xf32, #tpu.memory_space<vmem>>[vector<16xi32>], vector<16xf32>,
        %sub3A_367 = arith.subf %gather3A_366, %get3A_38 : vector<16xf32>
        %mul3A_368 = arith.mulf %sub3A_367, %sub3A_367 : vector<16xf32>
        %add3A_369 = arith.addf %add3A_341, %mul3A_368 : vector<16xf32>
        %add3A_370 = arith.constant 8 : i32
        %add3A_371 = vector.broadcast %add3A_370 : i32 to vector<16xi32>
        %add3A_372 = arith.addi %add3A_306, %add3A_371 : vector<16xi32>
        %gather3A_373 = tpu.vector_load_idx %arg6[%add3A_372] : memref<32768xf32, #tpu.memory_space<vmem>>[vector<16xi32>], vector<16xf32>,
        %sub3A_374 = arith.subf %gather3A_373, %get3A_42 : vector<16xf32>
        %mul3A_375 = arith.mulf %sub3A_374, %sub3A_374 : vector<16xf32>
        %add3A_376 = arith.addf %add3A_348, %mul3A_375 : vector<16xf32>
        %add3A_377 = arith.constant 9 : i32
        %add3A_378 = vector.broadcast %add3A_377 : i32 to vector<16xi32>
        %add3A_379 = arith.addi %add3A_306, %add3A_378 : vector<16xi32>
        %gather3A_380 = tpu.vector_load_idx %arg6[%add3A_379] : memref<32768xf32, #tpu.memory_space<vmem>>[vector<16xi32>], vector<16xf32>,
        %sub3A_381 = arith.subf %gather3A_380, %get3A_46 : vector<16xf32>
        %mul3A_382 = arith.mulf %sub3A_381, %sub3A_381 : vector<16xf32>
        %add3A_383 = arith.addf %add3A_355, %mul3A_382 : vector<16xf32>
        %add3A_384 = arith.constant 10 : i32
        %add3A_385 = vector.broadcast %add3A_384 : i32 to vector<16xi32>
        %add3A_386 = arith.addi %add3A_306, %add3A_385 : vector<16xi32>
        %gather3A_387 = tpu.vector_load_idx %arg6[%add3A_386] : memref<32768xf32, #tpu.memory_space<vmem>>[vector<16xi32>], vector<16xf32>,
        %sub3A_388 = arith.subf %gather3A_387, %get3A_50 : vector<16xf32>
        %mul3A_389 = arith.mulf %sub3A_388, %sub3A_388 : vector<16xf32>
        %add3A_390 = arith.addf %add3A_362, %mul3A_389 : vector<16xf32>
        %add3A_391 = arith.constant 11 : i32
        %add3A_392 = vector.broadcast %add3A_391 : i32 to vector<16xi32>
        %add3A_393 = arith.addi %add3A_306, %add3A_392 : vector<16xi32>
        %gather3A_394 = tpu.vector_load_idx %arg6[%add3A_393] : memref<32768xf32, #tpu.memory_space<vmem>>[vector<16xi32>], vector<16xf32>,
        %sub3A_395 = arith.subf %gather3A_394, %get3A_54 : vector<16xf32>
        %mul3A_396 = arith.mulf %sub3A_395, %sub3A_395 : vector<16xf32>
        %add3A_397 = arith.addf %add3A_369, %mul3A_396 : vector<16xf32>
        %add3A_398 = arith.constant 12 : i32
        %add3A_399 = vector.broadcast %add3A_398 : i32 to vector<16xi32>
        %add3A_400 = arith.addi %add3A_306, %add3A_399 : vector<16xi32>
        %gather3A_401 = tpu.vector_load_idx %arg6[%add3A_400] : memref<32768xf32, #tpu.memory_space<vmem>>[vector<16xi32>], vector<16xf32>,
        %sub3A_402 = arith.subf %gather3A_401, %get3A_58 : vector<16xf32>
        %mul3A_403 = arith.mulf %sub3A_402, %sub3A_402 : vector<16xf32>
        %add3A_404 = arith.addf %add3A_376, %mul3A_403 : vector<16xf32>
        %add3A_405 = arith.constant 13 : i32
        %add3A_406 = vector.broadcast %add3A_405 : i32 to vector<16xi32>
        %add3A_407 = arith.addi %add3A_306, %add3A_406 : vector<16xi32>
        %gather3A_408 = tpu.vector_load_idx %arg6[%add3A_407] : memref<32768xf32, #tpu.memory_space<vmem>>[vector<16xi32>], vector<16xf32>,
        %sub3A_409 = arith.subf %gather3A_408, %get3A_62 : vector<16xf32>
        %mul3A_410 = arith.mulf %sub3A_409, %sub3A_409 : vector<16xf32>
        %add3A_411 = arith.addf %add3A_383, %mul3A_410 : vector<16xf32>
        %add3A_412 = arith.constant 14 : i32
        %add3A_413 = vector.broadcast %add3A_412 : i32 to vector<16xi32>
        %add3A_414 = arith.addi %add3A_306, %add3A_413 : vector<16xi32>
        %gather3A_415 = tpu.vector_load_idx %arg6[%add3A_414] : memref<32768xf32, #tpu.memory_space<vmem>>[vector<16xi32>], vector<16xf32>,
        %sub3A_416 = arith.subf %gather3A_415, %get3A_66 : vector<16xf32>
        %mul3A_417 = arith.mulf %sub3A_416, %sub3A_416 : vector<16xf32>
        %add3A_418 = arith.addf %add3A_390, %mul3A_417 : vector<16xf32>
        %add3A_419 = arith.constant 15 : i32
        %add3A_420 = vector.broadcast %add3A_419 : i32 to vector<16xi32>
        %add3A_421 = arith.addi %add3A_306, %add3A_420 : vector<16xi32>
        %gather3A_422 = tpu.vector_load_idx %arg6[%add3A_421] : memref<32768xf32, #tpu.memory_space<vmem>>[vector<16xi32>], vector<16xf32>,
        %sub3A_423 = arith.subf %gather3A_422, %get3A_70 : vector<16xf32>
        %mul3A_424 = arith.mulf %sub3A_423, %sub3A_423 : vector<16xf32>
        %add3A_425 = arith.addf %add3A_397, %mul3A_424 : vector<16xf32>
        %add3A_426 = arith.constant 16 : i32
        %add3A_427 = vector.broadcast %add3A_426 : i32 to vector<16xi32>
        %add3A_428 = arith.addi %add3A_306, %add3A_427 : vector<16xi32>
        %gather3A_429 = tpu.vector_load_idx %arg6[%add3A_428] : memref<32768xf32, #tpu.memory_space<vmem>>[vector<16xi32>], vector<16xf32>,
        %sub3A_430 = arith.subf %gather3A_429, %get3A_74 : vector<16xf32>
        %mul3A_431 = arith.mulf %sub3A_430, %sub3A_430 : vector<16xf32>
        %add3A_432 = arith.addf %add3A_404, %mul3A_431 : vector<16xf32>
        %ge3A = arith.constant 15 : i32
        %ge3A_433 = vector.broadcast %ge3A : i32 to vector<16xi32>
        %ge3A_434 = arith.cmpi sge, %iota3A, %ge3A_433 : vector<16xi32>
        %jit3A_435 = arith.constant -15 : i32
        %jit3A_436 = arith.constant 17 : i32
        %broadcast_in_dim3A_437 = vector.broadcast %jit3A_435 : i32 to vector<16xi32>
        %broadcast_in_dim3A_438 = vector.broadcast %jit3A_436 : i32 to vector<16xi32>
        %select_n3A_439 = arith.select %ge3A_434, %broadcast_in_dim3A_437, %broadcast_in_dim3A_438 : vector<16xi1>, vector<16xi32>
        %add3A_440 = arith.addi %add3A_306, %select_n3A_439 : vector<16xi32>
        %gather3A_441 = tpu.vector_load_idx %arg6[%add3A_440] : memref<32768xf32, #tpu.memory_space<vmem>>[vector<16xi32>], vector<16xf32>,
        %sub3A_442 = arith.subf %gather3A_441, %get3A_78 : vector<16xf32>
        %mul3A_443 = arith.mulf %sub3A_442, %sub3A_442 : vector<16xf32>
        %add3A_444 = arith.addf %add3A_411, %mul3A_443 : vector<16xf32>
        %ge3A_445 = arith.constant 14 : i32
        %ge3A_446 = vector.broadcast %ge3A_445 : i32 to vector<16xi32>
        %ge3A_447 = arith.cmpi sge, %iota3A, %ge3A_446 : vector<16xi32>
        %jit3A_448 = arith.constant -14 : i32
        %jit3A_449 = arith.constant 18 : i32
        %broadcast_in_dim3A_450 = vector.broadcast %jit3A_448 : i32 to vector<16xi32>
        %broadcast_in_dim3A_451 = vector.broadcast %jit3A_449 : i32 to vector<16xi32>
        %select_n3A_452 = arith.select %ge3A_447, %broadcast_in_dim3A_450, %broadcast_in_dim3A_451 : vector<16xi1>, vector<16xi32>
        %add3A_453 = arith.addi %add3A_306, %select_n3A_452 : vector<16xi32>
        %gather3A_454 = tpu.vector_load_idx %arg6[%add3A_453] : memref<32768xf32, #tpu.memory_space<vmem>>[vector<16xi32>], vector<16xf32>,
        %sub3A_455 = arith.subf %gather3A_454, %get3A_82 : vector<16xf32>
        %mul3A_456 = arith.mulf %sub3A_455, %sub3A_455 : vector<16xf32>
        %add3A_457 = arith.addf %add3A_418, %mul3A_456 : vector<16xf32>
        %ge3A_458 = arith.constant 13 : i32
        %ge3A_459 = vector.broadcast %ge3A_458 : i32 to vector<16xi32>
        %ge3A_460 = arith.cmpi sge, %iota3A, %ge3A_459 : vector<16xi32>
        %jit3A_461 = arith.constant -13 : i32
        %jit3A_462 = arith.constant 19 : i32
        %broadcast_in_dim3A_463 = vector.broadcast %jit3A_461 : i32 to vector<16xi32>
        %broadcast_in_dim3A_464 = vector.broadcast %jit3A_462 : i32 to vector<16xi32>
        %select_n3A_465 = arith.select %ge3A_460, %broadcast_in_dim3A_463, %broadcast_in_dim3A_464 : vector<16xi1>, vector<16xi32>
        %add3A_466 = arith.addi %add3A_306, %select_n3A_465 : vector<16xi32>
        %gather3A_467 = tpu.vector_load_idx %arg6[%add3A_466] : memref<32768xf32, #tpu.memory_space<vmem>>[vector<16xi32>], vector<16xf32>,
        %sub3A_468 = arith.subf %gather3A_467, %get3A_86 : vector<16xf32>
        %mul3A_469 = arith.mulf %sub3A_468, %sub3A_468 : vector<16xf32>
        %add3A_470 = arith.addf %add3A_425, %mul3A_469 : vector<16xf32>
        %ge3A_471 = arith.constant 12 : i32
        %ge3A_472 = vector.broadcast %ge3A_471 : i32 to vector<16xi32>
        %ge3A_473 = arith.cmpi sge, %iota3A, %ge3A_472 : vector<16xi32>
        %jit3A_474 = arith.constant -12 : i32
        %jit3A_475 = arith.constant 20 : i32
        %broadcast_in_dim3A_476 = vector.broadcast %jit3A_474 : i32 to vector<16xi32>
        %broadcast_in_dim3A_477 = vector.broadcast %jit3A_475 : i32 to vector<16xi32>
        %select_n3A_478 = arith.select %ge3A_473, %broadcast_in_dim3A_476, %broadcast_in_dim3A_477 : vector<16xi1>, vector<16xi32>
        %add3A_479 = arith.addi %add3A_306, %select_n3A_478 : vector<16xi32>
        %gather3A_480 = tpu.vector_load_idx %arg6[%add3A_479] : memref<32768xf32, #tpu.memory_space<vmem>>[vector<16xi32>], vector<16xf32>,
        %sub3A_481 = arith.subf %gather3A_480, %get3A_90 : vector<16xf32>
        %mul3A_482 = arith.mulf %sub3A_481, %sub3A_481 : vector<16xf32>
        %add3A_483 = arith.addf %add3A_432, %mul3A_482 : vector<16xf32>
        %ge3A_484 = arith.constant 11 : i32
        %ge3A_485 = vector.broadcast %ge3A_484 : i32 to vector<16xi32>
        %ge3A_486 = arith.cmpi sge, %iota3A, %ge3A_485 : vector<16xi32>
        %jit3A_487 = arith.constant -11 : i32
        %jit3A_488 = arith.constant 21 : i32
        %broadcast_in_dim3A_489 = vector.broadcast %jit3A_487 : i32 to vector<16xi32>
        %broadcast_in_dim3A_490 = vector.broadcast %jit3A_488 : i32 to vector<16xi32>
        %select_n3A_491 = arith.select %ge3A_486, %broadcast_in_dim3A_489, %broadcast_in_dim3A_490 : vector<16xi1>, vector<16xi32>
        %add3A_492 = arith.addi %add3A_306, %select_n3A_491 : vector<16xi32>
        %gather3A_493 = tpu.vector_load_idx %arg6[%add3A_492] : memref<32768xf32, #tpu.memory_space<vmem>>[vector<16xi32>], vector<16xf32>,
        %sub3A_494 = arith.subf %gather3A_493, %get3A_94 : vector<16xf32>
        %mul3A_495 = arith.mulf %sub3A_494, %sub3A_494 : vector<16xf32>
        %add3A_496 = arith.addf %add3A_444, %mul3A_495 : vector<16xf32>
        %ge3A_497 = arith.constant 10 : i32
        %ge3A_498 = vector.broadcast %ge3A_497 : i32 to vector<16xi32>
        %ge3A_499 = arith.cmpi sge, %iota3A, %ge3A_498 : vector<16xi32>
        %jit3A_500 = arith.constant -10 : i32
        %jit3A_501 = arith.constant 22 : i32
        %broadcast_in_dim3A_502 = vector.broadcast %jit3A_500 : i32 to vector<16xi32>
        %broadcast_in_dim3A_503 = vector.broadcast %jit3A_501 : i32 to vector<16xi32>
        %select_n3A_504 = arith.select %ge3A_499, %broadcast_in_dim3A_502, %broadcast_in_dim3A_503 : vector<16xi1>, vector<16xi32>
        %add3A_505 = arith.addi %add3A_306, %select_n3A_504 : vector<16xi32>
        %gather3A_506 = tpu.vector_load_idx %arg6[%add3A_505] : memref<32768xf32, #tpu.memory_space<vmem>>[vector<16xi32>], vector<16xf32>,
        %sub3A_507 = arith.subf %gather3A_506, %get3A_98 : vector<16xf32>
        %mul3A_508 = arith.mulf %sub3A_507, %sub3A_507 : vector<16xf32>
        %add3A_509 = arith.addf %add3A_457, %mul3A_508 : vector<16xf32>
        %ge3A_510 = arith.constant 9 : i32
        %ge3A_511 = vector.broadcast %ge3A_510 : i32 to vector<16xi32>
        %ge3A_512 = arith.cmpi sge, %iota3A, %ge3A_511 : vector<16xi32>
        %jit3A_513 = arith.constant -9 : i32
        %jit3A_514 = arith.constant 23 : i32
        %broadcast_in_dim3A_515 = vector.broadcast %jit3A_513 : i32 to vector<16xi32>
        %broadcast_in_dim3A_516 = vector.broadcast %jit3A_514 : i32 to vector<16xi32>
        %select_n3A_517 = arith.select %ge3A_512, %broadcast_in_dim3A_515, %broadcast_in_dim3A_516 : vector<16xi1>, vector<16xi32>
        %add3A_518 = arith.addi %add3A_306, %select_n3A_517 : vector<16xi32>
        %gather3A_519 = tpu.vector_load_idx %arg6[%add3A_518] : memref<32768xf32, #tpu.memory_space<vmem>>[vector<16xi32>], vector<16xf32>,
        %sub3A_520 = arith.subf %gather3A_519, %get3A_102 : vector<16xf32>
        %mul3A_521 = arith.mulf %sub3A_520, %sub3A_520 : vector<16xf32>
        %add3A_522 = arith.addf %add3A_470, %mul3A_521 : vector<16xf32>
        %ge3A_523 = arith.constant 8 : i32
        %ge3A_524 = vector.broadcast %ge3A_523 : i32 to vector<16xi32>
        %ge3A_525 = arith.cmpi sge, %iota3A, %ge3A_524 : vector<16xi32>
        %jit3A_526 = arith.constant -8 : i32
        %jit3A_527 = arith.constant 24 : i32
        %broadcast_in_dim3A_528 = vector.broadcast %jit3A_526 : i32 to vector<16xi32>
        %broadcast_in_dim3A_529 = vector.broadcast %jit3A_527 : i32 to vector<16xi32>
        %select_n3A_530 = arith.select %ge3A_525, %broadcast_in_dim3A_528, %broadcast_in_dim3A_529 : vector<16xi1>, vector<16xi32>
        %add3A_531 = arith.addi %add3A_306, %select_n3A_530 : vector<16xi32>
        %gather3A_532 = tpu.vector_load_idx %arg6[%add3A_531] : memref<32768xf32, #tpu.memory_space<vmem>>[vector<16xi32>], vector<16xf32>,
        %sub3A_533 = arith.subf %gather3A_532, %get3A_106 : vector<16xf32>
        %mul3A_534 = arith.mulf %sub3A_533, %sub3A_533 : vector<16xf32>
        %add3A_535 = arith.addf %add3A_483, %mul3A_534 : vector<16xf32>
        %ge3A_536 = arith.constant 7 : i32
        %ge3A_537 = vector.broadcast %ge3A_536 : i32 to vector<16xi32>
        %ge3A_538 = arith.cmpi sge, %iota3A, %ge3A_537 : vector<16xi32>
        %jit3A_539 = arith.constant -7 : i32
        %jit3A_540 = arith.constant 25 : i32
        %broadcast_in_dim3A_541 = vector.broadcast %jit3A_539 : i32 to vector<16xi32>
        %broadcast_in_dim3A_542 = vector.broadcast %jit3A_540 : i32 to vector<16xi32>
        %select_n3A_543 = arith.select %ge3A_538, %broadcast_in_dim3A_541, %broadcast_in_dim3A_542 : vector<16xi1>, vector<16xi32>
        %add3A_544 = arith.addi %add3A_306, %select_n3A_543 : vector<16xi32>
        %gather3A_545 = tpu.vector_load_idx %arg6[%add3A_544] : memref<32768xf32, #tpu.memory_space<vmem>>[vector<16xi32>], vector<16xf32>,
        %sub3A_546 = arith.subf %gather3A_545, %get3A_110 : vector<16xf32>
        %mul3A_547 = arith.mulf %sub3A_546, %sub3A_546 : vector<16xf32>
        %add3A_548 = arith.addf %add3A_496, %mul3A_547 : vector<16xf32>
        %ge3A_549 = arith.constant 6 : i32
        %ge3A_550 = vector.broadcast %ge3A_549 : i32 to vector<16xi32>
        %ge3A_551 = arith.cmpi sge, %iota3A, %ge3A_550 : vector<16xi32>
        %jit3A_552 = arith.constant -6 : i32
        %jit3A_553 = arith.constant 26 : i32
        %broadcast_in_dim3A_554 = vector.broadcast %jit3A_552 : i32 to vector<16xi32>
        %broadcast_in_dim3A_555 = vector.broadcast %jit3A_553 : i32 to vector<16xi32>
        %select_n3A_556 = arith.select %ge3A_551, %broadcast_in_dim3A_554, %broadcast_in_dim3A_555 : vector<16xi1>, vector<16xi32>
        %add3A_557 = arith.addi %add3A_306, %select_n3A_556 : vector<16xi32>
        %gather3A_558 = tpu.vector_load_idx %arg6[%add3A_557] : memref<32768xf32, #tpu.memory_space<vmem>>[vector<16xi32>], vector<16xf32>,
        %sub3A_559 = arith.subf %gather3A_558, %get3A_114 : vector<16xf32>
        %mul3A_560 = arith.mulf %sub3A_559, %sub3A_559 : vector<16xf32>
        %add3A_561 = arith.addf %add3A_509, %mul3A_560 : vector<16xf32>
        %ge3A_562 = arith.constant 5 : i32
        %ge3A_563 = vector.broadcast %ge3A_562 : i32 to vector<16xi32>
        %ge3A_564 = arith.cmpi sge, %iota3A, %ge3A_563 : vector<16xi32>
        %jit3A_565 = arith.constant -5 : i32
        %jit3A_566 = arith.constant 27 : i32
        %broadcast_in_dim3A_567 = vector.broadcast %jit3A_565 : i32 to vector<16xi32>
        %broadcast_in_dim3A_568 = vector.broadcast %jit3A_566 : i32 to vector<16xi32>
        %select_n3A_569 = arith.select %ge3A_564, %broadcast_in_dim3A_567, %broadcast_in_dim3A_568 : vector<16xi1>, vector<16xi32>
        %add3A_570 = arith.addi %add3A_306, %select_n3A_569 : vector<16xi32>
        %gather3A_571 = tpu.vector_load_idx %arg6[%add3A_570] : memref<32768xf32, #tpu.memory_space<vmem>>[vector<16xi32>], vector<16xf32>,
        %sub3A_572 = arith.subf %gather3A_571, %get3A_118 : vector<16xf32>
        %mul3A_573 = arith.mulf %sub3A_572, %sub3A_572 : vector<16xf32>
        %add3A_574 = arith.addf %add3A_522, %mul3A_573 : vector<16xf32>
        %ge3A_575 = arith.constant 4 : i32
        %ge3A_576 = vector.broadcast %ge3A_575 : i32 to vector<16xi32>
        %ge3A_577 = arith.cmpi sge, %iota3A, %ge3A_576 : vector<16xi32>
        %jit3A_578 = arith.constant -4 : i32
        %jit3A_579 = arith.constant 28 : i32
        %broadcast_in_dim3A_580 = vector.broadcast %jit3A_578 : i32 to vector<16xi32>
        %broadcast_in_dim3A_581 = vector.broadcast %jit3A_579 : i32 to vector<16xi32>
        %select_n3A_582 = arith.select %ge3A_577, %broadcast_in_dim3A_580, %broadcast_in_dim3A_581 : vector<16xi1>, vector<16xi32>
        %add3A_583 = arith.addi %add3A_306, %select_n3A_582 : vector<16xi32>
        %gather3A_584 = tpu.vector_load_idx %arg6[%add3A_583] : memref<32768xf32, #tpu.memory_space<vmem>>[vector<16xi32>], vector<16xf32>,
        %sub3A_585 = arith.subf %gather3A_584, %get3A_122 : vector<16xf32>
        %mul3A_586 = arith.mulf %sub3A_585, %sub3A_585 : vector<16xf32>
        %add3A_587 = arith.addf %add3A_535, %mul3A_586 : vector<16xf32>
        %ge3A_588 = arith.constant 3 : i32
        %ge3A_589 = vector.broadcast %ge3A_588 : i32 to vector<16xi32>
        %ge3A_590 = arith.cmpi sge, %iota3A, %ge3A_589 : vector<16xi32>
        %jit3A_591 = arith.constant -3 : i32
        %jit3A_592 = arith.constant 29 : i32
        %broadcast_in_dim3A_593 = vector.broadcast %jit3A_591 : i32 to vector<16xi32>
        %broadcast_in_dim3A_594 = vector.broadcast %jit3A_592 : i32 to vector<16xi32>
        %select_n3A_595 = arith.select %ge3A_590, %broadcast_in_dim3A_593, %broadcast_in_dim3A_594 : vector<16xi1>, vector<16xi32>
        %add3A_596 = arith.addi %add3A_306, %select_n3A_595 : vector<16xi32>
        %gather3A_597 = tpu.vector_load_idx %arg6[%add3A_596] : memref<32768xf32, #tpu.memory_space<vmem>>[vector<16xi32>], vector<16xf32>,
        %sub3A_598 = arith.subf %gather3A_597, %get3A_126 : vector<16xf32>
        %mul3A_599 = arith.mulf %sub3A_598, %sub3A_598 : vector<16xf32>
        %add3A_600 = arith.addf %add3A_548, %mul3A_599 : vector<16xf32>
        %ge3A_601 = arith.constant 2 : i32
        %ge3A_602 = vector.broadcast %ge3A_601 : i32 to vector<16xi32>
        %ge3A_603 = arith.cmpi sge, %iota3A, %ge3A_602 : vector<16xi32>
        %jit3A_604 = arith.constant -2 : i32
        %jit3A_605 = arith.constant 30 : i32
        %broadcast_in_dim3A_606 = vector.broadcast %jit3A_604 : i32 to vector<16xi32>
        %broadcast_in_dim3A_607 = vector.broadcast %jit3A_605 : i32 to vector<16xi32>
        %select_n3A_608 = arith.select %ge3A_603, %broadcast_in_dim3A_606, %broadcast_in_dim3A_607 : vector<16xi1>, vector<16xi32>
        %add3A_609 = arith.addi %add3A_306, %select_n3A_608 : vector<16xi32>
        %gather3A_610 = tpu.vector_load_idx %arg6[%add3A_609] : memref<32768xf32, #tpu.memory_space<vmem>>[vector<16xi32>], vector<16xf32>,
        %sub3A_611 = arith.subf %gather3A_610, %get3A_130 : vector<16xf32>
        %mul3A_612 = arith.mulf %sub3A_611, %sub3A_611 : vector<16xf32>
        %add3A_613 = arith.addf %add3A_561, %mul3A_612 : vector<16xf32>
        %ge3A_614 = arith.constant 1 : i32
        %ge3A_615 = vector.broadcast %ge3A_614 : i32 to vector<16xi32>
        %ge3A_616 = arith.cmpi sge, %iota3A, %ge3A_615 : vector<16xi32>
        %jit3A_617 = arith.constant -1 : i32
        %jit3A_618 = arith.constant 31 : i32
        %broadcast_in_dim3A_619 = vector.broadcast %jit3A_617 : i32 to vector<16xi32>
        %broadcast_in_dim3A_620 = vector.broadcast %jit3A_618 : i32 to vector<16xi32>
        %select_n3A_621 = arith.select %ge3A_616, %broadcast_in_dim3A_619, %broadcast_in_dim3A_620 : vector<16xi1>, vector<16xi32>
        %add3A_622 = arith.addi %add3A_306, %select_n3A_621 : vector<16xi32>
        %gather3A_623 = tpu.vector_load_idx %arg6[%add3A_622] : memref<32768xf32, #tpu.memory_space<vmem>>[vector<16xi32>], vector<16xf32>,
        %sub3A_624 = arith.subf %gather3A_623, %get3A_134 : vector<16xf32>
        %mul3A_625 = arith.mulf %sub3A_624, %sub3A_624 : vector<16xf32>
        %add3A_626 = arith.addf %add3A_574, %mul3A_625 : vector<16xf32>
        %add3A_627 = arith.addf %add3A_587, %add3A_600 : vector<16xf32>
        %add3A_628 = arith.addf %add3A_613, %add3A_626 : vector<16xf32>
        %add3A_629 = arith.addf %add3A_627, %add3A_628 : vector<16xf32>
        %lt3A = arith.constant 999999 : i32
        %lt3A_630 = vector.broadcast %lt3A : i32 to vector<16xi32>
        %lt3A_631 = arith.cmpi slt, %add3A_302, %lt3A_630 : vector<16xi32>
        %jit3A_632 = arith.constant 3.000000e+38 : f32
        %broadcast_in_dim3A_633 = vector.broadcast %jit3A_632 : f32 to vector<16xf32>
        %select_n3A_634 = arith.select %lt3A_631, %add3A_629, %broadcast_in_dim3A_633 : vector<16xi1>, vector<16xf32>
        %lt3A_635 = arith.cmpf olt, %select_n3A_634, %scan3A_296 : vector<16xf32>
        %select_n3A_636 = arith.select %lt3A_635, %select_n3A_634, %scan3A_296 : vector<16xi1>, vector<16xf32>
        %select_n3A_637 = arith.select %lt3A_635, %add3A_302, %scan3A_297 : vector<16xi1>, vector<16xi32>
        scf.yield %select_n3A_636, %select_n3A_637 : vector<16xf32>, vector<16xi32>
      }
      %scan3A_254 = arith.constant 64 : i32
      %add3A_255 = arith.constant 2 : i32
      %add3A_256 = arith.addi %mul3A_220, %add3A_255 : i32
      %min3A_257 = arith.constant 31 : i32
      %min3A_258 = arith.minsi %add3A_256, %min3A_257 : i32
      %mul3A_259 = arith.constant 1024 : i32
      %mul3A_260 = arith.muli %min3A_258, %mul3A_259 : i32
      %sub3A_261 = arith.constant 1024 : i32
      %sub3A_262 = arith.subi %select_n3A, %sub3A_261 : i32
      %min3A_263 = arith.minsi %mul3A_260, %sub3A_262 : i32
      %add3A_264 = arith.addi %mul3A_2, %min3A_263 : i32
      %mul3A_265 = arith.constant 32 : i32
      %mul3A_266 = arith.muli %add3A_264, %mul3A_265 : i32
      %dma_start3A_267 = tpu.memref_slice %arg3[%mul3A_266] : memref<32000000xf32, #tpu.memory_space<hbm>> -> memref<32768xf32, #tpu.memory_space<hbm>>
      %dma_start3A_268 = tpu.memref_slice %arg3[%mul3A_266] : memref<32000000xf32, #tpu.memory_space<hbm>> -> memref<32768xf32, #tpu.memory_space<hbm>>
      tpu.enqueue_dma source(%dma_start3A_268 : memref<32768xf32, #tpu.memory_space<hbm>>) target(%arg6 : memref<32768xf32, #tpu.memory_space<vmem>>) target_semaphore(%arg11 : memref<!tpu.dma_semaphore, #tpu.memory_space<semaphore_mem>>)
      %add3A_269 = arith.constant 1 : i32
      %add3A_270 = arith.addi %mul3A_220, %add3A_269 : i32
      %mul3A_271 = arith.constant 1024 : i32
      %mul3A_272 = arith.muli %add3A_270, %mul3A_271 : i32
      %sub3A_273 = arith.constant 1024 : i32
      %sub3A_274 = arith.subi %select_n3A, %sub3A_273 : i32
      %min3A_275 = arith.minsi %mul3A_272, %sub3A_274 : i32
      %add3A_276 = arith.addi %mul3A_2, %min3A_275 : i32
      %mul3A_277 = arith.constant 32 : i32
      %mul3A_278 = arith.muli %add3A_276, %mul3A_277 : i32
      %dma_wait3A_279 = tpu.memref_slice %arg3[%mul3A_278] : memref<32000000xf32, #tpu.memory_space<hbm>> -> memref<32768xf32, #tpu.memory_space<hbm>>
      %dma_wait3A_280 = tpu.memref_slice %arg3[%mul3A_278] : memref<32000000xf32, #tpu.memory_space<hbm>> -> memref<32768xf32, #tpu.memory_space<hbm>>
      tpu.wait_dma2 semaphore(%arg12 : memref<!tpu.dma_semaphore, #tpu.memory_space<semaphore_mem>>) src(%dma_wait3A_280 : memref<32768xf32, #tpu.memory_space<hbm>>) dst(%arg7 : memref<32768xf32, #tpu.memory_space<vmem>>)
      %add3A_281 = arith.constant 1 : i32
      %add3A_282 = arith.addi %mul3A_220, %add3A_281 : i32
      %mul3A_283 = arith.constant 1024 : i32
      %mul3A_284 = arith.muli %add3A_282, %mul3A_283 : i32
      %sub3A_285 = arith.constant 1024 : i32
      %sub3A_286 = arith.subi %select_n3A, %sub3A_285 : i32
      %min3A_287 = arith.minsi %mul3A_284, %sub3A_286 : i32
      %add3A_288 = arith.addi %mul3A_2, %min3A_287 : i32
      %scan3A_289 = arith.constant 0 : i32
      %scan3A_290 = arith.constant 64 : i32
      %scan3A_291 = arith.addi %scan3A_289, %scan3A_290 : i32
      %scan3A_292 = arith.constant 1 : i32
      %scan3A_293:2 = scf.for %scan3A_295 = %scan3A_289 to %scan3A_291 step %scan3A_292 iter_args(%scan3A_296 = %scan3A_253#0, %scan3A_297 = %scan3A_253#1) -> (vector<16xf32>, vector<16xi32>)  : i32 {
        %mul3A_298 = arith.constant 16 : i32
        %mul3A_299 = arith.muli %scan3A_295, %mul3A_298 : i32
        %add3A_300 = arith.addi %add3A_288, %mul3A_299 : i32
        %add3A_301 = vector.broadcast %add3A_300 : i32 to vector<16xi32>
        %add3A_302 = arith.addi %add3A_301, %iota3A : vector<16xi32>
        %mul3A_303 = arith.constant 512 : i32
        %mul3A_304 = arith.muli %scan3A_295, %mul3A_303 : i32
        %add3A_305 = vector.broadcast %mul3A_304 : i32 to vector<16xi32>
        %add3A_306 = arith.addi %add3A_305, %mul3A_7 : vector<16xi32>
        %broadcast_in_dim3A_307 = arith.constant 0.000000e+00 : f32
        %broadcast_in_dim3A_308 = vector.broadcast %broadcast_in_dim3A_307 : f32 to vector<16xf32>
        %broadcast_in_dim3A_309 = arith.constant 0.000000e+00 : f32
        %broadcast_in_dim3A_310 = vector.broadcast %broadcast_in_dim3A_309 : f32 to vector<16xf32>
        %broadcast_in_dim3A_311 = arith.constant 0.000000e+00 : f32
        %broadcast_in_dim3A_312 = vector.broadcast %broadcast_in_dim3A_311 : f32 to vector<16xf32>
        %broadcast_in_dim3A_313 = arith.constant 0.000000e+00 : f32
        %broadcast_in_dim3A_314 = vector.broadcast %broadcast_in_dim3A_313 : f32 to vector<16xf32>
        %add3A_315 = arith.constant 0 : i32
        %add3A_316 = vector.broadcast %add3A_315 : i32 to vector<16xi32>
        %add3A_317 = arith.addi %add3A_306, %add3A_316 : vector<16xi32>
        %gather3A = tpu.vector_load_idx %arg7[%add3A_317] : memref<32768xf32, #tpu.memory_space<vmem>>[vector<16xi32>], vector<16xf32>,
        %sub3A_318 = arith.subf %gather3A, %get3A_10 : vector<16xf32>
        %mul3A_319 = arith.mulf %sub3A_318, %sub3A_318 : vector<16xf32>
        %add3A_320 = arith.addf %broadcast_in_dim3A_308, %mul3A_319 : vector<16xf32>
        %add3A_321 = arith.constant 1 : i32
        %add3A_322 = vector.broadcast %add3A_321 : i32 to vector<16xi32>
        %add3A_323 = arith.addi %add3A_306, %add3A_322 : vector<16xi32>
        %gather3A_324 = tpu.vector_load_idx %arg7[%add3A_323] : memref<32768xf32, #tpu.memory_space<vmem>>[vector<16xi32>], vector<16xf32>,
        %sub3A_325 = arith.subf %gather3A_324, %get3A_14 : vector<16xf32>
        %mul3A_326 = arith.mulf %sub3A_325, %sub3A_325 : vector<16xf32>
        %add3A_327 = arith.addf %broadcast_in_dim3A_310, %mul3A_326 : vector<16xf32>
        %add3A_328 = arith.constant 2 : i32
        %add3A_329 = vector.broadcast %add3A_328 : i32 to vector<16xi32>
        %add3A_330 = arith.addi %add3A_306, %add3A_329 : vector<16xi32>
        %gather3A_331 = tpu.vector_load_idx %arg7[%add3A_330] : memref<32768xf32, #tpu.memory_space<vmem>>[vector<16xi32>], vector<16xf32>,
        %sub3A_332 = arith.subf %gather3A_331, %get3A_18 : vector<16xf32>
        %mul3A_333 = arith.mulf %sub3A_332, %sub3A_332 : vector<16xf32>
        %add3A_334 = arith.addf %broadcast_in_dim3A_312, %mul3A_333 : vector<16xf32>
        %add3A_335 = arith.constant 3 : i32
        %add3A_336 = vector.broadcast %add3A_335 : i32 to vector<16xi32>
        %add3A_337 = arith.addi %add3A_306, %add3A_336 : vector<16xi32>
        %gather3A_338 = tpu.vector_load_idx %arg7[%add3A_337] : memref<32768xf32, #tpu.memory_space<vmem>>[vector<16xi32>], vector<16xf32>,
        %sub3A_339 = arith.subf %gather3A_338, %get3A_22 : vector<16xf32>
        %mul3A_340 = arith.mulf %sub3A_339, %sub3A_339 : vector<16xf32>
        %add3A_341 = arith.addf %broadcast_in_dim3A_314, %mul3A_340 : vector<16xf32>
        %add3A_342 = arith.constant 4 : i32
        %add3A_343 = vector.broadcast %add3A_342 : i32 to vector<16xi32>
        %add3A_344 = arith.addi %add3A_306, %add3A_343 : vector<16xi32>
        %gather3A_345 = tpu.vector_load_idx %arg7[%add3A_344] : memref<32768xf32, #tpu.memory_space<vmem>>[vector<16xi32>], vector<16xf32>,
        %sub3A_346 = arith.subf %gather3A_345, %get3A_26 : vector<16xf32>
        %mul3A_347 = arith.mulf %sub3A_346, %sub3A_346 : vector<16xf32>
        %add3A_348 = arith.addf %add3A_320, %mul3A_347 : vector<16xf32>
        %add3A_349 = arith.constant 5 : i32
        %add3A_350 = vector.broadcast %add3A_349 : i32 to vector<16xi32>
        %add3A_351 = arith.addi %add3A_306, %add3A_350 : vector<16xi32>
        %gather3A_352 = tpu.vector_load_idx %arg7[%add3A_351] : memref<32768xf32, #tpu.memory_space<vmem>>[vector<16xi32>], vector<16xf32>,
        %sub3A_353 = arith.subf %gather3A_352, %get3A_30 : vector<16xf32>
        %mul3A_354 = arith.mulf %sub3A_353, %sub3A_353 : vector<16xf32>
        %add3A_355 = arith.addf %add3A_327, %mul3A_354 : vector<16xf32>
        %add3A_356 = arith.constant 6 : i32
        %add3A_357 = vector.broadcast %add3A_356 : i32 to vector<16xi32>
        %add3A_358 = arith.addi %add3A_306, %add3A_357 : vector<16xi32>
        %gather3A_359 = tpu.vector_load_idx %arg7[%add3A_358] : memref<32768xf32, #tpu.memory_space<vmem>>[vector<16xi32>], vector<16xf32>,
        %sub3A_360 = arith.subf %gather3A_359, %get3A_34 : vector<16xf32>
        %mul3A_361 = arith.mulf %sub3A_360, %sub3A_360 : vector<16xf32>
        %add3A_362 = arith.addf %add3A_334, %mul3A_361 : vector<16xf32>
        %add3A_363 = arith.constant 7 : i32
        %add3A_364 = vector.broadcast %add3A_363 : i32 to vector<16xi32>
        %add3A_365 = arith.addi %add3A_306, %add3A_364 : vector<16xi32>
        %gather3A_366 = tpu.vector_load_idx %arg7[%add3A_365] : memref<32768xf32, #tpu.memory_space<vmem>>[vector<16xi32>], vector<16xf32>,
        %sub3A_367 = arith.subf %gather3A_366, %get3A_38 : vector<16xf32>
        %mul3A_368 = arith.mulf %sub3A_367, %sub3A_367 : vector<16xf32>
        %add3A_369 = arith.addf %add3A_341, %mul3A_368 : vector<16xf32>
        %add3A_370 = arith.constant 8 : i32
        %add3A_371 = vector.broadcast %add3A_370 : i32 to vector<16xi32>
        %add3A_372 = arith.addi %add3A_306, %add3A_371 : vector<16xi32>
        %gather3A_373 = tpu.vector_load_idx %arg7[%add3A_372] : memref<32768xf32, #tpu.memory_space<vmem>>[vector<16xi32>], vector<16xf32>,
        %sub3A_374 = arith.subf %gather3A_373, %get3A_42 : vector<16xf32>
        %mul3A_375 = arith.mulf %sub3A_374, %sub3A_374 : vector<16xf32>
        %add3A_376 = arith.addf %add3A_348, %mul3A_375 : vector<16xf32>
        %add3A_377 = arith.constant 9 : i32
        %add3A_378 = vector.broadcast %add3A_377 : i32 to vector<16xi32>
        %add3A_379 = arith.addi %add3A_306, %add3A_378 : vector<16xi32>
        %gather3A_380 = tpu.vector_load_idx %arg7[%add3A_379] : memref<32768xf32, #tpu.memory_space<vmem>>[vector<16xi32>], vector<16xf32>,
        %sub3A_381 = arith.subf %gather3A_380, %get3A_46 : vector<16xf32>
        %mul3A_382 = arith.mulf %sub3A_381, %sub3A_381 : vector<16xf32>
        %add3A_383 = arith.addf %add3A_355, %mul3A_382 : vector<16xf32>
        %add3A_384 = arith.constant 10 : i32
        %add3A_385 = vector.broadcast %add3A_384 : i32 to vector<16xi32>
        %add3A_386 = arith.addi %add3A_306, %add3A_385 : vector<16xi32>
        %gather3A_387 = tpu.vector_load_idx %arg7[%add3A_386] : memref<32768xf32, #tpu.memory_space<vmem>>[vector<16xi32>], vector<16xf32>,
        %sub3A_388 = arith.subf %gather3A_387, %get3A_50 : vector<16xf32>
        %mul3A_389 = arith.mulf %sub3A_388, %sub3A_388 : vector<16xf32>
        %add3A_390 = arith.addf %add3A_362, %mul3A_389 : vector<16xf32>
        %add3A_391 = arith.constant 11 : i32
        %add3A_392 = vector.broadcast %add3A_391 : i32 to vector<16xi32>
        %add3A_393 = arith.addi %add3A_306, %add3A_392 : vector<16xi32>
        %gather3A_394 = tpu.vector_load_idx %arg7[%add3A_393] : memref<32768xf32, #tpu.memory_space<vmem>>[vector<16xi32>], vector<16xf32>,
        %sub3A_395 = arith.subf %gather3A_394, %get3A_54 : vector<16xf32>
        %mul3A_396 = arith.mulf %sub3A_395, %sub3A_395 : vector<16xf32>
        %add3A_397 = arith.addf %add3A_369, %mul3A_396 : vector<16xf32>
        %add3A_398 = arith.constant 12 : i32
        %add3A_399 = vector.broadcast %add3A_398 : i32 to vector<16xi32>
        %add3A_400 = arith.addi %add3A_306, %add3A_399 : vector<16xi32>
        %gather3A_401 = tpu.vector_load_idx %arg7[%add3A_400] : memref<32768xf32, #tpu.memory_space<vmem>>[vector<16xi32>], vector<16xf32>,
        %sub3A_402 = arith.subf %gather3A_401, %get3A_58 : vector<16xf32>
        %mul3A_403 = arith.mulf %sub3A_402, %sub3A_402 : vector<16xf32>
        %add3A_404 = arith.addf %add3A_376, %mul3A_403 : vector<16xf32>
        %add3A_405 = arith.constant 13 : i32
        %add3A_406 = vector.broadcast %add3A_405 : i32 to vector<16xi32>
        %add3A_407 = arith.addi %add3A_306, %add3A_406 : vector<16xi32>
        %gather3A_408 = tpu.vector_load_idx %arg7[%add3A_407] : memref<32768xf32, #tpu.memory_space<vmem>>[vector<16xi32>], vector<16xf32>,
        %sub3A_409 = arith.subf %gather3A_408, %get3A_62 : vector<16xf32>
        %mul3A_410 = arith.mulf %sub3A_409, %sub3A_409 : vector<16xf32>
        %add3A_411 = arith.addf %add3A_383, %mul3A_410 : vector<16xf32>
        %add3A_412 = arith.constant 14 : i32
        %add3A_413 = vector.broadcast %add3A_412 : i32 to vector<16xi32>
        %add3A_414 = arith.addi %add3A_306, %add3A_413 : vector<16xi32>
        %gather3A_415 = tpu.vector_load_idx %arg7[%add3A_414] : memref<32768xf32, #tpu.memory_space<vmem>>[vector<16xi32>], vector<16xf32>,
        %sub3A_416 = arith.subf %gather3A_415, %get3A_66 : vector<16xf32>
        %mul3A_417 = arith.mulf %sub3A_416, %sub3A_416 : vector<16xf32>
        %add3A_418 = arith.addf %add3A_390, %mul3A_417 : vector<16xf32>
        %add3A_419 = arith.constant 15 : i32
        %add3A_420 = vector.broadcast %add3A_419 : i32 to vector<16xi32>
        %add3A_421 = arith.addi %add3A_306, %add3A_420 : vector<16xi32>
        %gather3A_422 = tpu.vector_load_idx %arg7[%add3A_421] : memref<32768xf32, #tpu.memory_space<vmem>>[vector<16xi32>], vector<16xf32>,
        %sub3A_423 = arith.subf %gather3A_422, %get3A_70 : vector<16xf32>
        %mul3A_424 = arith.mulf %sub3A_423, %sub3A_423 : vector<16xf32>
        %add3A_425 = arith.addf %add3A_397, %mul3A_424 : vector<16xf32>
        %add3A_426 = arith.constant 16 : i32
        %add3A_427 = vector.broadcast %add3A_426 : i32 to vector<16xi32>
        %add3A_428 = arith.addi %add3A_306, %add3A_427 : vector<16xi32>
        %gather3A_429 = tpu.vector_load_idx %arg7[%add3A_428] : memref<32768xf32, #tpu.memory_space<vmem>>[vector<16xi32>], vector<16xf32>,
        %sub3A_430 = arith.subf %gather3A_429, %get3A_74 : vector<16xf32>
        %mul3A_431 = arith.mulf %sub3A_430, %sub3A_430 : vector<16xf32>
        %add3A_432 = arith.addf %add3A_404, %mul3A_431 : vector<16xf32>
        %ge3A = arith.constant 15 : i32
        %ge3A_433 = vector.broadcast %ge3A : i32 to vector<16xi32>
        %ge3A_434 = arith.cmpi sge, %iota3A, %ge3A_433 : vector<16xi32>
        %jit3A_435 = arith.constant -15 : i32
        %jit3A_436 = arith.constant 17 : i32
        %broadcast_in_dim3A_437 = vector.broadcast %jit3A_435 : i32 to vector<16xi32>
        %broadcast_in_dim3A_438 = vector.broadcast %jit3A_436 : i32 to vector<16xi32>
        %select_n3A_439 = arith.select %ge3A_434, %broadcast_in_dim3A_437, %broadcast_in_dim3A_438 : vector<16xi1>, vector<16xi32>
        %add3A_440 = arith.addi %add3A_306, %select_n3A_439 : vector<16xi32>
        %gather3A_441 = tpu.vector_load_idx %arg7[%add3A_440] : memref<32768xf32, #tpu.memory_space<vmem>>[vector<16xi32>], vector<16xf32>,
        %sub3A_442 = arith.subf %gather3A_441, %get3A_78 : vector<16xf32>
        %mul3A_443 = arith.mulf %sub3A_442, %sub3A_442 : vector<16xf32>
        %add3A_444 = arith.addf %add3A_411, %mul3A_443 : vector<16xf32>
        %ge3A_445 = arith.constant 14 : i32
        %ge3A_446 = vector.broadcast %ge3A_445 : i32 to vector<16xi32>
        %ge3A_447 = arith.cmpi sge, %iota3A, %ge3A_446 : vector<16xi32>
        %jit3A_448 = arith.constant -14 : i32
        %jit3A_449 = arith.constant 18 : i32
        %broadcast_in_dim3A_450 = vector.broadcast %jit3A_448 : i32 to vector<16xi32>
        %broadcast_in_dim3A_451 = vector.broadcast %jit3A_449 : i32 to vector<16xi32>
        %select_n3A_452 = arith.select %ge3A_447, %broadcast_in_dim3A_450, %broadcast_in_dim3A_451 : vector<16xi1>, vector<16xi32>
        %add3A_453 = arith.addi %add3A_306, %select_n3A_452 : vector<16xi32>
        %gather3A_454 = tpu.vector_load_idx %arg7[%add3A_453] : memref<32768xf32, #tpu.memory_space<vmem>>[vector<16xi32>], vector<16xf32>,
        %sub3A_455 = arith.subf %gather3A_454, %get3A_82 : vector<16xf32>
        %mul3A_456 = arith.mulf %sub3A_455, %sub3A_455 : vector<16xf32>
        %add3A_457 = arith.addf %add3A_418, %mul3A_456 : vector<16xf32>
        %ge3A_458 = arith.constant 13 : i32
        %ge3A_459 = vector.broadcast %ge3A_458 : i32 to vector<16xi32>
        %ge3A_460 = arith.cmpi sge, %iota3A, %ge3A_459 : vector<16xi32>
        %jit3A_461 = arith.constant -13 : i32
        %jit3A_462 = arith.constant 19 : i32
        %broadcast_in_dim3A_463 = vector.broadcast %jit3A_461 : i32 to vector<16xi32>
        %broadcast_in_dim3A_464 = vector.broadcast %jit3A_462 : i32 to vector<16xi32>
        %select_n3A_465 = arith.select %ge3A_460, %broadcast_in_dim3A_463, %broadcast_in_dim3A_464 : vector<16xi1>, vector<16xi32>
        %add3A_466 = arith.addi %add3A_306, %select_n3A_465 : vector<16xi32>
        %gather3A_467 = tpu.vector_load_idx %arg7[%add3A_466] : memref<32768xf32, #tpu.memory_space<vmem>>[vector<16xi32>], vector<16xf32>,
        %sub3A_468 = arith.subf %gather3A_467, %get3A_86 : vector<16xf32>
        %mul3A_469 = arith.mulf %sub3A_468, %sub3A_468 : vector<16xf32>
        %add3A_470 = arith.addf %add3A_425, %mul3A_469 : vector<16xf32>
        %ge3A_471 = arith.constant 12 : i32
        %ge3A_472 = vector.broadcast %ge3A_471 : i32 to vector<16xi32>
        %ge3A_473 = arith.cmpi sge, %iota3A, %ge3A_472 : vector<16xi32>
        %jit3A_474 = arith.constant -12 : i32
        %jit3A_475 = arith.constant 20 : i32
        %broadcast_in_dim3A_476 = vector.broadcast %jit3A_474 : i32 to vector<16xi32>
        %broadcast_in_dim3A_477 = vector.broadcast %jit3A_475 : i32 to vector<16xi32>
        %select_n3A_478 = arith.select %ge3A_473, %broadcast_in_dim3A_476, %broadcast_in_dim3A_477 : vector<16xi1>, vector<16xi32>
        %add3A_479 = arith.addi %add3A_306, %select_n3A_478 : vector<16xi32>
        %gather3A_480 = tpu.vector_load_idx %arg7[%add3A_479] : memref<32768xf32, #tpu.memory_space<vmem>>[vector<16xi32>], vector<16xf32>,
        %sub3A_481 = arith.subf %gather3A_480, %get3A_90 : vector<16xf32>
        %mul3A_482 = arith.mulf %sub3A_481, %sub3A_481 : vector<16xf32>
        %add3A_483 = arith.addf %add3A_432, %mul3A_482 : vector<16xf32>
        %ge3A_484 = arith.constant 11 : i32
        %ge3A_485 = vector.broadcast %ge3A_484 : i32 to vector<16xi32>
        %ge3A_486 = arith.cmpi sge, %iota3A, %ge3A_485 : vector<16xi32>
        %jit3A_487 = arith.constant -11 : i32
        %jit3A_488 = arith.constant 21 : i32
        %broadcast_in_dim3A_489 = vector.broadcast %jit3A_487 : i32 to vector<16xi32>
        %broadcast_in_dim3A_490 = vector.broadcast %jit3A_488 : i32 to vector<16xi32>
        %select_n3A_491 = arith.select %ge3A_486, %broadcast_in_dim3A_489, %broadcast_in_dim3A_490 : vector<16xi1>, vector<16xi32>
        %add3A_492 = arith.addi %add3A_306, %select_n3A_491 : vector<16xi32>
        %gather3A_493 = tpu.vector_load_idx %arg7[%add3A_492] : memref<32768xf32, #tpu.memory_space<vmem>>[vector<16xi32>], vector<16xf32>,
        %sub3A_494 = arith.subf %gather3A_493, %get3A_94 : vector<16xf32>
        %mul3A_495 = arith.mulf %sub3A_494, %sub3A_494 : vector<16xf32>
        %add3A_496 = arith.addf %add3A_444, %mul3A_495 : vector<16xf32>
        %ge3A_497 = arith.constant 10 : i32
        %ge3A_498 = vector.broadcast %ge3A_497 : i32 to vector<16xi32>
        %ge3A_499 = arith.cmpi sge, %iota3A, %ge3A_498 : vector<16xi32>
        %jit3A_500 = arith.constant -10 : i32
        %jit3A_501 = arith.constant 22 : i32
        %broadcast_in_dim3A_502 = vector.broadcast %jit3A_500 : i32 to vector<16xi32>
        %broadcast_in_dim3A_503 = vector.broadcast %jit3A_501 : i32 to vector<16xi32>
        %select_n3A_504 = arith.select %ge3A_499, %broadcast_in_dim3A_502, %broadcast_in_dim3A_503 : vector<16xi1>, vector<16xi32>
        %add3A_505 = arith.addi %add3A_306, %select_n3A_504 : vector<16xi32>
        %gather3A_506 = tpu.vector_load_idx %arg7[%add3A_505] : memref<32768xf32, #tpu.memory_space<vmem>>[vector<16xi32>], vector<16xf32>,
        %sub3A_507 = arith.subf %gather3A_506, %get3A_98 : vector<16xf32>
        %mul3A_508 = arith.mulf %sub3A_507, %sub3A_507 : vector<16xf32>
        %add3A_509 = arith.addf %add3A_457, %mul3A_508 : vector<16xf32>
        %ge3A_510 = arith.constant 9 : i32
        %ge3A_511 = vector.broadcast %ge3A_510 : i32 to vector<16xi32>
        %ge3A_512 = arith.cmpi sge, %iota3A, %ge3A_511 : vector<16xi32>
        %jit3A_513 = arith.constant -9 : i32
        %jit3A_514 = arith.constant 23 : i32
        %broadcast_in_dim3A_515 = vector.broadcast %jit3A_513 : i32 to vector<16xi32>
        %broadcast_in_dim3A_516 = vector.broadcast %jit3A_514 : i32 to vector<16xi32>
        %select_n3A_517 = arith.select %ge3A_512, %broadcast_in_dim3A_515, %broadcast_in_dim3A_516 : vector<16xi1>, vector<16xi32>
        %add3A_518 = arith.addi %add3A_306, %select_n3A_517 : vector<16xi32>
        %gather3A_519 = tpu.vector_load_idx %arg7[%add3A_518] : memref<32768xf32, #tpu.memory_space<vmem>>[vector<16xi32>], vector<16xf32>,
        %sub3A_520 = arith.subf %gather3A_519, %get3A_102 : vector<16xf32>
        %mul3A_521 = arith.mulf %sub3A_520, %sub3A_520 : vector<16xf32>
        %add3A_522 = arith.addf %add3A_470, %mul3A_521 : vector<16xf32>
        %ge3A_523 = arith.constant 8 : i32
        %ge3A_524 = vector.broadcast %ge3A_523 : i32 to vector<16xi32>
        %ge3A_525 = arith.cmpi sge, %iota3A, %ge3A_524 : vector<16xi32>
        %jit3A_526 = arith.constant -8 : i32
        %jit3A_527 = arith.constant 24 : i32
        %broadcast_in_dim3A_528 = vector.broadcast %jit3A_526 : i32 to vector<16xi32>
        %broadcast_in_dim3A_529 = vector.broadcast %jit3A_527 : i32 to vector<16xi32>
        %select_n3A_530 = arith.select %ge3A_525, %broadcast_in_dim3A_528, %broadcast_in_dim3A_529 : vector<16xi1>, vector<16xi32>
        %add3A_531 = arith.addi %add3A_306, %select_n3A_530 : vector<16xi32>
        %gather3A_532 = tpu.vector_load_idx %arg7[%add3A_531] : memref<32768xf32, #tpu.memory_space<vmem>>[vector<16xi32>], vector<16xf32>,
        %sub3A_533 = arith.subf %gather3A_532, %get3A_106 : vector<16xf32>
        %mul3A_534 = arith.mulf %sub3A_533, %sub3A_533 : vector<16xf32>
        %add3A_535 = arith.addf %add3A_483, %mul3A_534 : vector<16xf32>
        %ge3A_536 = arith.constant 7 : i32
        %ge3A_537 = vector.broadcast %ge3A_536 : i32 to vector<16xi32>
        %ge3A_538 = arith.cmpi sge, %iota3A, %ge3A_537 : vector<16xi32>
        %jit3A_539 = arith.constant -7 : i32
        %jit3A_540 = arith.constant 25 : i32
        %broadcast_in_dim3A_541 = vector.broadcast %jit3A_539 : i32 to vector<16xi32>
        %broadcast_in_dim3A_542 = vector.broadcast %jit3A_540 : i32 to vector<16xi32>
        %select_n3A_543 = arith.select %ge3A_538, %broadcast_in_dim3A_541, %broadcast_in_dim3A_542 : vector<16xi1>, vector<16xi32>
        %add3A_544 = arith.addi %add3A_306, %select_n3A_543 : vector<16xi32>
        %gather3A_545 = tpu.vector_load_idx %arg7[%add3A_544] : memref<32768xf32, #tpu.memory_space<vmem>>[vector<16xi32>], vector<16xf32>,
        %sub3A_546 = arith.subf %gather3A_545, %get3A_110 : vector<16xf32>
        %mul3A_547 = arith.mulf %sub3A_546, %sub3A_546 : vector<16xf32>
        %add3A_548 = arith.addf %add3A_496, %mul3A_547 : vector<16xf32>
        %ge3A_549 = arith.constant 6 : i32
        %ge3A_550 = vector.broadcast %ge3A_549 : i32 to vector<16xi32>
        %ge3A_551 = arith.cmpi sge, %iota3A, %ge3A_550 : vector<16xi32>
        %jit3A_552 = arith.constant -6 : i32
        %jit3A_553 = arith.constant 26 : i32
        %broadcast_in_dim3A_554 = vector.broadcast %jit3A_552 : i32 to vector<16xi32>
        %broadcast_in_dim3A_555 = vector.broadcast %jit3A_553 : i32 to vector<16xi32>
        %select_n3A_556 = arith.select %ge3A_551, %broadcast_in_dim3A_554, %broadcast_in_dim3A_555 : vector<16xi1>, vector<16xi32>
        %add3A_557 = arith.addi %add3A_306, %select_n3A_556 : vector<16xi32>
        %gather3A_558 = tpu.vector_load_idx %arg7[%add3A_557] : memref<32768xf32, #tpu.memory_space<vmem>>[vector<16xi32>], vector<16xf32>,
        %sub3A_559 = arith.subf %gather3A_558, %get3A_114 : vector<16xf32>
        %mul3A_560 = arith.mulf %sub3A_559, %sub3A_559 : vector<16xf32>
        %add3A_561 = arith.addf %add3A_509, %mul3A_560 : vector<16xf32>
        %ge3A_562 = arith.constant 5 : i32
        %ge3A_563 = vector.broadcast %ge3A_562 : i32 to vector<16xi32>
        %ge3A_564 = arith.cmpi sge, %iota3A, %ge3A_563 : vector<16xi32>
        %jit3A_565 = arith.constant -5 : i32
        %jit3A_566 = arith.constant 27 : i32
        %broadcast_in_dim3A_567 = vector.broadcast %jit3A_565 : i32 to vector<16xi32>
        %broadcast_in_dim3A_568 = vector.broadcast %jit3A_566 : i32 to vector<16xi32>
        %select_n3A_569 = arith.select %ge3A_564, %broadcast_in_dim3A_567, %broadcast_in_dim3A_568 : vector<16xi1>, vector<16xi32>
        %add3A_570 = arith.addi %add3A_306, %select_n3A_569 : vector<16xi32>
        %gather3A_571 = tpu.vector_load_idx %arg7[%add3A_570] : memref<32768xf32, #tpu.memory_space<vmem>>[vector<16xi32>], vector<16xf32>,
        %sub3A_572 = arith.subf %gather3A_571, %get3A_118 : vector<16xf32>
        %mul3A_573 = arith.mulf %sub3A_572, %sub3A_572 : vector<16xf32>
        %add3A_574 = arith.addf %add3A_522, %mul3A_573 : vector<16xf32>
        %ge3A_575 = arith.constant 4 : i32
        %ge3A_576 = vector.broadcast %ge3A_575 : i32 to vector<16xi32>
        %ge3A_577 = arith.cmpi sge, %iota3A, %ge3A_576 : vector<16xi32>
        %jit3A_578 = arith.constant -4 : i32
        %jit3A_579 = arith.constant 28 : i32
        %broadcast_in_dim3A_580 = vector.broadcast %jit3A_578 : i32 to vector<16xi32>
        %broadcast_in_dim3A_581 = vector.broadcast %jit3A_579 : i32 to vector<16xi32>
        %select_n3A_582 = arith.select %ge3A_577, %broadcast_in_dim3A_580, %broadcast_in_dim3A_581 : vector<16xi1>, vector<16xi32>
        %add3A_583 = arith.addi %add3A_306, %select_n3A_582 : vector<16xi32>
        %gather3A_584 = tpu.vector_load_idx %arg7[%add3A_583] : memref<32768xf32, #tpu.memory_space<vmem>>[vector<16xi32>], vector<16xf32>,
        %sub3A_585 = arith.subf %gather3A_584, %get3A_122 : vector<16xf32>
        %mul3A_586 = arith.mulf %sub3A_585, %sub3A_585 : vector<16xf32>
        %add3A_587 = arith.addf %add3A_535, %mul3A_586 : vector<16xf32>
        %ge3A_588 = arith.constant 3 : i32
        %ge3A_589 = vector.broadcast %ge3A_588 : i32 to vector<16xi32>
        %ge3A_590 = arith.cmpi sge, %iota3A, %ge3A_589 : vector<16xi32>
        %jit3A_591 = arith.constant -3 : i32
        %jit3A_592 = arith.constant 29 : i32
        %broadcast_in_dim3A_593 = vector.broadcast %jit3A_591 : i32 to vector<16xi32>
        %broadcast_in_dim3A_594 = vector.broadcast %jit3A_592 : i32 to vector<16xi32>
        %select_n3A_595 = arith.select %ge3A_590, %broadcast_in_dim3A_593, %broadcast_in_dim3A_594 : vector<16xi1>, vector<16xi32>
        %add3A_596 = arith.addi %add3A_306, %select_n3A_595 : vector<16xi32>
        %gather3A_597 = tpu.vector_load_idx %arg7[%add3A_596] : memref<32768xf32, #tpu.memory_space<vmem>>[vector<16xi32>], vector<16xf32>,
        %sub3A_598 = arith.subf %gather3A_597, %get3A_126 : vector<16xf32>
        %mul3A_599 = arith.mulf %sub3A_598, %sub3A_598 : vector<16xf32>
        %add3A_600 = arith.addf %add3A_548, %mul3A_599 : vector<16xf32>
        %ge3A_601 = arith.constant 2 : i32
        %ge3A_602 = vector.broadcast %ge3A_601 : i32 to vector<16xi32>
        %ge3A_603 = arith.cmpi sge, %iota3A, %ge3A_602 : vector<16xi32>
        %jit3A_604 = arith.constant -2 : i32
        %jit3A_605 = arith.constant 30 : i32
        %broadcast_in_dim3A_606 = vector.broadcast %jit3A_604 : i32 to vector<16xi32>
        %broadcast_in_dim3A_607 = vector.broadcast %jit3A_605 : i32 to vector<16xi32>
        %select_n3A_608 = arith.select %ge3A_603, %broadcast_in_dim3A_606, %broadcast_in_dim3A_607 : vector<16xi1>, vector<16xi32>
        %add3A_609 = arith.addi %add3A_306, %select_n3A_608 : vector<16xi32>
        %gather3A_610 = tpu.vector_load_idx %arg7[%add3A_609] : memref<32768xf32, #tpu.memory_space<vmem>>[vector<16xi32>], vector<16xf32>,
        %sub3A_611 = arith.subf %gather3A_610, %get3A_130 : vector<16xf32>
        %mul3A_612 = arith.mulf %sub3A_611, %sub3A_611 : vector<16xf32>
        %add3A_613 = arith.addf %add3A_561, %mul3A_612 : vector<16xf32>
        %ge3A_614 = arith.constant 1 : i32
        %ge3A_615 = vector.broadcast %ge3A_614 : i32 to vector<16xi32>
        %ge3A_616 = arith.cmpi sge, %iota3A, %ge3A_615 : vector<16xi32>
        %jit3A_617 = arith.constant -1 : i32
        %jit3A_618 = arith.constant 31 : i32
        %broadcast_in_dim3A_619 = vector.broadcast %jit3A_617 : i32 to vector<16xi32>
        %broadcast_in_dim3A_620 = vector.broadcast %jit3A_618 : i32 to vector<16xi32>
        %select_n3A_621 = arith.select %ge3A_616, %broadcast_in_dim3A_619, %broadcast_in_dim3A_620 : vector<16xi1>, vector<16xi32>
        %add3A_622 = arith.addi %add3A_306, %select_n3A_621 : vector<16xi32>
        %gather3A_623 = tpu.vector_load_idx %arg7[%add3A_622] : memref<32768xf32, #tpu.memory_space<vmem>>[vector<16xi32>], vector<16xf32>,
        %sub3A_624 = arith.subf %gather3A_623, %get3A_134 : vector<16xf32>
        %mul3A_625 = arith.mulf %sub3A_624, %sub3A_624 : vector<16xf32>
        %add3A_626 = arith.addf %add3A_574, %mul3A_625 : vector<16xf32>
        %add3A_627 = arith.addf %add3A_587, %add3A_600 : vector<16xf32>
        %add3A_628 = arith.addf %add3A_613, %add3A_626 : vector<16xf32>
        %add3A_629 = arith.addf %add3A_627, %add3A_628 : vector<16xf32>
        %lt3A = arith.constant 999999 : i32
        %lt3A_630 = vector.broadcast %lt3A : i32 to vector<16xi32>
        %lt3A_631 = arith.cmpi slt, %add3A_302, %lt3A_630 : vector<16xi32>
        %jit3A_632 = arith.constant 3.000000e+38 : f32
        %broadcast_in_dim3A_633 = vector.broadcast %jit3A_632 : f32 to vector<16xf32>
        %select_n3A_634 = arith.select %lt3A_631, %add3A_629, %broadcast_in_dim3A_633 : vector<16xi1>, vector<16xf32>
        %lt3A_635 = arith.cmpf olt, %select_n3A_634, %scan3A_296 : vector<16xf32>
        %select_n3A_636 = arith.select %lt3A_635, %select_n3A_634, %scan3A_296 : vector<16xi1>, vector<16xf32>
        %select_n3A_637 = arith.select %lt3A_635, %add3A_302, %scan3A_297 : vector<16xi1>, vector<16xi32>
        scf.yield %select_n3A_636, %select_n3A_637 : vector<16xf32>, vector<16xi32>
      }
      %scan3A_294 = arith.constant 64 : i32
      scf.yield %scan3A_293#0, %scan3A_293#1 : vector<16xf32>, vector<16xi32>
    }
    %scan3A_148 = arith.constant 16 : i32
    %sub3A_149 = arith.constant 1024 : i32
    %sub3A_150 = arith.subi %select_n3A, %sub3A_149 : i32
    %min3A_151 = arith.constant 31744 : i32
    %min3A_152 = arith.minsi %min3A_151, %sub3A_150 : i32
    %add3A_153 = arith.addi %mul3A_2, %min3A_152 : i32
    %mul3A_154 = arith.constant 32 : i32
    %mul3A_155 = arith.muli %add3A_153, %mul3A_154 : i32
    %dma_wait3A = tpu.memref_slice %arg3[%mul3A_155] : memref<32000000xf32, #tpu.memory_space<hbm>> -> memref<32768xf32, #tpu.memory_space<hbm>>
    %dma_wait3A_156 = tpu.memref_slice %arg3[%mul3A_155] : memref<32000000xf32, #tpu.memory_space<hbm>> -> memref<32768xf32, #tpu.memory_space<hbm>>
    tpu.wait_dma2 semaphore(%arg11 : memref<!tpu.dma_semaphore, #tpu.memory_space<semaphore_mem>>) src(%dma_wait3A_156 : memref<32768xf32, #tpu.memory_space<hbm>>) dst(%arg6 : memref<32768xf32, #tpu.memory_space<vmem>>)
    %swap3A = arith.constant 0 : index
    %swap3A_157 = tpu.vector_load %arg9[%swap3A] {strides = array<i32>} : memref<128xf32, #tpu.memory_space<vmem>>, vector<16xf32>,
    tpu.vector_store %arg9[%swap3A], %scan3A_147#0 {strides = array<i32>} : memref<128xf32, #tpu.memory_space<vmem>>, vector<16xf32>,
    %swap3A_158 = arith.constant 0 : index
    %swap3A_159 = tpu.vector_load %arg10[%swap3A_158] {strides = array<i32>} : memref<128xi32, #tpu.memory_space<vmem>>, vector<16xi32>,
    tpu.vector_store %arg10[%swap3A_158], %scan3A_147#1 {strides = array<i32>} : memref<128xi32, #tpu.memory_space<vmem>>, vector<16xi32>,
    %broadcast_in_dim3A_160 = arith.constant 3.000000e+38 : f32
    %broadcast_in_dim3A_161 = vector.broadcast %broadcast_in_dim3A_160 : f32 to vector<16xf32>
    %swap3A_162 = arith.constant 16 : index
    %swap3A_163 = tpu.vector_load %arg9[%swap3A_162] {strides = array<i32>} : memref<128xf32, #tpu.memory_space<vmem>>, vector<16xf32>,
    tpu.vector_store %arg9[%swap3A_162], %broadcast_in_dim3A_161 {strides = array<i32>} : memref<128xf32, #tpu.memory_space<vmem>>, vector<16xf32>,
    %broadcast_in_dim3A_164 = arith.constant 1000000 : i32
    %broadcast_in_dim3A_165 = vector.broadcast %broadcast_in_dim3A_164 : i32 to vector<16xi32>
    %swap3A_166 = arith.constant 16 : index
    %swap3A_167 = tpu.vector_load %arg10[%swap3A_166] {strides = array<i32>} : memref<128xi32, #tpu.memory_space<vmem>>, vector<16xi32>,
    tpu.vector_store %arg10[%swap3A_166], %broadcast_in_dim3A_165 {strides = array<i32>} : memref<128xi32, #tpu.memory_space<vmem>>, vector<16xi32>,
    %broadcast_in_dim3A_168 = arith.constant 3.000000e+38 : f32
    %broadcast_in_dim3A_169 = vector.broadcast %broadcast_in_dim3A_168 : f32 to vector<16xf32>
    %swap3A_170 = arith.constant 32 : index
    %swap3A_171 = tpu.vector_load %arg9[%swap3A_170] {strides = array<i32>} : memref<128xf32, #tpu.memory_space<vmem>>, vector<16xf32>,
    tpu.vector_store %arg9[%swap3A_170], %broadcast_in_dim3A_169 {strides = array<i32>} : memref<128xf32, #tpu.memory_space<vmem>>, vector<16xf32>,
    %broadcast_in_dim3A_172 = arith.constant 1000000 : i32
    %broadcast_in_dim3A_173 = vector.broadcast %broadcast_in_dim3A_172 : i32 to vector<16xi32>
    %swap3A_174 = arith.constant 32 : index
    %swap3A_175 = tpu.vector_load %arg10[%swap3A_174] {strides = array<i32>} : memref<128xi32, #tpu.memory_space<vmem>>, vector<16xi32>,
    tpu.vector_store %arg10[%swap3A_174], %broadcast_in_dim3A_173 {strides = array<i32>} : memref<128xi32, #tpu.memory_space<vmem>>, vector<16xi32>,
    %broadcast_in_dim3A_176 = arith.constant 3.000000e+38 : f32
    %broadcast_in_dim3A_177 = vector.broadcast %broadcast_in_dim3A_176 : f32 to vector<16xf32>
    %swap3A_178 = arith.constant 48 : index
    %swap3A_179 = tpu.vector_load %arg9[%swap3A_178] {strides = array<i32>} : memref<128xf32, #tpu.memory_space<vmem>>, vector<16xf32>,
    tpu.vector_store %arg9[%swap3A_178], %broadcast_in_dim3A_177 {strides = array<i32>} : memref<128xf32, #tpu.memory_space<vmem>>, vector<16xf32>,
    %broadcast_in_dim3A_180 = arith.constant 1000000 : i32
    %broadcast_in_dim3A_181 = vector.broadcast %broadcast_in_dim3A_180 : i32 to vector<16xi32>
    %swap3A_182 = arith.constant 48 : index
    %swap3A_183 = tpu.vector_load %arg10[%swap3A_182] {strides = array<i32>} : memref<128xi32, #tpu.memory_space<vmem>>, vector<16xi32>,
    tpu.vector_store %arg10[%swap3A_182], %broadcast_in_dim3A_181 {strides = array<i32>} : memref<128xi32, #tpu.memory_space<vmem>>, vector<16xi32>,
    %broadcast_in_dim3A_184 = arith.constant 3.000000e+38 : f32
    %broadcast_in_dim3A_185 = vector.broadcast %broadcast_in_dim3A_184 : f32 to vector<16xf32>
    %swap3A_186 = arith.constant 64 : index
    %swap3A_187 = tpu.vector_load %arg9[%swap3A_186] {strides = array<i32>} : memref<128xf32, #tpu.memory_space<vmem>>, vector<16xf32>,
    tpu.vector_store %arg9[%swap3A_186], %broadcast_in_dim3A_185 {strides = array<i32>} : memref<128xf32, #tpu.memory_space<vmem>>, vector<16xf32>,
    %broadcast_in_dim3A_188 = arith.constant 1000000 : i32
    %broadcast_in_dim3A_189 = vector.broadcast %broadcast_in_dim3A_188 : i32 to vector<16xi32>
    %swap3A_190 = arith.constant 64 : index
    %swap3A_191 = tpu.vector_load %arg10[%swap3A_190] {strides = array<i32>} : memref<128xi32, #tpu.memory_space<vmem>>, vector<16xi32>,
    tpu.vector_store %arg10[%swap3A_190], %broadcast_in_dim3A_189 {strides = array<i32>} : memref<128xi32, #tpu.memory_space<vmem>>, vector<16xi32>,
    %broadcast_in_dim3A_192 = arith.constant 3.000000e+38 : f32
    %broadcast_in_dim3A_193 = vector.broadcast %broadcast_in_dim3A_192 : f32 to vector<16xf32>
    %swap3A_194 = arith.constant 80 : index
    %swap3A_195 = tpu.vector_load %arg9[%swap3A_194] {strides = array<i32>} : memref<128xf32, #tpu.memory_space<vmem>>, vector<16xf32>,
    tpu.vector_store %arg9[%swap3A_194], %broadcast_in_dim3A_193 {strides = array<i32>} : memref<128xf32, #tpu.memory_space<vmem>>, vector<16xf32>,
    %broadcast_in_dim3A_196 = arith.constant 1000000 : i32
    %broadcast_in_dim3A_197 = vector.broadcast %broadcast_in_dim3A_196 : i32 to vector<16xi32>
    %swap3A_198 = arith.constant 80 : index
    %swap3A_199 = tpu.vector_load %arg10[%swap3A_198] {strides = array<i32>} : memref<128xi32, #tpu.memory_space<vmem>>, vector<16xi32>,
    tpu.vector_store %arg10[%swap3A_198], %broadcast_in_dim3A_197 {strides = array<i32>} : memref<128xi32, #tpu.memory_space<vmem>>, vector<16xi32>,
    %broadcast_in_dim3A_200 = arith.constant 3.000000e+38 : f32
    %broadcast_in_dim3A_201 = vector.broadcast %broadcast_in_dim3A_200 : f32 to vector<16xf32>
    %swap3A_202 = arith.constant 96 : index
    %swap3A_203 = tpu.vector_load %arg9[%swap3A_202] {strides = array<i32>} : memref<128xf32, #tpu.memory_space<vmem>>, vector<16xf32>,
    tpu.vector_store %arg9[%swap3A_202], %broadcast_in_dim3A_201 {strides = array<i32>} : memref<128xf32, #tpu.memory_space<vmem>>, vector<16xf32>,
    %broadcast_in_dim3A_204 = arith.constant 1000000 : i32
    %broadcast_in_dim3A_205 = vector.broadcast %broadcast_in_dim3A_204 : i32 to vector<16xi32>
    %swap3A_206 = arith.constant 96 : index
    %swap3A_207 = tpu.vector_load %arg10[%swap3A_206] {strides = array<i32>} : memref<128xi32, #tpu.memory_space<vmem>>, vector<16xi32>,
    tpu.vector_store %arg10[%swap3A_206], %broadcast_in_dim3A_205 {strides = array<i32>} : memref<128xi32, #tpu.memory_space<vmem>>, vector<16xi32>,
    %broadcast_in_dim3A_208 = arith.constant 3.000000e+38 : f32
    %broadcast_in_dim3A_209 = vector.broadcast %broadcast_in_dim3A_208 : f32 to vector<16xf32>
    %swap3A_210 = arith.constant 112 : index
    %swap3A_211 = tpu.vector_load %arg9[%swap3A_210] {strides = array<i32>} : memref<128xf32, #tpu.memory_space<vmem>>, vector<16xf32>,
    tpu.vector_store %arg9[%swap3A_210], %broadcast_in_dim3A_209 {strides = array<i32>} : memref<128xf32, #tpu.memory_space<vmem>>, vector<16xf32>,
    %broadcast_in_dim3A_212 = arith.constant 1000000 : i32
    %broadcast_in_dim3A_213 = vector.broadcast %broadcast_in_dim3A_212 : i32 to vector<16xi32>
    %swap3A_214 = arith.constant 112 : index
    %swap3A_215 = tpu.vector_load %arg10[%swap3A_214] {strides = array<i32>} : memref<128xi32, #tpu.memory_space<vmem>>, vector<16xi32>,
    tpu.vector_store %arg10[%swap3A_214], %broadcast_in_dim3A_213 {strides = array<i32>} : memref<128xi32, #tpu.memory_space<vmem>>, vector<16xi32>,
    "tpu.region"() ({
      %run_scoped3A = tpu.sem_alloc : memref<!tpu.dma_semaphore, #tpu.memory_space<semaphore_mem>>
      %dma_start3A_216 = arith.constant 0 : i32
      %dma_start3A_217 = tpu.memref_slice %arg4[%add3A, %dma_start3A_216] : memref<32x128xf32, #tpu.memory_space<hbm>> -> memref<1x128xf32, #tpu.memory_space<hbm>>
      %dma_start3A_218 = tpu.memref_squeeze %dma_start3A_217 : memref<1x128xf32, #tpu.memory_space<hbm>> -> memref<128xf32, #tpu.memory_space<hbm>>
      %dma_start3A_219 = arith.constant 0 : i32
      %dma_start3A_220 = tpu.memref_slice %arg4[%add3A, %dma_start3A_219] : memref<32x128xf32, #tpu.memory_space<hbm>> -> memref<1x128xf32, #tpu.memory_space<hbm>>
      %dma_start3A_221 = tpu.memref_squeeze %dma_start3A_220 : memref<1x128xf32, #tpu.memory_space<hbm>> -> memref<128xf32, #tpu.memory_space<hbm>>
      tpu.enqueue_dma source(%arg9 : memref<128xf32, #tpu.memory_space<vmem>>) target(%dma_start3A_221 : memref<128xf32, #tpu.memory_space<hbm>>) target_semaphore(%run_scoped3A : memref<!tpu.dma_semaphore, #tpu.memory_space<semaphore_mem>>)
      %dma_wait3A_222 = arith.constant 0 : i32
      %dma_wait3A_223 = tpu.memref_slice %arg4[%add3A, %dma_wait3A_222] : memref<32x128xf32, #tpu.memory_space<hbm>> -> memref<1x128xf32, #tpu.memory_space<hbm>>
      %dma_wait3A_224 = tpu.memref_squeeze %dma_wait3A_223 : memref<1x128xf32, #tpu.memory_space<hbm>> -> memref<128xf32, #tpu.memory_space<hbm>>
      %dma_wait3A_225 = arith.constant 0 : i32
      %dma_wait3A_226 = tpu.memref_slice %arg4[%add3A, %dma_wait3A_225] : memref<32x128xf32, #tpu.memory_space<hbm>> -> memref<1x128xf32, #tpu.memory_space<hbm>>
      %dma_wait3A_227 = tpu.memref_squeeze %dma_wait3A_226 : memref<1x128xf32, #tpu.memory_space<hbm>> -> memref<128xf32, #tpu.memory_space<hbm>>
      tpu.wait_dma2 semaphore(%run_scoped3A : memref<!tpu.dma_semaphore, #tpu.memory_space<semaphore_mem>>) src(%arg9 : memref<128xf32, #tpu.memory_space<vmem>>) dst(%dma_wait3A_227 : memref<128xf32, #tpu.memory_space<hbm>>)
      tpu.yield
    }) : () -> ()
    "tpu.region"() ({
      %run_scoped3A = tpu.sem_alloc : memref<!tpu.dma_semaphore, #tpu.memory_space<semaphore_mem>>
      %dma_start3A_216 = arith.constant 0 : i32
      %dma_start3A_217 = tpu.memref_slice %arg5[%add3A, %dma_start3A_216] : memref<32x128xi32, #tpu.memory_space<hbm>> -> memref<1x128xi32, #tpu.memory_space<hbm>>
      %dma_start3A_218 = tpu.memref_squeeze %dma_start3A_217 : memref<1x128xi32, #tpu.memory_space<hbm>> -> memref<128xi32, #tpu.memory_space<hbm>>
      %dma_start3A_219 = arith.constant 0 : i32
      %dma_start3A_220 = tpu.memref_slice %arg5[%add3A, %dma_start3A_219] : memref<32x128xi32, #tpu.memory_space<hbm>> -> memref<1x128xi32, #tpu.memory_space<hbm>>
      %dma_start3A_221 = tpu.memref_squeeze %dma_start3A_220 : memref<1x128xi32, #tpu.memory_space<hbm>> -> memref<128xi32, #tpu.memory_space<hbm>>
      tpu.enqueue_dma source(%arg10 : memref<128xi32, #tpu.memory_space<vmem>>) target(%dma_start3A_221 : memref<128xi32, #tpu.memory_space<hbm>>) target_semaphore(%run_scoped3A : memref<!tpu.dma_semaphore, #tpu.memory_space<semaphore_mem>>)
      %dma_wait3A_222 = arith.constant 0 : i32
      %dma_wait3A_223 = tpu.memref_slice %arg5[%add3A, %dma_wait3A_222] : memref<32x128xi32, #tpu.memory_space<hbm>> -> memref<1x128xi32, #tpu.memory_space<hbm>>
      %dma_wait3A_224 = tpu.memref_squeeze %dma_wait3A_223 : memref<1x128xi32, #tpu.memory_space<hbm>> -> memref<128xi32, #tpu.memory_space<hbm>>
      %dma_wait3A_225 = arith.constant 0 : i32
      %dma_wait3A_226 = tpu.memref_slice %arg5[%add3A, %dma_wait3A_225] : memref<32x128xi32, #tpu.memory_space<hbm>> -> memref<1x128xi32, #tpu.memory_space<hbm>>
      %dma_wait3A_227 = tpu.memref_squeeze %dma_wait3A_226 : memref<1x128xi32, #tpu.memory_space<hbm>> -> memref<128xi32, #tpu.memory_space<hbm>>
      tpu.wait_dma2 semaphore(%run_scoped3A : memref<!tpu.dma_semaphore, #tpu.memory_space<semaphore_mem>>) src(%arg10 : memref<128xi32, #tpu.memory_space<vmem>>) dst(%dma_wait3A_227 : memref<128xi32, #tpu.memory_space<hbm>>)
      tpu.yield
    }) : () -> ()
    return
  }
}

module attributes {stable_mosaic.version = 14 : i64} {
  func.func @_tc_merge_body(%arg0: memref<32x128xf32, #tpu.memory_space<vmem>>, %arg1: memref<32x128xi32, #tpu.memory_space<vmem>>, %arg2: memref<1x1xi32, #tpu.memory_space<smem>>, %arg3: memref<1x1xf32, #tpu.memory_space<smem>>) attributes {dimension_semantics = [], scalar_prefetch = 0 : i64, scratch_operands = 0 : i64, tpu.core_type = #tpu.core_type<tc>} {
    %get3A = arith.constant 0 : index
    %get3A_0 = arith.constant 0 : index
    %get3A_1 = vector.load %arg0[%get3A, %get3A_0] : memref<32x128xf32, #tpu.memory_space<vmem>>, vector<32x128xf32>
    %get3A_2 = arith.constant 0 : index
    %get3A_3 = arith.constant 0 : index
    %get3A_4 = vector.load %arg1[%get3A_2, %get3A_3] : memref<32x128xi32, #tpu.memory_space<vmem>>, vector<32x128xi32>
    %reduce_min3A = vector.shape_cast %get3A_1 : vector<32x128xf32> to vector<1x32x128xf32>
    %reduce_min3A_5 = arith.constant dense<0x7F800000> : vector<1xf32>
    %reduce_min3A_6 = vector.multi_reduction <minimumf>, %reduce_min3A, %reduce_min3A_5 [1, 2] : vector<1x32x128xf32> to vector<1xf32>
    %reduce_min3A_7 = vector.shape_cast %reduce_min3A_6 : vector<1xf32> to vector<1x1x1xf32>
    %reduce_min3A_8 = vector.extract %reduce_min3A_7[0, 0, 0] : f32 from vector<1x1x1xf32>
    %eq3A = vector.broadcast %reduce_min3A_8 : f32 to vector<32x128xf32>
    %eq3A_9 = arith.cmpf oeq, %get3A_1, %eq3A : vector<32x128xf32>
    %jit3A = arith.constant 1000000 : i32
    %broadcast_in_dim3A = vector.broadcast %jit3A : i32 to vector<32x128xi32>
    %select_n3A = arith.select %eq3A_9, %get3A_4, %broadcast_in_dim3A : vector<32x128xi1>, vector<32x128xi32>
    %reduce_min3A_10 = vector.shape_cast %select_n3A : vector<32x128xi32> to vector<1x32x128xi32>
    %reduce_min3A_11 = arith.constant dense<2147483647> : vector<1xi32>
    %reduce_min3A_12 = vector.multi_reduction <minsi>, %reduce_min3A_10, %reduce_min3A_11 [1, 2] : vector<1x32x128xi32> to vector<1xi32>
    %reduce_min3A_13 = vector.shape_cast %reduce_min3A_12 : vector<1xi32> to vector<1x1x1xi32>
    %reduce_min3A_14 = vector.extract %reduce_min3A_13[0, 0, 0] : i32 from vector<1x1x1xi32>
    %swap3A = arith.constant 0 : index
    %swap3A_15 = arith.constant 0 : index
    %swap3A_16 = memref.load %arg2[%swap3A, %swap3A_15] : memref<1x1xi32, #tpu.memory_space<smem>>
    memref.store %reduce_min3A_14, %arg2[%swap3A, %swap3A_15] : memref<1x1xi32, #tpu.memory_space<smem>>
    %sqrt3A = math.sqrt %reduce_min3A_8 : f32
    %swap3A_17 = arith.constant 0 : index
    %swap3A_18 = arith.constant 0 : index
    %swap3A_19 = memref.load %arg3[%swap3A_17, %swap3A_18] : memref<1x1xf32, #tpu.memory_space<smem>>
    memref.store %sqrt3A, %arg3[%swap3A_17, %swap3A_18] : memref<1x1xf32, #tpu.memory_space<smem>>
    return
  }
}

module attributes {stable_mosaic.version = 14 : i64} {
  func.func @_tc_kmeans_body(%arg0: memref<32xi32, #tpu.memory_space<smem>>, %arg1: memref<32x1xi32, #tpu.memory_space<vmem>>, %arg2: memref<32000000xf32, #tpu.memory_space<any>>, %arg3: memref<32x128xf32, #tpu.memory_space<vmem>>, %arg4: memref<1x1xi32, #tpu.memory_space<smem>>, %arg5: memref<32x128xf32, #tpu.memory_space<vmem>>, %arg6: memref<!tpu.dma_semaphore, #tpu.memory_space<semaphore_mem>>) attributes {dimension_semantics = [], scalar_prefetch = 0 : i64, scratch_operands = 2 : i64, tpu.core_type = #tpu.core_type<tc>} {
    %get3A = arith.constant 0 : index
    %get3A_0 = memref.load %arg0[%get3A] : memref<32xi32, #tpu.memory_space<smem>>
    %mul3A = arith.constant 128 : i32
    %mul3A_1 = arith.muli %get3A_0, %mul3A : i32
    %get3A_2 = arith.constant 1 : index
    %get3A_3 = memref.load %arg0[%get3A_2] : memref<32xi32, #tpu.memory_space<smem>>
    %mul3A_4 = arith.constant 128 : i32
    %mul3A_5 = arith.muli %get3A_3, %mul3A_4 : i32
    %get3A_6 = arith.constant 2 : index
    %get3A_7 = memref.load %arg0[%get3A_6] : memref<32xi32, #tpu.memory_space<smem>>
    %mul3A_8 = arith.constant 128 : i32
    %mul3A_9 = arith.muli %get3A_7, %mul3A_8 : i32
    %get3A_10 = arith.constant 3 : index
    %get3A_11 = memref.load %arg0[%get3A_10] : memref<32xi32, #tpu.memory_space<smem>>
    %mul3A_12 = arith.constant 128 : i32
    %mul3A_13 = arith.muli %get3A_11, %mul3A_12 : i32
    %get3A_14 = arith.constant 4 : index
    %get3A_15 = memref.load %arg0[%get3A_14] : memref<32xi32, #tpu.memory_space<smem>>
    %mul3A_16 = arith.constant 128 : i32
    %mul3A_17 = arith.muli %get3A_15, %mul3A_16 : i32
    %get3A_18 = arith.constant 5 : index
    %get3A_19 = memref.load %arg0[%get3A_18] : memref<32xi32, #tpu.memory_space<smem>>
    %mul3A_20 = arith.constant 128 : i32
    %mul3A_21 = arith.muli %get3A_19, %mul3A_20 : i32
    %get3A_22 = arith.constant 6 : index
    %get3A_23 = memref.load %arg0[%get3A_22] : memref<32xi32, #tpu.memory_space<smem>>
    %mul3A_24 = arith.constant 128 : i32
    %mul3A_25 = arith.muli %get3A_23, %mul3A_24 : i32
    %get3A_26 = arith.constant 7 : index
    %get3A_27 = memref.load %arg0[%get3A_26] : memref<32xi32, #tpu.memory_space<smem>>
    %mul3A_28 = arith.constant 128 : i32
    %mul3A_29 = arith.muli %get3A_27, %mul3A_28 : i32
    %get3A_30 = arith.constant 8 : index
    %get3A_31 = memref.load %arg0[%get3A_30] : memref<32xi32, #tpu.memory_space<smem>>
    %mul3A_32 = arith.constant 128 : i32
    %mul3A_33 = arith.muli %get3A_31, %mul3A_32 : i32
    %get3A_34 = arith.constant 9 : index
    %get3A_35 = memref.load %arg0[%get3A_34] : memref<32xi32, #tpu.memory_space<smem>>
    %mul3A_36 = arith.constant 128 : i32
    %mul3A_37 = arith.muli %get3A_35, %mul3A_36 : i32
    %get3A_38 = arith.constant 10 : index
    %get3A_39 = memref.load %arg0[%get3A_38] : memref<32xi32, #tpu.memory_space<smem>>
    %mul3A_40 = arith.constant 128 : i32
    %mul3A_41 = arith.muli %get3A_39, %mul3A_40 : i32
    %get3A_42 = arith.constant 11 : index
    %get3A_43 = memref.load %arg0[%get3A_42] : memref<32xi32, #tpu.memory_space<smem>>
    %mul3A_44 = arith.constant 128 : i32
    %mul3A_45 = arith.muli %get3A_43, %mul3A_44 : i32
    %get3A_46 = arith.constant 12 : index
    %get3A_47 = memref.load %arg0[%get3A_46] : memref<32xi32, #tpu.memory_space<smem>>
    %mul3A_48 = arith.constant 128 : i32
    %mul3A_49 = arith.muli %get3A_47, %mul3A_48 : i32
    %get3A_50 = arith.constant 13 : index
    %get3A_51 = memref.load %arg0[%get3A_50] : memref<32xi32, #tpu.memory_space<smem>>
    %mul3A_52 = arith.constant 128 : i32
    %mul3A_53 = arith.muli %get3A_51, %mul3A_52 : i32
    %get3A_54 = arith.constant 14 : index
    %get3A_55 = memref.load %arg0[%get3A_54] : memref<32xi32, #tpu.memory_space<smem>>
    %mul3A_56 = arith.constant 128 : i32
    %mul3A_57 = arith.muli %get3A_55, %mul3A_56 : i32
    %get3A_58 = arith.constant 15 : index
    %get3A_59 = memref.load %arg0[%get3A_58] : memref<32xi32, #tpu.memory_space<smem>>
    %mul3A_60 = arith.constant 128 : i32
    %mul3A_61 = arith.muli %get3A_59, %mul3A_60 : i32
    %get3A_62 = arith.constant 16 : index
    %get3A_63 = memref.load %arg0[%get3A_62] : memref<32xi32, #tpu.memory_space<smem>>
    %mul3A_64 = arith.constant 128 : i32
    %mul3A_65 = arith.muli %get3A_63, %mul3A_64 : i32
    %get3A_66 = arith.constant 17 : index
    %get3A_67 = memref.load %arg0[%get3A_66] : memref<32xi32, #tpu.memory_space<smem>>
    %mul3A_68 = arith.constant 128 : i32
    %mul3A_69 = arith.muli %get3A_67, %mul3A_68 : i32
    %get3A_70 = arith.constant 18 : index
    %get3A_71 = memref.load %arg0[%get3A_70] : memref<32xi32, #tpu.memory_space<smem>>
    %mul3A_72 = arith.constant 128 : i32
    %mul3A_73 = arith.muli %get3A_71, %mul3A_72 : i32
    %get3A_74 = arith.constant 19 : index
    %get3A_75 = memref.load %arg0[%get3A_74] : memref<32xi32, #tpu.memory_space<smem>>
    %mul3A_76 = arith.constant 128 : i32
    %mul3A_77 = arith.muli %get3A_75, %mul3A_76 : i32
    %get3A_78 = arith.constant 20 : index
    %get3A_79 = memref.load %arg0[%get3A_78] : memref<32xi32, #tpu.memory_space<smem>>
    %mul3A_80 = arith.constant 128 : i32
    %mul3A_81 = arith.muli %get3A_79, %mul3A_80 : i32
    %get3A_82 = arith.constant 21 : index
    %get3A_83 = memref.load %arg0[%get3A_82] : memref<32xi32, #tpu.memory_space<smem>>
    %mul3A_84 = arith.constant 128 : i32
    %mul3A_85 = arith.muli %get3A_83, %mul3A_84 : i32
    %get3A_86 = arith.constant 22 : index
    %get3A_87 = memref.load %arg0[%get3A_86] : memref<32xi32, #tpu.memory_space<smem>>
    %mul3A_88 = arith.constant 128 : i32
    %mul3A_89 = arith.muli %get3A_87, %mul3A_88 : i32
    %get3A_90 = arith.constant 23 : index
    %get3A_91 = memref.load %arg0[%get3A_90] : memref<32xi32, #tpu.memory_space<smem>>
    %mul3A_92 = arith.constant 128 : i32
    %mul3A_93 = arith.muli %get3A_91, %mul3A_92 : i32
    %get3A_94 = arith.constant 24 : index
    %get3A_95 = memref.load %arg0[%get3A_94] : memref<32xi32, #tpu.memory_space<smem>>
    %mul3A_96 = arith.constant 128 : i32
    %mul3A_97 = arith.muli %get3A_95, %mul3A_96 : i32
    %dma_start3A = arith.constant 0 : i32
    %dma_start3A_98 = arith.constant 0 : i32
    %dma_start3A_99 = tpu.memref_slice %arg5[%dma_start3A, %dma_start3A_98] : memref<32x128xf32, #tpu.memory_space<vmem>> -> memref<1x128xf32, #tpu.memory_space<vmem>>
    %dma_start3A_100 = tpu.memref_squeeze %dma_start3A_99 : memref<1x128xf32, #tpu.memory_space<vmem>> -> memref<128xf32, #tpu.memory_space<vmem>>
    %dma_start3A_101 = tpu.memref_slice %arg2[%mul3A_1] : memref<32000000xf32, #tpu.memory_space<any>> -> memref<128xf32, #tpu.memory_space<any>>
    tpu.enqueue_dma source(%dma_start3A_101 : memref<128xf32, #tpu.memory_space<any>>) target(%dma_start3A_100 : memref<128xf32, #tpu.memory_space<vmem>>) target_semaphore(%arg6 : memref<!tpu.dma_semaphore, #tpu.memory_space<semaphore_mem>>)
    %dma_start3A_102 = arith.constant 1 : i32
    %dma_start3A_103 = arith.constant 0 : i32
    %dma_start3A_104 = tpu.memref_slice %arg5[%dma_start3A_102, %dma_start3A_103] : memref<32x128xf32, #tpu.memory_space<vmem>> -> memref<1x128xf32, #tpu.memory_space<vmem>>
    %dma_start3A_105 = tpu.memref_squeeze %dma_start3A_104 : memref<1x128xf32, #tpu.memory_space<vmem>> -> memref<128xf32, #tpu.memory_space<vmem>>
    %dma_start3A_106 = tpu.memref_slice %arg2[%mul3A_5] : memref<32000000xf32, #tpu.memory_space<any>> -> memref<128xf32, #tpu.memory_space<any>>
    tpu.enqueue_dma source(%dma_start3A_106 : memref<128xf32, #tpu.memory_space<any>>) target(%dma_start3A_105 : memref<128xf32, #tpu.memory_space<vmem>>) target_semaphore(%arg6 : memref<!tpu.dma_semaphore, #tpu.memory_space<semaphore_mem>>)
    %dma_start3A_107 = arith.constant 2 : i32
    %dma_start3A_108 = arith.constant 0 : i32
    %dma_start3A_109 = tpu.memref_slice %arg5[%dma_start3A_107, %dma_start3A_108] : memref<32x128xf32, #tpu.memory_space<vmem>> -> memref<1x128xf32, #tpu.memory_space<vmem>>
    %dma_start3A_110 = tpu.memref_squeeze %dma_start3A_109 : memref<1x128xf32, #tpu.memory_space<vmem>> -> memref<128xf32, #tpu.memory_space<vmem>>
    %dma_start3A_111 = tpu.memref_slice %arg2[%mul3A_9] : memref<32000000xf32, #tpu.memory_space<any>> -> memref<128xf32, #tpu.memory_space<any>>
    tpu.enqueue_dma source(%dma_start3A_111 : memref<128xf32, #tpu.memory_space<any>>) target(%dma_start3A_110 : memref<128xf32, #tpu.memory_space<vmem>>) target_semaphore(%arg6 : memref<!tpu.dma_semaphore, #tpu.memory_space<semaphore_mem>>)
    %dma_start3A_112 = arith.constant 3 : i32
    %dma_start3A_113 = arith.constant 0 : i32
    %dma_start3A_114 = tpu.memref_slice %arg5[%dma_start3A_112, %dma_start3A_113] : memref<32x128xf32, #tpu.memory_space<vmem>> -> memref<1x128xf32, #tpu.memory_space<vmem>>
    %dma_start3A_115 = tpu.memref_squeeze %dma_start3A_114 : memref<1x128xf32, #tpu.memory_space<vmem>> -> memref<128xf32, #tpu.memory_space<vmem>>
    %dma_start3A_116 = tpu.memref_slice %arg2[%mul3A_13] : memref<32000000xf32, #tpu.memory_space<any>> -> memref<128xf32, #tpu.memory_space<any>>
    tpu.enqueue_dma source(%dma_start3A_116 : memref<128xf32, #tpu.memory_space<any>>) target(%dma_start3A_115 : memref<128xf32, #tpu.memory_space<vmem>>) target_semaphore(%arg6 : memref<!tpu.dma_semaphore, #tpu.memory_space<semaphore_mem>>)
    %dma_start3A_117 = arith.constant 4 : i32
    %dma_start3A_118 = arith.constant 0 : i32
    %dma_start3A_119 = tpu.memref_slice %arg5[%dma_start3A_117, %dma_start3A_118] : memref<32x128xf32, #tpu.memory_space<vmem>> -> memref<1x128xf32, #tpu.memory_space<vmem>>
    %dma_start3A_120 = tpu.memref_squeeze %dma_start3A_119 : memref<1x128xf32, #tpu.memory_space<vmem>> -> memref<128xf32, #tpu.memory_space<vmem>>
    %dma_start3A_121 = tpu.memref_slice %arg2[%mul3A_17] : memref<32000000xf32, #tpu.memory_space<any>> -> memref<128xf32, #tpu.memory_space<any>>
    tpu.enqueue_dma source(%dma_start3A_121 : memref<128xf32, #tpu.memory_space<any>>) target(%dma_start3A_120 : memref<128xf32, #tpu.memory_space<vmem>>) target_semaphore(%arg6 : memref<!tpu.dma_semaphore, #tpu.memory_space<semaphore_mem>>)
    %dma_start3A_122 = arith.constant 5 : i32
    %dma_start3A_123 = arith.constant 0 : i32
    %dma_start3A_124 = tpu.memref_slice %arg5[%dma_start3A_122, %dma_start3A_123] : memref<32x128xf32, #tpu.memory_space<vmem>> -> memref<1x128xf32, #tpu.memory_space<vmem>>
    %dma_start3A_125 = tpu.memref_squeeze %dma_start3A_124 : memref<1x128xf32, #tpu.memory_space<vmem>> -> memref<128xf32, #tpu.memory_space<vmem>>
    %dma_start3A_126 = tpu.memref_slice %arg2[%mul3A_21] : memref<32000000xf32, #tpu.memory_space<any>> -> memref<128xf32, #tpu.memory_space<any>>
    tpu.enqueue_dma source(%dma_start3A_126 : memref<128xf32, #tpu.memory_space<any>>) target(%dma_start3A_125 : memref<128xf32, #tpu.memory_space<vmem>>) target_semaphore(%arg6 : memref<!tpu.dma_semaphore, #tpu.memory_space<semaphore_mem>>)
    %dma_start3A_127 = arith.constant 6 : i32
    %dma_start3A_128 = arith.constant 0 : i32
    %dma_start3A_129 = tpu.memref_slice %arg5[%dma_start3A_127, %dma_start3A_128] : memref<32x128xf32, #tpu.memory_space<vmem>> -> memref<1x128xf32, #tpu.memory_space<vmem>>
    %dma_start3A_130 = tpu.memref_squeeze %dma_start3A_129 : memref<1x128xf32, #tpu.memory_space<vmem>> -> memref<128xf32, #tpu.memory_space<vmem>>
    %dma_start3A_131 = tpu.memref_slice %arg2[%mul3A_25] : memref<32000000xf32, #tpu.memory_space<any>> -> memref<128xf32, #tpu.memory_space<any>>
    tpu.enqueue_dma source(%dma_start3A_131 : memref<128xf32, #tpu.memory_space<any>>) target(%dma_start3A_130 : memref<128xf32, #tpu.memory_space<vmem>>) target_semaphore(%arg6 : memref<!tpu.dma_semaphore, #tpu.memory_space<semaphore_mem>>)
    %dma_start3A_132 = arith.constant 7 : i32
    %dma_start3A_133 = arith.constant 0 : i32
    %dma_start3A_134 = tpu.memref_slice %arg5[%dma_start3A_132, %dma_start3A_133] : memref<32x128xf32, #tpu.memory_space<vmem>> -> memref<1x128xf32, #tpu.memory_space<vmem>>
    %dma_start3A_135 = tpu.memref_squeeze %dma_start3A_134 : memref<1x128xf32, #tpu.memory_space<vmem>> -> memref<128xf32, #tpu.memory_space<vmem>>
    %dma_start3A_136 = tpu.memref_slice %arg2[%mul3A_29] : memref<32000000xf32, #tpu.memory_space<any>> -> memref<128xf32, #tpu.memory_space<any>>
    tpu.enqueue_dma source(%dma_start3A_136 : memref<128xf32, #tpu.memory_space<any>>) target(%dma_start3A_135 : memref<128xf32, #tpu.memory_space<vmem>>) target_semaphore(%arg6 : memref<!tpu.dma_semaphore, #tpu.memory_space<semaphore_mem>>)
    %dma_start3A_137 = arith.constant 8 : i32
    %dma_start3A_138 = arith.constant 0 : i32
    %dma_start3A_139 = tpu.memref_slice %arg5[%dma_start3A_137, %dma_start3A_138] : memref<32x128xf32, #tpu.memory_space<vmem>> -> memref<1x128xf32, #tpu.memory_space<vmem>>
    %dma_start3A_140 = tpu.memref_squeeze %dma_start3A_139 : memref<1x128xf32, #tpu.memory_space<vmem>> -> memref<128xf32, #tpu.memory_space<vmem>>
    %dma_start3A_141 = tpu.memref_slice %arg2[%mul3A_33] : memref<32000000xf32, #tpu.memory_space<any>> -> memref<128xf32, #tpu.memory_space<any>>
    tpu.enqueue_dma source(%dma_start3A_141 : memref<128xf32, #tpu.memory_space<any>>) target(%dma_start3A_140 : memref<128xf32, #tpu.memory_space<vmem>>) target_semaphore(%arg6 : memref<!tpu.dma_semaphore, #tpu.memory_space<semaphore_mem>>)
    %dma_start3A_142 = arith.constant 9 : i32
    %dma_start3A_143 = arith.constant 0 : i32
    %dma_start3A_144 = tpu.memref_slice %arg5[%dma_start3A_142, %dma_start3A_143] : memref<32x128xf32, #tpu.memory_space<vmem>> -> memref<1x128xf32, #tpu.memory_space<vmem>>
    %dma_start3A_145 = tpu.memref_squeeze %dma_start3A_144 : memref<1x128xf32, #tpu.memory_space<vmem>> -> memref<128xf32, #tpu.memory_space<vmem>>
    %dma_start3A_146 = tpu.memref_slice %arg2[%mul3A_37] : memref<32000000xf32, #tpu.memory_space<any>> -> memref<128xf32, #tpu.memory_space<any>>
    tpu.enqueue_dma source(%dma_start3A_146 : memref<128xf32, #tpu.memory_space<any>>) target(%dma_start3A_145 : memref<128xf32, #tpu.memory_space<vmem>>) target_semaphore(%arg6 : memref<!tpu.dma_semaphore, #tpu.memory_space<semaphore_mem>>)
    %dma_start3A_147 = arith.constant 10 : i32
    %dma_start3A_148 = arith.constant 0 : i32
    %dma_start3A_149 = tpu.memref_slice %arg5[%dma_start3A_147, %dma_start3A_148] : memref<32x128xf32, #tpu.memory_space<vmem>> -> memref<1x128xf32, #tpu.memory_space<vmem>>
    %dma_start3A_150 = tpu.memref_squeeze %dma_start3A_149 : memref<1x128xf32, #tpu.memory_space<vmem>> -> memref<128xf32, #tpu.memory_space<vmem>>
    %dma_start3A_151 = tpu.memref_slice %arg2[%mul3A_41] : memref<32000000xf32, #tpu.memory_space<any>> -> memref<128xf32, #tpu.memory_space<any>>
    tpu.enqueue_dma source(%dma_start3A_151 : memref<128xf32, #tpu.memory_space<any>>) target(%dma_start3A_150 : memref<128xf32, #tpu.memory_space<vmem>>) target_semaphore(%arg6 : memref<!tpu.dma_semaphore, #tpu.memory_space<semaphore_mem>>)
    %dma_start3A_152 = arith.constant 11 : i32
    %dma_start3A_153 = arith.constant 0 : i32
    %dma_start3A_154 = tpu.memref_slice %arg5[%dma_start3A_152, %dma_start3A_153] : memref<32x128xf32, #tpu.memory_space<vmem>> -> memref<1x128xf32, #tpu.memory_space<vmem>>
    %dma_start3A_155 = tpu.memref_squeeze %dma_start3A_154 : memref<1x128xf32, #tpu.memory_space<vmem>> -> memref<128xf32, #tpu.memory_space<vmem>>
    %dma_start3A_156 = tpu.memref_slice %arg2[%mul3A_45] : memref<32000000xf32, #tpu.memory_space<any>> -> memref<128xf32, #tpu.memory_space<any>>
    tpu.enqueue_dma source(%dma_start3A_156 : memref<128xf32, #tpu.memory_space<any>>) target(%dma_start3A_155 : memref<128xf32, #tpu.memory_space<vmem>>) target_semaphore(%arg6 : memref<!tpu.dma_semaphore, #tpu.memory_space<semaphore_mem>>)
    %dma_start3A_157 = arith.constant 12 : i32
    %dma_start3A_158 = arith.constant 0 : i32
    %dma_start3A_159 = tpu.memref_slice %arg5[%dma_start3A_157, %dma_start3A_158] : memref<32x128xf32, #tpu.memory_space<vmem>> -> memref<1x128xf32, #tpu.memory_space<vmem>>
    %dma_start3A_160 = tpu.memref_squeeze %dma_start3A_159 : memref<1x128xf32, #tpu.memory_space<vmem>> -> memref<128xf32, #tpu.memory_space<vmem>>
    %dma_start3A_161 = tpu.memref_slice %arg2[%mul3A_49] : memref<32000000xf32, #tpu.memory_space<any>> -> memref<128xf32, #tpu.memory_space<any>>
    tpu.enqueue_dma source(%dma_start3A_161 : memref<128xf32, #tpu.memory_space<any>>) target(%dma_start3A_160 : memref<128xf32, #tpu.memory_space<vmem>>) target_semaphore(%arg6 : memref<!tpu.dma_semaphore, #tpu.memory_space<semaphore_mem>>)
    %dma_start3A_162 = arith.constant 13 : i32
    %dma_start3A_163 = arith.constant 0 : i32
    %dma_start3A_164 = tpu.memref_slice %arg5[%dma_start3A_162, %dma_start3A_163] : memref<32x128xf32, #tpu.memory_space<vmem>> -> memref<1x128xf32, #tpu.memory_space<vmem>>
    %dma_start3A_165 = tpu.memref_squeeze %dma_start3A_164 : memref<1x128xf32, #tpu.memory_space<vmem>> -> memref<128xf32, #tpu.memory_space<vmem>>
    %dma_start3A_166 = tpu.memref_slice %arg2[%mul3A_53] : memref<32000000xf32, #tpu.memory_space<any>> -> memref<128xf32, #tpu.memory_space<any>>
    tpu.enqueue_dma source(%dma_start3A_166 : memref<128xf32, #tpu.memory_space<any>>) target(%dma_start3A_165 : memref<128xf32, #tpu.memory_space<vmem>>) target_semaphore(%arg6 : memref<!tpu.dma_semaphore, #tpu.memory_space<semaphore_mem>>)
    %dma_start3A_167 = arith.constant 14 : i32
    %dma_start3A_168 = arith.constant 0 : i32
    %dma_start3A_169 = tpu.memref_slice %arg5[%dma_start3A_167, %dma_start3A_168] : memref<32x128xf32, #tpu.memory_space<vmem>> -> memref<1x128xf32, #tpu.memory_space<vmem>>
    %dma_start3A_170 = tpu.memref_squeeze %dma_start3A_169 : memref<1x128xf32, #tpu.memory_space<vmem>> -> memref<128xf32, #tpu.memory_space<vmem>>
    %dma_start3A_171 = tpu.memref_slice %arg2[%mul3A_57] : memref<32000000xf32, #tpu.memory_space<any>> -> memref<128xf32, #tpu.memory_space<any>>
    tpu.enqueue_dma source(%dma_start3A_171 : memref<128xf32, #tpu.memory_space<any>>) target(%dma_start3A_170 : memref<128xf32, #tpu.memory_space<vmem>>) target_semaphore(%arg6 : memref<!tpu.dma_semaphore, #tpu.memory_space<semaphore_mem>>)
    %dma_start3A_172 = arith.constant 15 : i32
    %dma_start3A_173 = arith.constant 0 : i32
    %dma_start3A_174 = tpu.memref_slice %arg5[%dma_start3A_172, %dma_start3A_173] : memref<32x128xf32, #tpu.memory_space<vmem>> -> memref<1x128xf32, #tpu.memory_space<vmem>>
    %dma_start3A_175 = tpu.memref_squeeze %dma_start3A_174 : memref<1x128xf32, #tpu.memory_space<vmem>> -> memref<128xf32, #tpu.memory_space<vmem>>
    %dma_start3A_176 = tpu.memref_slice %arg2[%mul3A_61] : memref<32000000xf32, #tpu.memory_space<any>> -> memref<128xf32, #tpu.memory_space<any>>
    tpu.enqueue_dma source(%dma_start3A_176 : memref<128xf32, #tpu.memory_space<any>>) target(%dma_start3A_175 : memref<128xf32, #tpu.memory_space<vmem>>) target_semaphore(%arg6 : memref<!tpu.dma_semaphore, #tpu.memory_space<semaphore_mem>>)
    %dma_start3A_177 = arith.constant 16 : i32
    %dma_start3A_178 = arith.constant 0 : i32
    %dma_start3A_179 = tpu.memref_slice %arg5[%dma_start3A_177, %dma_start3A_178] : memref<32x128xf32, #tpu.memory_space<vmem>> -> memref<1x128xf32, #tpu.memory_space<vmem>>
    %dma_start3A_180 = tpu.memref_squeeze %dma_start3A_179 : memref<1x128xf32, #tpu.memory_space<vmem>> -> memref<128xf32, #tpu.memory_space<vmem>>
    %dma_start3A_181 = tpu.memref_slice %arg2[%mul3A_65] : memref<32000000xf32, #tpu.memory_space<any>> -> memref<128xf32, #tpu.memory_space<any>>
    tpu.enqueue_dma source(%dma_start3A_181 : memref<128xf32, #tpu.memory_space<any>>) target(%dma_start3A_180 : memref<128xf32, #tpu.memory_space<vmem>>) target_semaphore(%arg6 : memref<!tpu.dma_semaphore, #tpu.memory_space<semaphore_mem>>)
    %dma_start3A_182 = arith.constant 17 : i32
    %dma_start3A_183 = arith.constant 0 : i32
    %dma_start3A_184 = tpu.memref_slice %arg5[%dma_start3A_182, %dma_start3A_183] : memref<32x128xf32, #tpu.memory_space<vmem>> -> memref<1x128xf32, #tpu.memory_space<vmem>>
    %dma_start3A_185 = tpu.memref_squeeze %dma_start3A_184 : memref<1x128xf32, #tpu.memory_space<vmem>> -> memref<128xf32, #tpu.memory_space<vmem>>
    %dma_start3A_186 = tpu.memref_slice %arg2[%mul3A_69] : memref<32000000xf32, #tpu.memory_space<any>> -> memref<128xf32, #tpu.memory_space<any>>
    tpu.enqueue_dma source(%dma_start3A_186 : memref<128xf32, #tpu.memory_space<any>>) target(%dma_start3A_185 : memref<128xf32, #tpu.memory_space<vmem>>) target_semaphore(%arg6 : memref<!tpu.dma_semaphore, #tpu.memory_space<semaphore_mem>>)
    %dma_start3A_187 = arith.constant 18 : i32
    %dma_start3A_188 = arith.constant 0 : i32
    %dma_start3A_189 = tpu.memref_slice %arg5[%dma_start3A_187, %dma_start3A_188] : memref<32x128xf32, #tpu.memory_space<vmem>> -> memref<1x128xf32, #tpu.memory_space<vmem>>
    %dma_start3A_190 = tpu.memref_squeeze %dma_start3A_189 : memref<1x128xf32, #tpu.memory_space<vmem>> -> memref<128xf32, #tpu.memory_space<vmem>>
    %dma_start3A_191 = tpu.memref_slice %arg2[%mul3A_73] : memref<32000000xf32, #tpu.memory_space<any>> -> memref<128xf32, #tpu.memory_space<any>>
    tpu.enqueue_dma source(%dma_start3A_191 : memref<128xf32, #tpu.memory_space<any>>) target(%dma_start3A_190 : memref<128xf32, #tpu.memory_space<vmem>>) target_semaphore(%arg6 : memref<!tpu.dma_semaphore, #tpu.memory_space<semaphore_mem>>)
    %dma_start3A_192 = arith.constant 19 : i32
    %dma_start3A_193 = arith.constant 0 : i32
    %dma_start3A_194 = tpu.memref_slice %arg5[%dma_start3A_192, %dma_start3A_193] : memref<32x128xf32, #tpu.memory_space<vmem>> -> memref<1x128xf32, #tpu.memory_space<vmem>>
    %dma_start3A_195 = tpu.memref_squeeze %dma_start3A_194 : memref<1x128xf32, #tpu.memory_space<vmem>> -> memref<128xf32, #tpu.memory_space<vmem>>
    %dma_start3A_196 = tpu.memref_slice %arg2[%mul3A_77] : memref<32000000xf32, #tpu.memory_space<any>> -> memref<128xf32, #tpu.memory_space<any>>
    tpu.enqueue_dma source(%dma_start3A_196 : memref<128xf32, #tpu.memory_space<any>>) target(%dma_start3A_195 : memref<128xf32, #tpu.memory_space<vmem>>) target_semaphore(%arg6 : memref<!tpu.dma_semaphore, #tpu.memory_space<semaphore_mem>>)
    %dma_start3A_197 = arith.constant 20 : i32
    %dma_start3A_198 = arith.constant 0 : i32
    %dma_start3A_199 = tpu.memref_slice %arg5[%dma_start3A_197, %dma_start3A_198] : memref<32x128xf32, #tpu.memory_space<vmem>> -> memref<1x128xf32, #tpu.memory_space<vmem>>
    %dma_start3A_200 = tpu.memref_squeeze %dma_start3A_199 : memref<1x128xf32, #tpu.memory_space<vmem>> -> memref<128xf32, #tpu.memory_space<vmem>>
    %dma_start3A_201 = tpu.memref_slice %arg2[%mul3A_81] : memref<32000000xf32, #tpu.memory_space<any>> -> memref<128xf32, #tpu.memory_space<any>>
    tpu.enqueue_dma source(%dma_start3A_201 : memref<128xf32, #tpu.memory_space<any>>) target(%dma_start3A_200 : memref<128xf32, #tpu.memory_space<vmem>>) target_semaphore(%arg6 : memref<!tpu.dma_semaphore, #tpu.memory_space<semaphore_mem>>)
    %dma_start3A_202 = arith.constant 21 : i32
    %dma_start3A_203 = arith.constant 0 : i32
    %dma_start3A_204 = tpu.memref_slice %arg5[%dma_start3A_202, %dma_start3A_203] : memref<32x128xf32, #tpu.memory_space<vmem>> -> memref<1x128xf32, #tpu.memory_space<vmem>>
    %dma_start3A_205 = tpu.memref_squeeze %dma_start3A_204 : memref<1x128xf32, #tpu.memory_space<vmem>> -> memref<128xf32, #tpu.memory_space<vmem>>
    %dma_start3A_206 = tpu.memref_slice %arg2[%mul3A_85] : memref<32000000xf32, #tpu.memory_space<any>> -> memref<128xf32, #tpu.memory_space<any>>
    tpu.enqueue_dma source(%dma_start3A_206 : memref<128xf32, #tpu.memory_space<any>>) target(%dma_start3A_205 : memref<128xf32, #tpu.memory_space<vmem>>) target_semaphore(%arg6 : memref<!tpu.dma_semaphore, #tpu.memory_space<semaphore_mem>>)
    %dma_start3A_207 = arith.constant 22 : i32
    %dma_start3A_208 = arith.constant 0 : i32
    %dma_start3A_209 = tpu.memref_slice %arg5[%dma_start3A_207, %dma_start3A_208] : memref<32x128xf32, #tpu.memory_space<vmem>> -> memref<1x128xf32, #tpu.memory_space<vmem>>
    %dma_start3A_210 = tpu.memref_squeeze %dma_start3A_209 : memref<1x128xf32, #tpu.memory_space<vmem>> -> memref<128xf32, #tpu.memory_space<vmem>>
    %dma_start3A_211 = tpu.memref_slice %arg2[%mul3A_89] : memref<32000000xf32, #tpu.memory_space<any>> -> memref<128xf32, #tpu.memory_space<any>>
    tpu.enqueue_dma source(%dma_start3A_211 : memref<128xf32, #tpu.memory_space<any>>) target(%dma_start3A_210 : memref<128xf32, #tpu.memory_space<vmem>>) target_semaphore(%arg6 : memref<!tpu.dma_semaphore, #tpu.memory_space<semaphore_mem>>)
    %dma_start3A_212 = arith.constant 23 : i32
    %dma_start3A_213 = arith.constant 0 : i32
    %dma_start3A_214 = tpu.memref_slice %arg5[%dma_start3A_212, %dma_start3A_213] : memref<32x128xf32, #tpu.memory_space<vmem>> -> memref<1x128xf32, #tpu.memory_space<vmem>>
    %dma_start3A_215 = tpu.memref_squeeze %dma_start3A_214 : memref<1x128xf32, #tpu.memory_space<vmem>> -> memref<128xf32, #tpu.memory_space<vmem>>
    %dma_start3A_216 = tpu.memref_slice %arg2[%mul3A_93] : memref<32000000xf32, #tpu.memory_space<any>> -> memref<128xf32, #tpu.memory_space<any>>
    tpu.enqueue_dma source(%dma_start3A_216 : memref<128xf32, #tpu.memory_space<any>>) target(%dma_start3A_215 : memref<128xf32, #tpu.memory_space<vmem>>) target_semaphore(%arg6 : memref<!tpu.dma_semaphore, #tpu.memory_space<semaphore_mem>>)
    %dma_start3A_217 = arith.constant 24 : i32
    %dma_start3A_218 = arith.constant 0 : i32
    %dma_start3A_219 = tpu.memref_slice %arg5[%dma_start3A_217, %dma_start3A_218] : memref<32x128xf32, #tpu.memory_space<vmem>> -> memref<1x128xf32, #tpu.memory_space<vmem>>
    %dma_start3A_220 = tpu.memref_squeeze %dma_start3A_219 : memref<1x128xf32, #tpu.memory_space<vmem>> -> memref<128xf32, #tpu.memory_space<vmem>>
    %dma_start3A_221 = tpu.memref_slice %arg2[%mul3A_97] : memref<32000000xf32, #tpu.memory_space<any>> -> memref<128xf32, #tpu.memory_space<any>>
    tpu.enqueue_dma source(%dma_start3A_221 : memref<128xf32, #tpu.memory_space<any>>) target(%dma_start3A_220 : memref<128xf32, #tpu.memory_space<vmem>>) target_semaphore(%arg6 : memref<!tpu.dma_semaphore, #tpu.memory_space<semaphore_mem>>)
    %dma_wait3A = arith.constant 0 : i32
    %dma_wait3A_222 = arith.constant 0 : i32
    %dma_wait3A_223 = tpu.memref_slice %arg5[%dma_wait3A, %dma_wait3A_222] : memref<32x128xf32, #tpu.memory_space<vmem>> -> memref<1x128xf32, #tpu.memory_space<vmem>>
    %dma_wait3A_224 = tpu.memref_squeeze %dma_wait3A_223 : memref<1x128xf32, #tpu.memory_space<vmem>> -> memref<128xf32, #tpu.memory_space<vmem>>
    %dma_wait3A_225 = tpu.memref_slice %arg2[%mul3A_1] : memref<32000000xf32, #tpu.memory_space<any>> -> memref<128xf32, #tpu.memory_space<any>>
    tpu.wait_dma2 semaphore(%arg6 : memref<!tpu.dma_semaphore, #tpu.memory_space<semaphore_mem>>) src(%dma_wait3A_225 : memref<128xf32, #tpu.memory_space<any>>) dst(%dma_wait3A_224 : memref<128xf32, #tpu.memory_space<vmem>>)
    %dma_wait3A_226 = arith.constant 1 : i32
    %dma_wait3A_227 = arith.constant 0 : i32
    %dma_wait3A_228 = tpu.memref_slice %arg5[%dma_wait3A_226, %dma_wait3A_227] : memref<32x128xf32, #tpu.memory_space<vmem>> -> memref<1x128xf32, #tpu.memory_space<vmem>>
    %dma_wait3A_229 = tpu.memref_squeeze %dma_wait3A_228 : memref<1x128xf32, #tpu.memory_space<vmem>> -> memref<128xf32, #tpu.memory_space<vmem>>
    %dma_wait3A_230 = tpu.memref_slice %arg2[%mul3A_5] : memref<32000000xf32, #tpu.memory_space<any>> -> memref<128xf32, #tpu.memory_space<any>>
    tpu.wait_dma2 semaphore(%arg6 : memref<!tpu.dma_semaphore, #tpu.memory_space<semaphore_mem>>) src(%dma_wait3A_230 : memref<128xf32, #tpu.memory_space<any>>) dst(%dma_wait3A_229 : memref<128xf32, #tpu.memory_space<vmem>>)
    %dma_wait3A_231 = arith.constant 2 : i32
    %dma_wait3A_232 = arith.constant 0 : i32
    %dma_wait3A_233 = tpu.memref_slice %arg5[%dma_wait3A_231, %dma_wait3A_232] : memref<32x128xf32, #tpu.memory_space<vmem>> -> memref<1x128xf32, #tpu.memory_space<vmem>>
    %dma_wait3A_234 = tpu.memref_squeeze %dma_wait3A_233 : memref<1x128xf32, #tpu.memory_space<vmem>> -> memref<128xf32, #tpu.memory_space<vmem>>
    %dma_wait3A_235 = tpu.memref_slice %arg2[%mul3A_9] : memref<32000000xf32, #tpu.memory_space<any>> -> memref<128xf32, #tpu.memory_space<any>>
    tpu.wait_dma2 semaphore(%arg6 : memref<!tpu.dma_semaphore, #tpu.memory_space<semaphore_mem>>) src(%dma_wait3A_235 : memref<128xf32, #tpu.memory_space<any>>) dst(%dma_wait3A_234 : memref<128xf32, #tpu.memory_space<vmem>>)
    %dma_wait3A_236 = arith.constant 3 : i32
    %dma_wait3A_237 = arith.constant 0 : i32
    %dma_wait3A_238 = tpu.memref_slice %arg5[%dma_wait3A_236, %dma_wait3A_237] : memref<32x128xf32, #tpu.memory_space<vmem>> -> memref<1x128xf32, #tpu.memory_space<vmem>>
    %dma_wait3A_239 = tpu.memref_squeeze %dma_wait3A_238 : memref<1x128xf32, #tpu.memory_space<vmem>> -> memref<128xf32, #tpu.memory_space<vmem>>
    %dma_wait3A_240 = tpu.memref_slice %arg2[%mul3A_13] : memref<32000000xf32, #tpu.memory_space<any>> -> memref<128xf32, #tpu.memory_space<any>>
    tpu.wait_dma2 semaphore(%arg6 : memref<!tpu.dma_semaphore, #tpu.memory_space<semaphore_mem>>) src(%dma_wait3A_240 : memref<128xf32, #tpu.memory_space<any>>) dst(%dma_wait3A_239 : memref<128xf32, #tpu.memory_space<vmem>>)
    %dma_wait3A_241 = arith.constant 4 : i32
    %dma_wait3A_242 = arith.constant 0 : i32
    %dma_wait3A_243 = tpu.memref_slice %arg5[%dma_wait3A_241, %dma_wait3A_242] : memref<32x128xf32, #tpu.memory_space<vmem>> -> memref<1x128xf32, #tpu.memory_space<vmem>>
    %dma_wait3A_244 = tpu.memref_squeeze %dma_wait3A_243 : memref<1x128xf32, #tpu.memory_space<vmem>> -> memref<128xf32, #tpu.memory_space<vmem>>
    %dma_wait3A_245 = tpu.memref_slice %arg2[%mul3A_17] : memref<32000000xf32, #tpu.memory_space<any>> -> memref<128xf32, #tpu.memory_space<any>>
    tpu.wait_dma2 semaphore(%arg6 : memref<!tpu.dma_semaphore, #tpu.memory_space<semaphore_mem>>) src(%dma_wait3A_245 : memref<128xf32, #tpu.memory_space<any>>) dst(%dma_wait3A_244 : memref<128xf32, #tpu.memory_space<vmem>>)
    %dma_wait3A_246 = arith.constant 5 : i32
    %dma_wait3A_247 = arith.constant 0 : i32
    %dma_wait3A_248 = tpu.memref_slice %arg5[%dma_wait3A_246, %dma_wait3A_247] : memref<32x128xf32, #tpu.memory_space<vmem>> -> memref<1x128xf32, #tpu.memory_space<vmem>>
    %dma_wait3A_249 = tpu.memref_squeeze %dma_wait3A_248 : memref<1x128xf32, #tpu.memory_space<vmem>> -> memref<128xf32, #tpu.memory_space<vmem>>
    %dma_wait3A_250 = tpu.memref_slice %arg2[%mul3A_21] : memref<32000000xf32, #tpu.memory_space<any>> -> memref<128xf32, #tpu.memory_space<any>>
    tpu.wait_dma2 semaphore(%arg6 : memref<!tpu.dma_semaphore, #tpu.memory_space<semaphore_mem>>) src(%dma_wait3A_250 : memref<128xf32, #tpu.memory_space<any>>) dst(%dma_wait3A_249 : memref<128xf32, #tpu.memory_space<vmem>>)
    %dma_wait3A_251 = arith.constant 6 : i32
    %dma_wait3A_252 = arith.constant 0 : i32
    %dma_wait3A_253 = tpu.memref_slice %arg5[%dma_wait3A_251, %dma_wait3A_252] : memref<32x128xf32, #tpu.memory_space<vmem>> -> memref<1x128xf32, #tpu.memory_space<vmem>>
    %dma_wait3A_254 = tpu.memref_squeeze %dma_wait3A_253 : memref<1x128xf32, #tpu.memory_space<vmem>> -> memref<128xf32, #tpu.memory_space<vmem>>
    %dma_wait3A_255 = tpu.memref_slice %arg2[%mul3A_25] : memref<32000000xf32, #tpu.memory_space<any>> -> memref<128xf32, #tpu.memory_space<any>>
    tpu.wait_dma2 semaphore(%arg6 : memref<!tpu.dma_semaphore, #tpu.memory_space<semaphore_mem>>) src(%dma_wait3A_255 : memref<128xf32, #tpu.memory_space<any>>) dst(%dma_wait3A_254 : memref<128xf32, #tpu.memory_space<vmem>>)
    %dma_wait3A_256 = arith.constant 7 : i32
    %dma_wait3A_257 = arith.constant 0 : i32
    %dma_wait3A_258 = tpu.memref_slice %arg5[%dma_wait3A_256, %dma_wait3A_257] : memref<32x128xf32, #tpu.memory_space<vmem>> -> memref<1x128xf32, #tpu.memory_space<vmem>>
    %dma_wait3A_259 = tpu.memref_squeeze %dma_wait3A_258 : memref<1x128xf32, #tpu.memory_space<vmem>> -> memref<128xf32, #tpu.memory_space<vmem>>
    %dma_wait3A_260 = tpu.memref_slice %arg2[%mul3A_29] : memref<32000000xf32, #tpu.memory_space<any>> -> memref<128xf32, #tpu.memory_space<any>>
    tpu.wait_dma2 semaphore(%arg6 : memref<!tpu.dma_semaphore, #tpu.memory_space<semaphore_mem>>) src(%dma_wait3A_260 : memref<128xf32, #tpu.memory_space<any>>) dst(%dma_wait3A_259 : memref<128xf32, #tpu.memory_space<vmem>>)
    %dma_wait3A_261 = arith.constant 8 : i32
    %dma_wait3A_262 = arith.constant 0 : i32
    %dma_wait3A_263 = tpu.memref_slice %arg5[%dma_wait3A_261, %dma_wait3A_262] : memref<32x128xf32, #tpu.memory_space<vmem>> -> memref<1x128xf32, #tpu.memory_space<vmem>>
    %dma_wait3A_264 = tpu.memref_squeeze %dma_wait3A_263 : memref<1x128xf32, #tpu.memory_space<vmem>> -> memref<128xf32, #tpu.memory_space<vmem>>
    %dma_wait3A_265 = tpu.memref_slice %arg2[%mul3A_33] : memref<32000000xf32, #tpu.memory_space<any>> -> memref<128xf32, #tpu.memory_space<any>>
    tpu.wait_dma2 semaphore(%arg6 : memref<!tpu.dma_semaphore, #tpu.memory_space<semaphore_mem>>) src(%dma_wait3A_265 : memref<128xf32, #tpu.memory_space<any>>) dst(%dma_wait3A_264 : memref<128xf32, #tpu.memory_space<vmem>>)
    %dma_wait3A_266 = arith.constant 9 : i32
    %dma_wait3A_267 = arith.constant 0 : i32
    %dma_wait3A_268 = tpu.memref_slice %arg5[%dma_wait3A_266, %dma_wait3A_267] : memref<32x128xf32, #tpu.memory_space<vmem>> -> memref<1x128xf32, #tpu.memory_space<vmem>>
    %dma_wait3A_269 = tpu.memref_squeeze %dma_wait3A_268 : memref<1x128xf32, #tpu.memory_space<vmem>> -> memref<128xf32, #tpu.memory_space<vmem>>
    %dma_wait3A_270 = tpu.memref_slice %arg2[%mul3A_37] : memref<32000000xf32, #tpu.memory_space<any>> -> memref<128xf32, #tpu.memory_space<any>>
    tpu.wait_dma2 semaphore(%arg6 : memref<!tpu.dma_semaphore, #tpu.memory_space<semaphore_mem>>) src(%dma_wait3A_270 : memref<128xf32, #tpu.memory_space<any>>) dst(%dma_wait3A_269 : memref<128xf32, #tpu.memory_space<vmem>>)
    %dma_wait3A_271 = arith.constant 10 : i32
    %dma_wait3A_272 = arith.constant 0 : i32
    %dma_wait3A_273 = tpu.memref_slice %arg5[%dma_wait3A_271, %dma_wait3A_272] : memref<32x128xf32, #tpu.memory_space<vmem>> -> memref<1x128xf32, #tpu.memory_space<vmem>>
    %dma_wait3A_274 = tpu.memref_squeeze %dma_wait3A_273 : memref<1x128xf32, #tpu.memory_space<vmem>> -> memref<128xf32, #tpu.memory_space<vmem>>
    %dma_wait3A_275 = tpu.memref_slice %arg2[%mul3A_41] : memref<32000000xf32, #tpu.memory_space<any>> -> memref<128xf32, #tpu.memory_space<any>>
    tpu.wait_dma2 semaphore(%arg6 : memref<!tpu.dma_semaphore, #tpu.memory_space<semaphore_mem>>) src(%dma_wait3A_275 : memref<128xf32, #tpu.memory_space<any>>) dst(%dma_wait3A_274 : memref<128xf32, #tpu.memory_space<vmem>>)
    %dma_wait3A_276 = arith.constant 11 : i32
    %dma_wait3A_277 = arith.constant 0 : i32
    %dma_wait3A_278 = tpu.memref_slice %arg5[%dma_wait3A_276, %dma_wait3A_277] : memref<32x128xf32, #tpu.memory_space<vmem>> -> memref<1x128xf32, #tpu.memory_space<vmem>>
    %dma_wait3A_279 = tpu.memref_squeeze %dma_wait3A_278 : memref<1x128xf32, #tpu.memory_space<vmem>> -> memref<128xf32, #tpu.memory_space<vmem>>
    %dma_wait3A_280 = tpu.memref_slice %arg2[%mul3A_45] : memref<32000000xf32, #tpu.memory_space<any>> -> memref<128xf32, #tpu.memory_space<any>>
    tpu.wait_dma2 semaphore(%arg6 : memref<!tpu.dma_semaphore, #tpu.memory_space<semaphore_mem>>) src(%dma_wait3A_280 : memref<128xf32, #tpu.memory_space<any>>) dst(%dma_wait3A_279 : memref<128xf32, #tpu.memory_space<vmem>>)
    %dma_wait3A_281 = arith.constant 12 : i32
    %dma_wait3A_282 = arith.constant 0 : i32
    %dma_wait3A_283 = tpu.memref_slice %arg5[%dma_wait3A_281, %dma_wait3A_282] : memref<32x128xf32, #tpu.memory_space<vmem>> -> memref<1x128xf32, #tpu.memory_space<vmem>>
    %dma_wait3A_284 = tpu.memref_squeeze %dma_wait3A_283 : memref<1x128xf32, #tpu.memory_space<vmem>> -> memref<128xf32, #tpu.memory_space<vmem>>
    %dma_wait3A_285 = tpu.memref_slice %arg2[%mul3A_49] : memref<32000000xf32, #tpu.memory_space<any>> -> memref<128xf32, #tpu.memory_space<any>>
    tpu.wait_dma2 semaphore(%arg6 : memref<!tpu.dma_semaphore, #tpu.memory_space<semaphore_mem>>) src(%dma_wait3A_285 : memref<128xf32, #tpu.memory_space<any>>) dst(%dma_wait3A_284 : memref<128xf32, #tpu.memory_space<vmem>>)
    %dma_wait3A_286 = arith.constant 13 : i32
    %dma_wait3A_287 = arith.constant 0 : i32
    %dma_wait3A_288 = tpu.memref_slice %arg5[%dma_wait3A_286, %dma_wait3A_287] : memref<32x128xf32, #tpu.memory_space<vmem>> -> memref<1x128xf32, #tpu.memory_space<vmem>>
    %dma_wait3A_289 = tpu.memref_squeeze %dma_wait3A_288 : memref<1x128xf32, #tpu.memory_space<vmem>> -> memref<128xf32, #tpu.memory_space<vmem>>
    %dma_wait3A_290 = tpu.memref_slice %arg2[%mul3A_53] : memref<32000000xf32, #tpu.memory_space<any>> -> memref<128xf32, #tpu.memory_space<any>>
    tpu.wait_dma2 semaphore(%arg6 : memref<!tpu.dma_semaphore, #tpu.memory_space<semaphore_mem>>) src(%dma_wait3A_290 : memref<128xf32, #tpu.memory_space<any>>) dst(%dma_wait3A_289 : memref<128xf32, #tpu.memory_space<vmem>>)
    %dma_wait3A_291 = arith.constant 14 : i32
    %dma_wait3A_292 = arith.constant 0 : i32
    %dma_wait3A_293 = tpu.memref_slice %arg5[%dma_wait3A_291, %dma_wait3A_292] : memref<32x128xf32, #tpu.memory_space<vmem>> -> memref<1x128xf32, #tpu.memory_space<vmem>>
    %dma_wait3A_294 = tpu.memref_squeeze %dma_wait3A_293 : memref<1x128xf32, #tpu.memory_space<vmem>> -> memref<128xf32, #tpu.memory_space<vmem>>
    %dma_wait3A_295 = tpu.memref_slice %arg2[%mul3A_57] : memref<32000000xf32, #tpu.memory_space<any>> -> memref<128xf32, #tpu.memory_space<any>>
    tpu.wait_dma2 semaphore(%arg6 : memref<!tpu.dma_semaphore, #tpu.memory_space<semaphore_mem>>) src(%dma_wait3A_295 : memref<128xf32, #tpu.memory_space<any>>) dst(%dma_wait3A_294 : memref<128xf32, #tpu.memory_space<vmem>>)
    %dma_wait3A_296 = arith.constant 15 : i32
    %dma_wait3A_297 = arith.constant 0 : i32
    %dma_wait3A_298 = tpu.memref_slice %arg5[%dma_wait3A_296, %dma_wait3A_297] : memref<32x128xf32, #tpu.memory_space<vmem>> -> memref<1x128xf32, #tpu.memory_space<vmem>>
    %dma_wait3A_299 = tpu.memref_squeeze %dma_wait3A_298 : memref<1x128xf32, #tpu.memory_space<vmem>> -> memref<128xf32, #tpu.memory_space<vmem>>
    %dma_wait3A_300 = tpu.memref_slice %arg2[%mul3A_61] : memref<32000000xf32, #tpu.memory_space<any>> -> memref<128xf32, #tpu.memory_space<any>>
    tpu.wait_dma2 semaphore(%arg6 : memref<!tpu.dma_semaphore, #tpu.memory_space<semaphore_mem>>) src(%dma_wait3A_300 : memref<128xf32, #tpu.memory_space<any>>) dst(%dma_wait3A_299 : memref<128xf32, #tpu.memory_space<vmem>>)
    %dma_wait3A_301 = arith.constant 16 : i32
    %dma_wait3A_302 = arith.constant 0 : i32
    %dma_wait3A_303 = tpu.memref_slice %arg5[%dma_wait3A_301, %dma_wait3A_302] : memref<32x128xf32, #tpu.memory_space<vmem>> -> memref<1x128xf32, #tpu.memory_space<vmem>>
    %dma_wait3A_304 = tpu.memref_squeeze %dma_wait3A_303 : memref<1x128xf32, #tpu.memory_space<vmem>> -> memref<128xf32, #tpu.memory_space<vmem>>
    %dma_wait3A_305 = tpu.memref_slice %arg2[%mul3A_65] : memref<32000000xf32, #tpu.memory_space<any>> -> memref<128xf32, #tpu.memory_space<any>>
    tpu.wait_dma2 semaphore(%arg6 : memref<!tpu.dma_semaphore, #tpu.memory_space<semaphore_mem>>) src(%dma_wait3A_305 : memref<128xf32, #tpu.memory_space<any>>) dst(%dma_wait3A_304 : memref<128xf32, #tpu.memory_space<vmem>>)
    %dma_wait3A_306 = arith.constant 17 : i32
    %dma_wait3A_307 = arith.constant 0 : i32
    %dma_wait3A_308 = tpu.memref_slice %arg5[%dma_wait3A_306, %dma_wait3A_307] : memref<32x128xf32, #tpu.memory_space<vmem>> -> memref<1x128xf32, #tpu.memory_space<vmem>>
    %dma_wait3A_309 = tpu.memref_squeeze %dma_wait3A_308 : memref<1x128xf32, #tpu.memory_space<vmem>> -> memref<128xf32, #tpu.memory_space<vmem>>
    %dma_wait3A_310 = tpu.memref_slice %arg2[%mul3A_69] : memref<32000000xf32, #tpu.memory_space<any>> -> memref<128xf32, #tpu.memory_space<any>>
    tpu.wait_dma2 semaphore(%arg6 : memref<!tpu.dma_semaphore, #tpu.memory_space<semaphore_mem>>) src(%dma_wait3A_310 : memref<128xf32, #tpu.memory_space<any>>) dst(%dma_wait3A_309 : memref<128xf32, #tpu.memory_space<vmem>>)
    %dma_wait3A_311 = arith.constant 18 : i32
    %dma_wait3A_312 = arith.constant 0 : i32
    %dma_wait3A_313 = tpu.memref_slice %arg5[%dma_wait3A_311, %dma_wait3A_312] : memref<32x128xf32, #tpu.memory_space<vmem>> -> memref<1x128xf32, #tpu.memory_space<vmem>>
    %dma_wait3A_314 = tpu.memref_squeeze %dma_wait3A_313 : memref<1x128xf32, #tpu.memory_space<vmem>> -> memref<128xf32, #tpu.memory_space<vmem>>
    %dma_wait3A_315 = tpu.memref_slice %arg2[%mul3A_73] : memref<32000000xf32, #tpu.memory_space<any>> -> memref<128xf32, #tpu.memory_space<any>>
    tpu.wait_dma2 semaphore(%arg6 : memref<!tpu.dma_semaphore, #tpu.memory_space<semaphore_mem>>) src(%dma_wait3A_315 : memref<128xf32, #tpu.memory_space<any>>) dst(%dma_wait3A_314 : memref<128xf32, #tpu.memory_space<vmem>>)
    %dma_wait3A_316 = arith.constant 19 : i32
    %dma_wait3A_317 = arith.constant 0 : i32
    %dma_wait3A_318 = tpu.memref_slice %arg5[%dma_wait3A_316, %dma_wait3A_317] : memref<32x128xf32, #tpu.memory_space<vmem>> -> memref<1x128xf32, #tpu.memory_space<vmem>>
    %dma_wait3A_319 = tpu.memref_squeeze %dma_wait3A_318 : memref<1x128xf32, #tpu.memory_space<vmem>> -> memref<128xf32, #tpu.memory_space<vmem>>
    %dma_wait3A_320 = tpu.memref_slice %arg2[%mul3A_77] : memref<32000000xf32, #tpu.memory_space<any>> -> memref<128xf32, #tpu.memory_space<any>>
    tpu.wait_dma2 semaphore(%arg6 : memref<!tpu.dma_semaphore, #tpu.memory_space<semaphore_mem>>) src(%dma_wait3A_320 : memref<128xf32, #tpu.memory_space<any>>) dst(%dma_wait3A_319 : memref<128xf32, #tpu.memory_space<vmem>>)
    %dma_wait3A_321 = arith.constant 20 : i32
    %dma_wait3A_322 = arith.constant 0 : i32
    %dma_wait3A_323 = tpu.memref_slice %arg5[%dma_wait3A_321, %dma_wait3A_322] : memref<32x128xf32, #tpu.memory_space<vmem>> -> memref<1x128xf32, #tpu.memory_space<vmem>>
    %dma_wait3A_324 = tpu.memref_squeeze %dma_wait3A_323 : memref<1x128xf32, #tpu.memory_space<vmem>> -> memref<128xf32, #tpu.memory_space<vmem>>
    %dma_wait3A_325 = tpu.memref_slice %arg2[%mul3A_81] : memref<32000000xf32, #tpu.memory_space<any>> -> memref<128xf32, #tpu.memory_space<any>>
    tpu.wait_dma2 semaphore(%arg6 : memref<!tpu.dma_semaphore, #tpu.memory_space<semaphore_mem>>) src(%dma_wait3A_325 : memref<128xf32, #tpu.memory_space<any>>) dst(%dma_wait3A_324 : memref<128xf32, #tpu.memory_space<vmem>>)
    %dma_wait3A_326 = arith.constant 21 : i32
    %dma_wait3A_327 = arith.constant 0 : i32
    %dma_wait3A_328 = tpu.memref_slice %arg5[%dma_wait3A_326, %dma_wait3A_327] : memref<32x128xf32, #tpu.memory_space<vmem>> -> memref<1x128xf32, #tpu.memory_space<vmem>>
    %dma_wait3A_329 = tpu.memref_squeeze %dma_wait3A_328 : memref<1x128xf32, #tpu.memory_space<vmem>> -> memref<128xf32, #tpu.memory_space<vmem>>
    %dma_wait3A_330 = tpu.memref_slice %arg2[%mul3A_85] : memref<32000000xf32, #tpu.memory_space<any>> -> memref<128xf32, #tpu.memory_space<any>>
    tpu.wait_dma2 semaphore(%arg6 : memref<!tpu.dma_semaphore, #tpu.memory_space<semaphore_mem>>) src(%dma_wait3A_330 : memref<128xf32, #tpu.memory_space<any>>) dst(%dma_wait3A_329 : memref<128xf32, #tpu.memory_space<vmem>>)
    %dma_wait3A_331 = arith.constant 22 : i32
    %dma_wait3A_332 = arith.constant 0 : i32
    %dma_wait3A_333 = tpu.memref_slice %arg5[%dma_wait3A_331, %dma_wait3A_332] : memref<32x128xf32, #tpu.memory_space<vmem>> -> memref<1x128xf32, #tpu.memory_space<vmem>>
    %dma_wait3A_334 = tpu.memref_squeeze %dma_wait3A_333 : memref<1x128xf32, #tpu.memory_space<vmem>> -> memref<128xf32, #tpu.memory_space<vmem>>
    %dma_wait3A_335 = tpu.memref_slice %arg2[%mul3A_89] : memref<32000000xf32, #tpu.memory_space<any>> -> memref<128xf32, #tpu.memory_space<any>>
    tpu.wait_dma2 semaphore(%arg6 : memref<!tpu.dma_semaphore, #tpu.memory_space<semaphore_mem>>) src(%dma_wait3A_335 : memref<128xf32, #tpu.memory_space<any>>) dst(%dma_wait3A_334 : memref<128xf32, #tpu.memory_space<vmem>>)
    %dma_wait3A_336 = arith.constant 23 : i32
    %dma_wait3A_337 = arith.constant 0 : i32
    %dma_wait3A_338 = tpu.memref_slice %arg5[%dma_wait3A_336, %dma_wait3A_337] : memref<32x128xf32, #tpu.memory_space<vmem>> -> memref<1x128xf32, #tpu.memory_space<vmem>>
    %dma_wait3A_339 = tpu.memref_squeeze %dma_wait3A_338 : memref<1x128xf32, #tpu.memory_space<vmem>> -> memref<128xf32, #tpu.memory_space<vmem>>
    %dma_wait3A_340 = tpu.memref_slice %arg2[%mul3A_93] : memref<32000000xf32, #tpu.memory_space<any>> -> memref<128xf32, #tpu.memory_space<any>>
    tpu.wait_dma2 semaphore(%arg6 : memref<!tpu.dma_semaphore, #tpu.memory_space<semaphore_mem>>) src(%dma_wait3A_340 : memref<128xf32, #tpu.memory_space<any>>) dst(%dma_wait3A_339 : memref<128xf32, #tpu.memory_space<vmem>>)
    %dma_wait3A_341 = arith.constant 24 : i32
    %dma_wait3A_342 = arith.constant 0 : i32
    %dma_wait3A_343 = tpu.memref_slice %arg5[%dma_wait3A_341, %dma_wait3A_342] : memref<32x128xf32, #tpu.memory_space<vmem>> -> memref<1x128xf32, #tpu.memory_space<vmem>>
    %dma_wait3A_344 = tpu.memref_squeeze %dma_wait3A_343 : memref<1x128xf32, #tpu.memory_space<vmem>> -> memref<128xf32, #tpu.memory_space<vmem>>
    %dma_wait3A_345 = tpu.memref_slice %arg2[%mul3A_97] : memref<32000000xf32, #tpu.memory_space<any>> -> memref<128xf32, #tpu.memory_space<any>>
    tpu.wait_dma2 semaphore(%arg6 : memref<!tpu.dma_semaphore, #tpu.memory_space<semaphore_mem>>) src(%dma_wait3A_345 : memref<128xf32, #tpu.memory_space<any>>) dst(%dma_wait3A_344 : memref<128xf32, #tpu.memory_space<vmem>>)
    %iota3A = tpu.iota {dimensions = array<i32: 0>} : vector<32x1xi32>
    %lt3A = arith.constant 25 : i32
    %lt3A_346 = vector.broadcast %lt3A : i32 to vector<32x1xi32>
    %lt3A_347 = arith.cmpi slt, %iota3A, %lt3A_346 : vector<32x1xi32>
    %get3A_348 = arith.constant 0 : index
    %get3A_349 = arith.constant 0 : index
    %get3A_350 = vector.load %arg1[%get3A_348, %get3A_349] : memref<32x1xi32, #tpu.memory_space<vmem>>, vector<32x1xi32>
    %get3A_351 = arith.constant 0 : index
    %get3A_352 = arith.constant 0 : index
    %get3A_353 = vector.load %arg5[%get3A_351, %get3A_352] : memref<32x128xf32, #tpu.memory_space<vmem>>, vector<32x128xf32>
    %broadcast_in_dim3A = arith.constant 0.000000e+00 : f32
    %broadcast_in_dim3A_354 = vector.broadcast %broadcast_in_dim3A : f32 to vector<32x32xf32>
    %eq3A = arith.constant 0 : i32
    %eq3A_355 = vector.broadcast %eq3A : i32 to vector<32x1xi32>
    %eq3A_356 = arith.cmpi eq, %get3A_350, %eq3A_355 : vector<32x1xi32>
    %and3A = arith.andi %eq3A_356, %lt3A_347 : vector<32x1xi1>
    %slice3A = vector.extract_strided_slice %get3A_353 {offsets = [0, 0], sizes = [32, 32], strides = [1, 1]} : vector<32x128xf32> to vector<32x32xf32>
    %jit3A = arith.constant 0.000000e+00 : f32
    %broadcast_in_dim3A_357 = vector.shape_cast %and3A : vector<32x1xi1> to vector<32x1xi1>
    %broadcast_in_dim3A_358 = vector.broadcast %broadcast_in_dim3A_357 : vector<32x1xi1> to vector<32x32xi1>
    %broadcast_in_dim3A_359 = vector.broadcast %jit3A : f32 to vector<32x32xf32>
    %select_n3A = arith.select %broadcast_in_dim3A_358, %slice3A, %broadcast_in_dim3A_359 : vector<32x32xi1>, vector<32x32xf32>
    %add3A = arith.addf %broadcast_in_dim3A_354, %select_n3A : vector<32x32xf32>
    %eq3A_360 = arith.constant 1 : i32
    %eq3A_361 = vector.broadcast %eq3A_360 : i32 to vector<32x1xi32>
    %eq3A_362 = arith.cmpi eq, %get3A_350, %eq3A_361 : vector<32x1xi32>
    %and3A_363 = arith.andi %eq3A_362, %lt3A_347 : vector<32x1xi1>
    %slice3A_364 = vector.extract_strided_slice %get3A_353 {offsets = [0, 32], sizes = [32, 32], strides = [1, 1]} : vector<32x128xf32> to vector<32x32xf32>
    %jit3A_365 = arith.constant 0.000000e+00 : f32
    %broadcast_in_dim3A_366 = vector.shape_cast %and3A_363 : vector<32x1xi1> to vector<32x1xi1>
    %broadcast_in_dim3A_367 = vector.broadcast %broadcast_in_dim3A_366 : vector<32x1xi1> to vector<32x32xi1>
    %broadcast_in_dim3A_368 = vector.broadcast %jit3A_365 : f32 to vector<32x32xf32>
    %select_n3A_369 = arith.select %broadcast_in_dim3A_367, %slice3A_364, %broadcast_in_dim3A_368 : vector<32x32xi1>, vector<32x32xf32>
    %add3A_370 = arith.addf %add3A, %select_n3A_369 : vector<32x32xf32>
    %eq3A_371 = arith.constant 2 : i32
    %eq3A_372 = vector.broadcast %eq3A_371 : i32 to vector<32x1xi32>
    %eq3A_373 = arith.cmpi eq, %get3A_350, %eq3A_372 : vector<32x1xi32>
    %and3A_374 = arith.andi %eq3A_373, %lt3A_347 : vector<32x1xi1>
    %slice3A_375 = vector.extract_strided_slice %get3A_353 {offsets = [0, 64], sizes = [32, 32], strides = [1, 1]} : vector<32x128xf32> to vector<32x32xf32>
    %jit3A_376 = arith.constant 0.000000e+00 : f32
    %broadcast_in_dim3A_377 = vector.shape_cast %and3A_374 : vector<32x1xi1> to vector<32x1xi1>
    %broadcast_in_dim3A_378 = vector.broadcast %broadcast_in_dim3A_377 : vector<32x1xi1> to vector<32x32xi1>
    %broadcast_in_dim3A_379 = vector.broadcast %jit3A_376 : f32 to vector<32x32xf32>
    %select_n3A_380 = arith.select %broadcast_in_dim3A_378, %slice3A_375, %broadcast_in_dim3A_379 : vector<32x32xi1>, vector<32x32xf32>
    %add3A_381 = arith.addf %add3A_370, %select_n3A_380 : vector<32x32xf32>
    %eq3A_382 = arith.constant 3 : i32
    %eq3A_383 = vector.broadcast %eq3A_382 : i32 to vector<32x1xi32>
    %eq3A_384 = arith.cmpi eq, %get3A_350, %eq3A_383 : vector<32x1xi32>
    %and3A_385 = arith.andi %eq3A_384, %lt3A_347 : vector<32x1xi1>
    %slice3A_386 = vector.extract_strided_slice %get3A_353 {offsets = [0, 96], sizes = [32, 32], strides = [1, 1]} : vector<32x128xf32> to vector<32x32xf32>
    %jit3A_387 = arith.constant 0.000000e+00 : f32
    %broadcast_in_dim3A_388 = vector.shape_cast %and3A_385 : vector<32x1xi1> to vector<32x1xi1>
    %broadcast_in_dim3A_389 = vector.broadcast %broadcast_in_dim3A_388 : vector<32x1xi1> to vector<32x32xi1>
    %broadcast_in_dim3A_390 = vector.broadcast %jit3A_387 : f32 to vector<32x32xf32>
    %select_n3A_391 = arith.select %broadcast_in_dim3A_389, %slice3A_386, %broadcast_in_dim3A_390 : vector<32x32xi1>, vector<32x32xf32>
    %add3A_392 = arith.addf %add3A_381, %select_n3A_391 : vector<32x32xf32>
    %iota3A_393 = tpu.iota {dimensions = array<i32: 1>} : vector<1x24xi32>
    %iota3A_394 = tpu.iota {dimensions = array<i32: 1>} : vector<1x24xi32>
    %lt3A_395 = arith.constant 24 : i32
    %lt3A_396 = vector.broadcast %lt3A_395 : i32 to vector<1x24xi32>
    %lt3A_397 = arith.cmpi slt, %iota3A_394, %lt3A_396 : vector<1x24xi32>
    %slice3A_398 = vector.extract_strided_slice %add3A_392 {offsets = [0, 0], sizes = [24, 32], strides = [1, 1]} : vector<32x32xf32> to vector<24x32xf32>
    %broadcast_in_dim3A_399 = arith.constant 1.000000e+00 : f32
    %broadcast_in_dim3A_400 = vector.broadcast %broadcast_in_dim3A_399 : f32 to vector<32x1xf32>
    %scan3A = arith.constant 0 : i32
    %scan3A_401 = arith.constant 10 : i32
    %scan3A_402 = arith.addi %scan3A, %scan3A_401 : i32
    %scan3A_403 = arith.constant 1 : i32
    %scan3A_404 = scf.for %scan3A_1040 = %scan3A to %scan3A_402 step %scan3A_403 iter_args(%scan3A_1041 = %slice3A_398) -> (vector<24x32xf32>)  : i32 {
      %broadcast_in_dim3A_1042 = vector.shape_cast %add3A_392 : vector<32x32xf32> to vector<32x1x32xf32>
      %broadcast_in_dim3A_1043 = vector.shape_cast %scan3A_1041 : vector<24x32xf32> to vector<1x24x32xf32>
      %sub3A_1044 = vector.broadcast %broadcast_in_dim3A_1042 : vector<32x1x32xf32> to vector<32x24x32xf32>
      %sub3A_1045 = vector.broadcast %broadcast_in_dim3A_1043 : vector<1x24x32xf32> to vector<32x24x32xf32>
      %sub3A_1046 = arith.subf %sub3A_1044, %sub3A_1045 : vector<32x24x32xf32>
      %mul3A_1047 = arith.mulf %sub3A_1046, %sub3A_1046 : vector<32x24x32xf32>
      %reduce_sum3A_1048 = arith.constant dense<0.000000e+00> : vector<32x24xf32>
      %reduce_sum3A_1049 = vector.multi_reduction <add>, %mul3A_1047, %reduce_sum3A_1048 [2] : vector<32x24x32xf32> to vector<32x24xf32>
      %jit3A_1050 = arith.constant 3.000000e+38 : f32
      %broadcast_in_dim3A_1051 = vector.shape_cast %lt3A_397 : vector<1x24xi1> to vector<1x24xi1>
      %broadcast_in_dim3A_1052 = vector.broadcast %broadcast_in_dim3A_1051 : vector<1x24xi1> to vector<32x24xi1>
      %broadcast_in_dim3A_1053 = vector.broadcast %jit3A_1050 : f32 to vector<32x24xf32>
      %select_n3A_1054 = arith.select %broadcast_in_dim3A_1052, %reduce_sum3A_1049, %broadcast_in_dim3A_1053 : vector<32x24xi1>, vector<32x24xf32>
      %reduce_min3A_1055 = arith.constant dense<0x7F800000> : vector<32xf32>
      %reduce_min3A_1056 = vector.multi_reduction <minimumf>, %select_n3A_1054, %reduce_min3A_1055 [1] : vector<32x24xf32> to vector<32xf32>
      %broadcast_in_dim3A_1057 = vector.shape_cast %reduce_min3A_1056 : vector<32xf32> to vector<32x1xf32>
      %eq3A_1058 = vector.broadcast %broadcast_in_dim3A_1057 : vector<32x1xf32> to vector<32x24xf32>
      %eq3A_1059 = arith.cmpf oeq, %select_n3A_1054, %eq3A_1058 : vector<32x24xf32>
      %jit3A_1060 = arith.constant 24 : i32
      %broadcast_in_dim3A_1061 = vector.shape_cast %iota3A_394 : vector<1x24xi32> to vector<1x24xi32>
      %broadcast_in_dim3A_1062 = vector.broadcast %broadcast_in_dim3A_1061 : vector<1x24xi32> to vector<32x24xi32>
      %broadcast_in_dim3A_1063 = vector.broadcast %jit3A_1060 : i32 to vector<32x24xi32>
      %select_n3A_1064 = arith.select %eq3A_1059, %broadcast_in_dim3A_1062, %broadcast_in_dim3A_1063 : vector<32x24xi1>, vector<32x24xi32>
      %reduce_min3A_1065 = arith.constant dense<2147483647> : vector<32xi32>
      %reduce_min3A_1066 = vector.multi_reduction <minsi>, %select_n3A_1064, %reduce_min3A_1065 [1] : vector<32x24xi32> to vector<32xi32>
      %broadcast_in_dim3A_1067 = vector.shape_cast %reduce_min3A_1066 : vector<32xi32> to vector<32x1xi32>
      %eq3A_1068 = vector.broadcast %broadcast_in_dim3A_1067 : vector<32x1xi32> to vector<32x24xi32>
      %eq3A_1069 = vector.broadcast %iota3A_394 : vector<1x24xi32> to vector<32x24xi32>
      %eq3A_1070 = arith.cmpi eq, %eq3A_1068, %eq3A_1069 : vector<32x24xi32>
      %and3A_1071 = vector.broadcast %lt3A_347 : vector<32x1xi1> to vector<32x24xi1>
      %and3A_1072 = arith.andi %eq3A_1070, %and3A_1071 : vector<32x24xi1>
      %convert_element_type3A_1073 = arith.extui %and3A_1072 : vector<32x24xi1> to vector<32x24xi32>
      %convert_element_type3A_1074 = arith.sitofp %convert_element_type3A_1073 : vector<32x24xi32> to vector<32x24xf32>
      %dot_general3A_1075 = arith.constant dense<0.000000e+00> : vector<24x1xf32>
      %dot_general3A_1076 = tpu.matmul %convert_element_type3A_1074, %broadcast_in_dim3A_400, %dot_general3A_1075 {dimension_numbers = #tpu.dot_dimension_numbers<[0], [0], [1], [1], [0, 1, 1, 1], [], []>, transpose_lhs_hint = false} : vector<32x24xf32>, vector<32x1xf32>, vector<24x1xf32> -> vector<24x1xf32>
      %dot_general3A_1077 = arith.constant dense<0.000000e+00> : vector<24x32xf32>
      %dot_general3A_1078 = tpu.matmul %convert_element_type3A_1074, %add3A_392, %dot_general3A_1077 {dimension_numbers = #tpu.dot_dimension_numbers<[0], [0], [1], [1], [0, 1, 1, 1], [], []>, transpose_lhs_hint = false} : vector<32x24xf32>, vector<32x32xf32>, vector<24x32xf32> -> vector<24x32xf32>
      %max3A_1079 = arith.constant 1.000000e+00 : f32
      %max3A_1080 = vector.broadcast %max3A_1079 : f32 to vector<24x1xf32>
      %max3A_1081 = arith.maximumf %dot_general3A_1076, %max3A_1080 : vector<24x1xf32>
      %div3A = vector.broadcast %max3A_1081 : vector<24x1xf32> to vector<24x32xf32>
      %div3A_1082 = arith.divf %dot_general3A_1078, %div3A : vector<24x32xf32>
      %gt3A_1083 = arith.constant 0.000000e+00 : f32
      %gt3A_1084 = vector.broadcast %gt3A_1083 : f32 to vector<24x1xf32>
      %gt3A_1085 = arith.cmpf ogt, %dot_general3A_1076, %gt3A_1084 : vector<24x1xf32>
      %broadcast_in_dim3A_1086 = vector.shape_cast %gt3A_1085 : vector<24x1xi1> to vector<24x1xi1>
      %broadcast_in_dim3A_1087 = vector.broadcast %broadcast_in_dim3A_1086 : vector<24x1xi1> to vector<24x32xi1>
      %select_n3A_1088 = arith.select %broadcast_in_dim3A_1087, %div3A_1082, %scan3A_1041 : vector<24x32xi1>, vector<24x32xf32>
      scf.yield %select_n3A_1088 : vector<24x32xf32>
    }
    %broadcast_in_dim3A_405 = vector.shape_cast %add3A_392 : vector<32x32xf32> to vector<32x1x32xf32>
    %broadcast_in_dim3A_406 = vector.shape_cast %scan3A_404 : vector<24x32xf32> to vector<1x24x32xf32>
    %sub3A = vector.broadcast %broadcast_in_dim3A_405 : vector<32x1x32xf32> to vector<32x24x32xf32>
    %sub3A_407 = vector.broadcast %broadcast_in_dim3A_406 : vector<1x24x32xf32> to vector<32x24x32xf32>
    %sub3A_408 = arith.subf %sub3A, %sub3A_407 : vector<32x24x32xf32>
    %mul3A_409 = arith.mulf %sub3A_408, %sub3A_408 : vector<32x24x32xf32>
    %reduce_sum3A = arith.constant dense<0.000000e+00> : vector<32x24xf32>
    %reduce_sum3A_410 = vector.multi_reduction <add>, %mul3A_409, %reduce_sum3A [2] : vector<32x24x32xf32> to vector<32x24xf32>
    %jit3A_411 = arith.constant 3.000000e+38 : f32
    %broadcast_in_dim3A_412 = vector.shape_cast %lt3A_397 : vector<1x24xi1> to vector<1x24xi1>
    %broadcast_in_dim3A_413 = vector.broadcast %broadcast_in_dim3A_412 : vector<1x24xi1> to vector<32x24xi1>
    %broadcast_in_dim3A_414 = vector.broadcast %jit3A_411 : f32 to vector<32x24xf32>
    %select_n3A_415 = arith.select %broadcast_in_dim3A_413, %reduce_sum3A_410, %broadcast_in_dim3A_414 : vector<32x24xi1>, vector<32x24xf32>
    %reduce_min3A = arith.constant dense<0x7F800000> : vector<32xf32>
    %reduce_min3A_416 = vector.multi_reduction <minimumf>, %select_n3A_415, %reduce_min3A [1] : vector<32x24xf32> to vector<32xf32>
    %broadcast_in_dim3A_417 = vector.shape_cast %reduce_min3A_416 : vector<32xf32> to vector<32x1xf32>
    %eq3A_418 = vector.broadcast %broadcast_in_dim3A_417 : vector<32x1xf32> to vector<32x24xf32>
    %eq3A_419 = arith.cmpf oeq, %select_n3A_415, %eq3A_418 : vector<32x24xf32>
    %jit3A_420 = arith.constant 24 : i32
    %broadcast_in_dim3A_421 = vector.shape_cast %iota3A_394 : vector<1x24xi32> to vector<1x24xi32>
    %broadcast_in_dim3A_422 = vector.broadcast %broadcast_in_dim3A_421 : vector<1x24xi32> to vector<32x24xi32>
    %broadcast_in_dim3A_423 = vector.broadcast %jit3A_420 : i32 to vector<32x24xi32>
    %select_n3A_424 = arith.select %eq3A_419, %broadcast_in_dim3A_422, %broadcast_in_dim3A_423 : vector<32x24xi1>, vector<32x24xi32>
    %reduce_min3A_425 = arith.constant dense<2147483647> : vector<32xi32>
    %reduce_min3A_426 = vector.multi_reduction <minsi>, %select_n3A_424, %reduce_min3A_425 [1] : vector<32x24xi32> to vector<32xi32>
    %broadcast_in_dim3A_427 = vector.shape_cast %reduce_min3A_426 : vector<32xi32> to vector<32x1xi32>
    %eq3A_428 = vector.broadcast %broadcast_in_dim3A_427 : vector<32x1xi32> to vector<32x24xi32>
    %eq3A_429 = vector.broadcast %iota3A_394 : vector<1x24xi32> to vector<32x24xi32>
    %eq3A_430 = arith.cmpi eq, %eq3A_428, %eq3A_429 : vector<32x24xi32>
    %and3A_431 = vector.broadcast %lt3A_347 : vector<32x1xi1> to vector<32x24xi1>
    %and3A_432 = arith.andi %eq3A_430, %and3A_431 : vector<32x24xi1>
    %convert_element_type3A = arith.extui %and3A_432 : vector<32x24xi1> to vector<32x24xi32>
    %convert_element_type3A_433 = arith.sitofp %convert_element_type3A : vector<32x24xi32> to vector<32x24xf32>
    %iota3A_434 = tpu.iota {dimensions = array<i32: 0>} : vector<32x1xi32>
    %lt3A_435 = arith.constant 9 : i32
    %lt3A_436 = vector.broadcast %lt3A_435 : i32 to vector<32x1xi32>
    %lt3A_437 = arith.cmpi slt, %iota3A_434, %lt3A_436 : vector<32x1xi32>
    %convert_element_type3A_438 = arith.extui %lt3A_437 : vector<32x1xi1> to vector<32x1xi32>
    %convert_element_type3A_439 = arith.sitofp %convert_element_type3A_438 : vector<32x1xi32> to vector<32x1xf32>
    %mul3A_440 = vector.broadcast %convert_element_type3A_439 : vector<32x1xf32> to vector<32x24xf32>
    %mul3A_441 = arith.mulf %convert_element_type3A_433, %mul3A_440 : vector<32x24xf32>
    %reduce_sum3A_442 = arith.constant dense<0.000000e+00> : vector<24xf32>
    %reduce_sum3A_443 = vector.multi_reduction <add>, %mul3A_441, %reduce_sum3A_442 [0] : vector<32x24xf32> to vector<24xf32>
    %broadcast_in_dim3A_444 = vector.shape_cast %reduce_sum3A_443 : vector<24xf32> to vector<1x24xf32>
    %ge3A = arith.constant 9 : i32
    %ge3A_445 = vector.broadcast %ge3A : i32 to vector<32x1xi32>
    %ge3A_446 = arith.cmpi sge, %iota3A_434, %ge3A_445 : vector<32x1xi32>
    %and3A_447 = arith.andi %ge3A_446, %lt3A_347 : vector<32x1xi1>
    %convert_element_type3A_448 = arith.extui %and3A_447 : vector<32x1xi1> to vector<32x1xi32>
    %convert_element_type3A_449 = arith.sitofp %convert_element_type3A_448 : vector<32x1xi32> to vector<32x1xf32>
    %mul3A_450 = vector.broadcast %convert_element_type3A_449 : vector<32x1xf32> to vector<32x24xf32>
    %mul3A_451 = arith.mulf %convert_element_type3A_433, %mul3A_450 : vector<32x24xf32>
    %reduce_sum3A_452 = arith.constant dense<0.000000e+00> : vector<24xf32>
    %reduce_sum3A_453 = vector.multi_reduction <add>, %mul3A_451, %reduce_sum3A_452 [0] : vector<32x24xf32> to vector<24xf32>
    %broadcast_in_dim3A_454 = vector.shape_cast %reduce_sum3A_453 : vector<24xf32> to vector<1x24xf32>
    %eq3A_455 = arith.constant 0.000000e+00 : f32
    %eq3A_456 = vector.broadcast %eq3A_455 : f32 to vector<1x24xf32>
    %eq3A_457 = arith.cmpf oeq, %broadcast_in_dim3A_454, %eq3A_456 : vector<1x24xf32>
    %gt3A = arith.constant 0.000000e+00 : f32
    %gt3A_458 = vector.broadcast %gt3A : f32 to vector<1x24xf32>
    %gt3A_459 = arith.cmpf ogt, %broadcast_in_dim3A_444, %gt3A_458 : vector<1x24xf32>
    %and3A_460 = arith.andi %eq3A_457, %gt3A_459 : vector<1x24xi1>
    %jit3A_461 = arith.constant 0.000000e+00 : f32
    %broadcast_in_dim3A_462 = vector.broadcast %jit3A_461 : f32 to vector<1x24xf32>
    %select_n3A_463 = arith.select %and3A_460, %broadcast_in_dim3A_444, %broadcast_in_dim3A_462 : vector<1x24xi1>, vector<1x24xf32>
    %reduce_max3A = vector.shape_cast %select_n3A_463 : vector<1x24xf32> to vector<1x1x24xf32>
    %reduce_max3A_464 = arith.constant dense<0xFF800000> : vector<1xf32>
    %reduce_max3A_465 = vector.multi_reduction <maximumf>, %reduce_max3A, %reduce_max3A_464 [1, 2] : vector<1x1x24xf32> to vector<1xf32>
    %reduce_max3A_466 = vector.shape_cast %reduce_max3A_465 : vector<1xf32> to vector<1x1x1xf32>
    %reduce_max3A_467 = vector.extract %reduce_max3A_466[0, 0, 0] : f32 from vector<1x1x1xf32>
    %eq3A_468 = vector.broadcast %reduce_max3A_467 : f32 to vector<1x24xf32>
    %eq3A_469 = arith.cmpf oeq, %select_n3A_463, %eq3A_468 : vector<1x24xf32>
    %jit3A_470 = arith.constant 24 : i32
    %broadcast_in_dim3A_471 = vector.broadcast %jit3A_470 : i32 to vector<1x24xi32>
    %select_n3A_472 = arith.select %eq3A_469, %iota3A_393, %broadcast_in_dim3A_471 : vector<1x24xi1>, vector<1x24xi32>
    %reduce_min3A_473 = vector.shape_cast %select_n3A_472 : vector<1x24xi32> to vector<1x1x24xi32>
    %reduce_min3A_474 = arith.constant dense<2147483647> : vector<1xi32>
    %reduce_min3A_475 = vector.multi_reduction <minsi>, %reduce_min3A_473, %reduce_min3A_474 [1, 2] : vector<1x1x24xi32> to vector<1xi32>
    %reduce_min3A_476 = vector.shape_cast %reduce_min3A_475 : vector<1xi32> to vector<1x1x1xi32>
    %reduce_min3A_477 = vector.extract %reduce_min3A_476[0, 0, 0] : i32 from vector<1x1x1xi32>
    %eq3A_478 = vector.broadcast %reduce_min3A_477 : i32 to vector<1x24xi32>
    %eq3A_479 = arith.cmpi eq, %iota3A_393, %eq3A_478 : vector<1x24xi32>
    %convert_element_type3A_480 = arith.extui %eq3A_479 : vector<1x24xi1> to vector<1x24xi32>
    %convert_element_type3A_481 = arith.sitofp %convert_element_type3A_480 : vector<1x24xi32> to vector<1x24xf32>
    %dot_general3A = arith.constant dense<0.000000e+00> : vector<1x32xf32>
    %dot_general3A_482 = tpu.matmul %convert_element_type3A_481, %scan3A_404, %dot_general3A {dimension_numbers = #tpu.dot_dimension_numbers<[1], [0], [0], [1], [0, 0, 1, 1], [], []>, transpose_lhs_hint = false} : vector<1x24xf32>, vector<24x32xf32>, vector<1x32xf32> -> vector<1x32xf32>
    %iota3A_483 = tpu.iota {dimensions = array<i32: 1>} : vector<1x24xi32>
    %lt3A_484 = arith.constant 23 : i32
    %lt3A_485 = vector.broadcast %lt3A_484 : i32 to vector<1x24xi32>
    %lt3A_486 = arith.cmpi slt, %iota3A_483, %lt3A_485 : vector<1x24xi32>
    %slice3A_487 = vector.extract_strided_slice %add3A_392 {offsets = [0, 0], sizes = [24, 32], strides = [1, 1]} : vector<32x32xf32> to vector<24x32xf32>
    %broadcast_in_dim3A_488 = arith.constant 1.000000e+00 : f32
    %broadcast_in_dim3A_489 = vector.broadcast %broadcast_in_dim3A_488 : f32 to vector<32x1xf32>
    %scan3A_490 = arith.constant 0 : i32
    %scan3A_491 = arith.constant 10 : i32
    %scan3A_492 = arith.addi %scan3A_490, %scan3A_491 : i32
    %scan3A_493 = arith.constant 1 : i32
    %scan3A_494 = scf.for %scan3A_1040 = %scan3A_490 to %scan3A_492 step %scan3A_493 iter_args(%scan3A_1041 = %slice3A_487) -> (vector<24x32xf32>)  : i32 {
      %broadcast_in_dim3A_1042 = vector.shape_cast %add3A_392 : vector<32x32xf32> to vector<32x1x32xf32>
      %broadcast_in_dim3A_1043 = vector.shape_cast %scan3A_1041 : vector<24x32xf32> to vector<1x24x32xf32>
      %sub3A_1044 = vector.broadcast %broadcast_in_dim3A_1042 : vector<32x1x32xf32> to vector<32x24x32xf32>
      %sub3A_1045 = vector.broadcast %broadcast_in_dim3A_1043 : vector<1x24x32xf32> to vector<32x24x32xf32>
      %sub3A_1046 = arith.subf %sub3A_1044, %sub3A_1045 : vector<32x24x32xf32>
      %mul3A_1047 = arith.mulf %sub3A_1046, %sub3A_1046 : vector<32x24x32xf32>
      %reduce_sum3A_1048 = arith.constant dense<0.000000e+00> : vector<32x24xf32>
      %reduce_sum3A_1049 = vector.multi_reduction <add>, %mul3A_1047, %reduce_sum3A_1048 [2] : vector<32x24x32xf32> to vector<32x24xf32>
      %jit3A_1050 = arith.constant 3.000000e+38 : f32
      %broadcast_in_dim3A_1051 = vector.shape_cast %lt3A_486 : vector<1x24xi1> to vector<1x24xi1>
      %broadcast_in_dim3A_1052 = vector.broadcast %broadcast_in_dim3A_1051 : vector<1x24xi1> to vector<32x24xi1>
      %broadcast_in_dim3A_1053 = vector.broadcast %jit3A_1050 : f32 to vector<32x24xf32>
      %select_n3A_1054 = arith.select %broadcast_in_dim3A_1052, %reduce_sum3A_1049, %broadcast_in_dim3A_1053 : vector<32x24xi1>, vector<32x24xf32>
      %reduce_min3A_1055 = arith.constant dense<0x7F800000> : vector<32xf32>
      %reduce_min3A_1056 = vector.multi_reduction <minimumf>, %select_n3A_1054, %reduce_min3A_1055 [1] : vector<32x24xf32> to vector<32xf32>
      %broadcast_in_dim3A_1057 = vector.shape_cast %reduce_min3A_1056 : vector<32xf32> to vector<32x1xf32>
      %eq3A_1058 = vector.broadcast %broadcast_in_dim3A_1057 : vector<32x1xf32> to vector<32x24xf32>
      %eq3A_1059 = arith.cmpf oeq, %select_n3A_1054, %eq3A_1058 : vector<32x24xf32>
      %jit3A_1060 = arith.constant 24 : i32
      %broadcast_in_dim3A_1061 = vector.shape_cast %iota3A_483 : vector<1x24xi32> to vector<1x24xi32>
      %broadcast_in_dim3A_1062 = vector.broadcast %broadcast_in_dim3A_1061 : vector<1x24xi32> to vector<32x24xi32>
      %broadcast_in_dim3A_1063 = vector.broadcast %jit3A_1060 : i32 to vector<32x24xi32>
      %select_n3A_1064 = arith.select %eq3A_1059, %broadcast_in_dim3A_1062, %broadcast_in_dim3A_1063 : vector<32x24xi1>, vector<32x24xi32>
      %reduce_min3A_1065 = arith.constant dense<2147483647> : vector<32xi32>
      %reduce_min3A_1066 = vector.multi_reduction <minsi>, %select_n3A_1064, %reduce_min3A_1065 [1] : vector<32x24xi32> to vector<32xi32>
      %broadcast_in_dim3A_1067 = vector.shape_cast %reduce_min3A_1066 : vector<32xi32> to vector<32x1xi32>
      %eq3A_1068 = vector.broadcast %broadcast_in_dim3A_1067 : vector<32x1xi32> to vector<32x24xi32>
      %eq3A_1069 = vector.broadcast %iota3A_483 : vector<1x24xi32> to vector<32x24xi32>
      %eq3A_1070 = arith.cmpi eq, %eq3A_1068, %eq3A_1069 : vector<32x24xi32>
      %and3A_1071 = vector.broadcast %lt3A_347 : vector<32x1xi1> to vector<32x24xi1>
      %and3A_1072 = arith.andi %eq3A_1070, %and3A_1071 : vector<32x24xi1>
      %convert_element_type3A_1073 = arith.extui %and3A_1072 : vector<32x24xi1> to vector<32x24xi32>
      %convert_element_type3A_1074 = arith.sitofp %convert_element_type3A_1073 : vector<32x24xi32> to vector<32x24xf32>
      %dot_general3A_1075 = arith.constant dense<0.000000e+00> : vector<24x1xf32>
      %dot_general3A_1076 = tpu.matmul %convert_element_type3A_1074, %broadcast_in_dim3A_489, %dot_general3A_1075 {dimension_numbers = #tpu.dot_dimension_numbers<[0], [0], [1], [1], [0, 1, 1, 1], [], []>, transpose_lhs_hint = false} : vector<32x24xf32>, vector<32x1xf32>, vector<24x1xf32> -> vector<24x1xf32>
      %dot_general3A_1077 = arith.constant dense<0.000000e+00> : vector<24x32xf32>
      %dot_general3A_1078 = tpu.matmul %convert_element_type3A_1074, %add3A_392, %dot_general3A_1077 {dimension_numbers = #tpu.dot_dimension_numbers<[0], [0], [1], [1], [0, 1, 1, 1], [], []>, transpose_lhs_hint = false} : vector<32x24xf32>, vector<32x32xf32>, vector<24x32xf32> -> vector<24x32xf32>
      %max3A_1079 = arith.constant 1.000000e+00 : f32
      %max3A_1080 = vector.broadcast %max3A_1079 : f32 to vector<24x1xf32>
      %max3A_1081 = arith.maximumf %dot_general3A_1076, %max3A_1080 : vector<24x1xf32>
      %div3A = vector.broadcast %max3A_1081 : vector<24x1xf32> to vector<24x32xf32>
      %div3A_1082 = arith.divf %dot_general3A_1078, %div3A : vector<24x32xf32>
      %gt3A_1083 = arith.constant 0.000000e+00 : f32
      %gt3A_1084 = vector.broadcast %gt3A_1083 : f32 to vector<24x1xf32>
      %gt3A_1085 = arith.cmpf ogt, %dot_general3A_1076, %gt3A_1084 : vector<24x1xf32>
      %broadcast_in_dim3A_1086 = vector.shape_cast %gt3A_1085 : vector<24x1xi1> to vector<24x1xi1>
      %broadcast_in_dim3A_1087 = vector.broadcast %broadcast_in_dim3A_1086 : vector<24x1xi1> to vector<24x32xi1>
      %select_n3A_1088 = arith.select %broadcast_in_dim3A_1087, %div3A_1082, %scan3A_1041 : vector<24x32xi1>, vector<24x32xf32>
      scf.yield %select_n3A_1088 : vector<24x32xf32>
    }
    %broadcast_in_dim3A_495 = vector.shape_cast %add3A_392 : vector<32x32xf32> to vector<32x1x32xf32>
    %broadcast_in_dim3A_496 = vector.shape_cast %scan3A_494 : vector<24x32xf32> to vector<1x24x32xf32>
    %sub3A_497 = vector.broadcast %broadcast_in_dim3A_495 : vector<32x1x32xf32> to vector<32x24x32xf32>
    %sub3A_498 = vector.broadcast %broadcast_in_dim3A_496 : vector<1x24x32xf32> to vector<32x24x32xf32>
    %sub3A_499 = arith.subf %sub3A_497, %sub3A_498 : vector<32x24x32xf32>
    %mul3A_500 = arith.mulf %sub3A_499, %sub3A_499 : vector<32x24x32xf32>
    %reduce_sum3A_501 = arith.constant dense<0.000000e+00> : vector<32x24xf32>
    %reduce_sum3A_502 = vector.multi_reduction <add>, %mul3A_500, %reduce_sum3A_501 [2] : vector<32x24x32xf32> to vector<32x24xf32>
    %jit3A_503 = arith.constant 3.000000e+38 : f32
    %broadcast_in_dim3A_504 = vector.shape_cast %lt3A_486 : vector<1x24xi1> to vector<1x24xi1>
    %broadcast_in_dim3A_505 = vector.broadcast %broadcast_in_dim3A_504 : vector<1x24xi1> to vector<32x24xi1>
    %broadcast_in_dim3A_506 = vector.broadcast %jit3A_503 : f32 to vector<32x24xf32>
    %select_n3A_507 = arith.select %broadcast_in_dim3A_505, %reduce_sum3A_502, %broadcast_in_dim3A_506 : vector<32x24xi1>, vector<32x24xf32>
    %reduce_min3A_508 = arith.constant dense<0x7F800000> : vector<32xf32>
    %reduce_min3A_509 = vector.multi_reduction <minimumf>, %select_n3A_507, %reduce_min3A_508 [1] : vector<32x24xf32> to vector<32xf32>
    %broadcast_in_dim3A_510 = vector.shape_cast %reduce_min3A_509 : vector<32xf32> to vector<32x1xf32>
    %eq3A_511 = vector.broadcast %broadcast_in_dim3A_510 : vector<32x1xf32> to vector<32x24xf32>
    %eq3A_512 = arith.cmpf oeq, %select_n3A_507, %eq3A_511 : vector<32x24xf32>
    %jit3A_513 = arith.constant 24 : i32
    %broadcast_in_dim3A_514 = vector.shape_cast %iota3A_483 : vector<1x24xi32> to vector<1x24xi32>
    %broadcast_in_dim3A_515 = vector.broadcast %broadcast_in_dim3A_514 : vector<1x24xi32> to vector<32x24xi32>
    %broadcast_in_dim3A_516 = vector.broadcast %jit3A_513 : i32 to vector<32x24xi32>
    %select_n3A_517 = arith.select %eq3A_512, %broadcast_in_dim3A_515, %broadcast_in_dim3A_516 : vector<32x24xi1>, vector<32x24xi32>
    %reduce_min3A_518 = arith.constant dense<2147483647> : vector<32xi32>
    %reduce_min3A_519 = vector.multi_reduction <minsi>, %select_n3A_517, %reduce_min3A_518 [1] : vector<32x24xi32> to vector<32xi32>
    %broadcast_in_dim3A_520 = vector.shape_cast %reduce_min3A_519 : vector<32xi32> to vector<32x1xi32>
    %eq3A_521 = vector.broadcast %broadcast_in_dim3A_520 : vector<32x1xi32> to vector<32x24xi32>
    %eq3A_522 = vector.broadcast %iota3A_483 : vector<1x24xi32> to vector<32x24xi32>
    %eq3A_523 = arith.cmpi eq, %eq3A_521, %eq3A_522 : vector<32x24xi32>
    %and3A_524 = vector.broadcast %lt3A_347 : vector<32x1xi1> to vector<32x24xi1>
    %and3A_525 = arith.andi %eq3A_523, %and3A_524 : vector<32x24xi1>
    %convert_element_type3A_526 = arith.extui %and3A_525 : vector<32x24xi1> to vector<32x24xi32>
    %convert_element_type3A_527 = arith.sitofp %convert_element_type3A_526 : vector<32x24xi32> to vector<32x24xf32>
    %iota3A_528 = tpu.iota {dimensions = array<i32: 0>} : vector<32x1xi32>
    %lt3A_529 = arith.constant 9 : i32
    %lt3A_530 = vector.broadcast %lt3A_529 : i32 to vector<32x1xi32>
    %lt3A_531 = arith.cmpi slt, %iota3A_528, %lt3A_530 : vector<32x1xi32>
    %convert_element_type3A_532 = arith.extui %lt3A_531 : vector<32x1xi1> to vector<32x1xi32>
    %convert_element_type3A_533 = arith.sitofp %convert_element_type3A_532 : vector<32x1xi32> to vector<32x1xf32>
    %mul3A_534 = vector.broadcast %convert_element_type3A_533 : vector<32x1xf32> to vector<32x24xf32>
    %mul3A_535 = arith.mulf %convert_element_type3A_527, %mul3A_534 : vector<32x24xf32>
    %reduce_sum3A_536 = arith.constant dense<0.000000e+00> : vector<24xf32>
    %reduce_sum3A_537 = vector.multi_reduction <add>, %mul3A_535, %reduce_sum3A_536 [0] : vector<32x24xf32> to vector<24xf32>
    %broadcast_in_dim3A_538 = vector.shape_cast %reduce_sum3A_537 : vector<24xf32> to vector<1x24xf32>
    %ge3A_539 = arith.constant 9 : i32
    %ge3A_540 = vector.broadcast %ge3A_539 : i32 to vector<32x1xi32>
    %ge3A_541 = arith.cmpi sge, %iota3A_528, %ge3A_540 : vector<32x1xi32>
    %and3A_542 = arith.andi %ge3A_541, %lt3A_347 : vector<32x1xi1>
    %convert_element_type3A_543 = arith.extui %and3A_542 : vector<32x1xi1> to vector<32x1xi32>
    %convert_element_type3A_544 = arith.sitofp %convert_element_type3A_543 : vector<32x1xi32> to vector<32x1xf32>
    %mul3A_545 = vector.broadcast %convert_element_type3A_544 : vector<32x1xf32> to vector<32x24xf32>
    %mul3A_546 = arith.mulf %convert_element_type3A_527, %mul3A_545 : vector<32x24xf32>
    %reduce_sum3A_547 = arith.constant dense<0.000000e+00> : vector<24xf32>
    %reduce_sum3A_548 = vector.multi_reduction <add>, %mul3A_546, %reduce_sum3A_547 [0] : vector<32x24xf32> to vector<24xf32>
    %broadcast_in_dim3A_549 = vector.shape_cast %reduce_sum3A_548 : vector<24xf32> to vector<1x24xf32>
    %eq3A_550 = arith.constant 0.000000e+00 : f32
    %eq3A_551 = vector.broadcast %eq3A_550 : f32 to vector<1x24xf32>
    %eq3A_552 = arith.cmpf oeq, %broadcast_in_dim3A_549, %eq3A_551 : vector<1x24xf32>
    %gt3A_553 = arith.constant 0.000000e+00 : f32
    %gt3A_554 = vector.broadcast %gt3A_553 : f32 to vector<1x24xf32>
    %gt3A_555 = arith.cmpf ogt, %broadcast_in_dim3A_538, %gt3A_554 : vector<1x24xf32>
    %and3A_556 = arith.andi %eq3A_552, %gt3A_555 : vector<1x24xi1>
    %jit3A_557 = arith.constant 0.000000e+00 : f32
    %broadcast_in_dim3A_558 = vector.broadcast %jit3A_557 : f32 to vector<1x24xf32>
    %select_n3A_559 = arith.select %and3A_556, %broadcast_in_dim3A_538, %broadcast_in_dim3A_558 : vector<1x24xi1>, vector<1x24xf32>
    %reduce_max3A_560 = vector.shape_cast %select_n3A_559 : vector<1x24xf32> to vector<1x1x24xf32>
    %reduce_max3A_561 = arith.constant dense<0xFF800000> : vector<1xf32>
    %reduce_max3A_562 = vector.multi_reduction <maximumf>, %reduce_max3A_560, %reduce_max3A_561 [1, 2] : vector<1x1x24xf32> to vector<1xf32>
    %reduce_max3A_563 = vector.shape_cast %reduce_max3A_562 : vector<1xf32> to vector<1x1x1xf32>
    %reduce_max3A_564 = vector.extract %reduce_max3A_563[0, 0, 0] : f32 from vector<1x1x1xf32>
    %eq3A_565 = vector.broadcast %reduce_max3A_564 : f32 to vector<1x24xf32>
    %eq3A_566 = arith.cmpf oeq, %select_n3A_559, %eq3A_565 : vector<1x24xf32>
    %jit3A_567 = arith.constant 24 : i32
    %broadcast_in_dim3A_568 = vector.broadcast %jit3A_567 : i32 to vector<1x24xi32>
    %select_n3A_569 = arith.select %eq3A_566, %iota3A_393, %broadcast_in_dim3A_568 : vector<1x24xi1>, vector<1x24xi32>
    %reduce_min3A_570 = vector.shape_cast %select_n3A_569 : vector<1x24xi32> to vector<1x1x24xi32>
    %reduce_min3A_571 = arith.constant dense<2147483647> : vector<1xi32>
    %reduce_min3A_572 = vector.multi_reduction <minsi>, %reduce_min3A_570, %reduce_min3A_571 [1, 2] : vector<1x1x24xi32> to vector<1xi32>
    %reduce_min3A_573 = vector.shape_cast %reduce_min3A_572 : vector<1xi32> to vector<1x1x1xi32>
    %reduce_min3A_574 = vector.extract %reduce_min3A_573[0, 0, 0] : i32 from vector<1x1x1xi32>
    %eq3A_575 = vector.broadcast %reduce_min3A_574 : i32 to vector<1x24xi32>
    %eq3A_576 = arith.cmpi eq, %iota3A_393, %eq3A_575 : vector<1x24xi32>
    %convert_element_type3A_577 = arith.extui %eq3A_576 : vector<1x24xi1> to vector<1x24xi32>
    %convert_element_type3A_578 = arith.sitofp %convert_element_type3A_577 : vector<1x24xi32> to vector<1x24xf32>
    %dot_general3A_579 = arith.constant dense<0.000000e+00> : vector<1x32xf32>
    %dot_general3A_580 = tpu.matmul %convert_element_type3A_578, %scan3A_494, %dot_general3A_579 {dimension_numbers = #tpu.dot_dimension_numbers<[1], [0], [0], [1], [0, 0, 1, 1], [], []>, transpose_lhs_hint = false} : vector<1x24xf32>, vector<24x32xf32>, vector<1x32xf32> -> vector<1x32xf32>
    %iota3A_581 = tpu.iota {dimensions = array<i32: 1>} : vector<1x24xi32>
    %lt3A_582 = arith.constant 22 : i32
    %lt3A_583 = vector.broadcast %lt3A_582 : i32 to vector<1x24xi32>
    %lt3A_584 = arith.cmpi slt, %iota3A_581, %lt3A_583 : vector<1x24xi32>
    %slice3A_585 = vector.extract_strided_slice %add3A_392 {offsets = [0, 0], sizes = [24, 32], strides = [1, 1]} : vector<32x32xf32> to vector<24x32xf32>
    %broadcast_in_dim3A_586 = arith.constant 1.000000e+00 : f32
    %broadcast_in_dim3A_587 = vector.broadcast %broadcast_in_dim3A_586 : f32 to vector<32x1xf32>
    %scan3A_588 = arith.constant 0 : i32
    %scan3A_589 = arith.constant 10 : i32
    %scan3A_590 = arith.addi %scan3A_588, %scan3A_589 : i32
    %scan3A_591 = arith.constant 1 : i32
    %scan3A_592 = scf.for %scan3A_1040 = %scan3A_588 to %scan3A_590 step %scan3A_591 iter_args(%scan3A_1041 = %slice3A_585) -> (vector<24x32xf32>)  : i32 {
      %broadcast_in_dim3A_1042 = vector.shape_cast %add3A_392 : vector<32x32xf32> to vector<32x1x32xf32>
      %broadcast_in_dim3A_1043 = vector.shape_cast %scan3A_1041 : vector<24x32xf32> to vector<1x24x32xf32>
      %sub3A_1044 = vector.broadcast %broadcast_in_dim3A_1042 : vector<32x1x32xf32> to vector<32x24x32xf32>
      %sub3A_1045 = vector.broadcast %broadcast_in_dim3A_1043 : vector<1x24x32xf32> to vector<32x24x32xf32>
      %sub3A_1046 = arith.subf %sub3A_1044, %sub3A_1045 : vector<32x24x32xf32>
      %mul3A_1047 = arith.mulf %sub3A_1046, %sub3A_1046 : vector<32x24x32xf32>
      %reduce_sum3A_1048 = arith.constant dense<0.000000e+00> : vector<32x24xf32>
      %reduce_sum3A_1049 = vector.multi_reduction <add>, %mul3A_1047, %reduce_sum3A_1048 [2] : vector<32x24x32xf32> to vector<32x24xf32>
      %jit3A_1050 = arith.constant 3.000000e+38 : f32
      %broadcast_in_dim3A_1051 = vector.shape_cast %lt3A_584 : vector<1x24xi1> to vector<1x24xi1>
      %broadcast_in_dim3A_1052 = vector.broadcast %broadcast_in_dim3A_1051 : vector<1x24xi1> to vector<32x24xi1>
      %broadcast_in_dim3A_1053 = vector.broadcast %jit3A_1050 : f32 to vector<32x24xf32>
      %select_n3A_1054 = arith.select %broadcast_in_dim3A_1052, %reduce_sum3A_1049, %broadcast_in_dim3A_1053 : vector<32x24xi1>, vector<32x24xf32>
      %reduce_min3A_1055 = arith.constant dense<0x7F800000> : vector<32xf32>
      %reduce_min3A_1056 = vector.multi_reduction <minimumf>, %select_n3A_1054, %reduce_min3A_1055 [1] : vector<32x24xf32> to vector<32xf32>
      %broadcast_in_dim3A_1057 = vector.shape_cast %reduce_min3A_1056 : vector<32xf32> to vector<32x1xf32>
      %eq3A_1058 = vector.broadcast %broadcast_in_dim3A_1057 : vector<32x1xf32> to vector<32x24xf32>
      %eq3A_1059 = arith.cmpf oeq, %select_n3A_1054, %eq3A_1058 : vector<32x24xf32>
      %jit3A_1060 = arith.constant 24 : i32
      %broadcast_in_dim3A_1061 = vector.shape_cast %iota3A_581 : vector<1x24xi32> to vector<1x24xi32>
      %broadcast_in_dim3A_1062 = vector.broadcast %broadcast_in_dim3A_1061 : vector<1x24xi32> to vector<32x24xi32>
      %broadcast_in_dim3A_1063 = vector.broadcast %jit3A_1060 : i32 to vector<32x24xi32>
      %select_n3A_1064 = arith.select %eq3A_1059, %broadcast_in_dim3A_1062, %broadcast_in_dim3A_1063 : vector<32x24xi1>, vector<32x24xi32>
      %reduce_min3A_1065 = arith.constant dense<2147483647> : vector<32xi32>
      %reduce_min3A_1066 = vector.multi_reduction <minsi>, %select_n3A_1064, %reduce_min3A_1065 [1] : vector<32x24xi32> to vector<32xi32>
      %broadcast_in_dim3A_1067 = vector.shape_cast %reduce_min3A_1066 : vector<32xi32> to vector<32x1xi32>
      %eq3A_1068 = vector.broadcast %broadcast_in_dim3A_1067 : vector<32x1xi32> to vector<32x24xi32>
      %eq3A_1069 = vector.broadcast %iota3A_581 : vector<1x24xi32> to vector<32x24xi32>
      %eq3A_1070 = arith.cmpi eq, %eq3A_1068, %eq3A_1069 : vector<32x24xi32>
      %and3A_1071 = vector.broadcast %lt3A_347 : vector<32x1xi1> to vector<32x24xi1>
      %and3A_1072 = arith.andi %eq3A_1070, %and3A_1071 : vector<32x24xi1>
      %convert_element_type3A_1073 = arith.extui %and3A_1072 : vector<32x24xi1> to vector<32x24xi32>
      %convert_element_type3A_1074 = arith.sitofp %convert_element_type3A_1073 : vector<32x24xi32> to vector<32x24xf32>
      %dot_general3A_1075 = arith.constant dense<0.000000e+00> : vector<24x1xf32>
      %dot_general3A_1076 = tpu.matmul %convert_element_type3A_1074, %broadcast_in_dim3A_587, %dot_general3A_1075 {dimension_numbers = #tpu.dot_dimension_numbers<[0], [0], [1], [1], [0, 1, 1, 1], [], []>, transpose_lhs_hint = false} : vector<32x24xf32>, vector<32x1xf32>, vector<24x1xf32> -> vector<24x1xf32>
      %dot_general3A_1077 = arith.constant dense<0.000000e+00> : vector<24x32xf32>
      %dot_general3A_1078 = tpu.matmul %convert_element_type3A_1074, %add3A_392, %dot_general3A_1077 {dimension_numbers = #tpu.dot_dimension_numbers<[0], [0], [1], [1], [0, 1, 1, 1], [], []>, transpose_lhs_hint = false} : vector<32x24xf32>, vector<32x32xf32>, vector<24x32xf32> -> vector<24x32xf32>
      %max3A_1079 = arith.constant 1.000000e+00 : f32
      %max3A_1080 = vector.broadcast %max3A_1079 : f32 to vector<24x1xf32>
      %max3A_1081 = arith.maximumf %dot_general3A_1076, %max3A_1080 : vector<24x1xf32>
      %div3A = vector.broadcast %max3A_1081 : vector<24x1xf32> to vector<24x32xf32>
      %div3A_1082 = arith.divf %dot_general3A_1078, %div3A : vector<24x32xf32>
      %gt3A_1083 = arith.constant 0.000000e+00 : f32
      %gt3A_1084 = vector.broadcast %gt3A_1083 : f32 to vector<24x1xf32>
      %gt3A_1085 = arith.cmpf ogt, %dot_general3A_1076, %gt3A_1084 : vector<24x1xf32>
      %broadcast_in_dim3A_1086 = vector.shape_cast %gt3A_1085 : vector<24x1xi1> to vector<24x1xi1>
      %broadcast_in_dim3A_1087 = vector.broadcast %broadcast_in_dim3A_1086 : vector<24x1xi1> to vector<24x32xi1>
      %select_n3A_1088 = arith.select %broadcast_in_dim3A_1087, %div3A_1082, %scan3A_1041 : vector<24x32xi1>, vector<24x32xf32>
      scf.yield %select_n3A_1088 : vector<24x32xf32>
    }
    %broadcast_in_dim3A_593 = vector.shape_cast %add3A_392 : vector<32x32xf32> to vector<32x1x32xf32>
    %broadcast_in_dim3A_594 = vector.shape_cast %scan3A_592 : vector<24x32xf32> to vector<1x24x32xf32>
    %sub3A_595 = vector.broadcast %broadcast_in_dim3A_593 : vector<32x1x32xf32> to vector<32x24x32xf32>
    %sub3A_596 = vector.broadcast %broadcast_in_dim3A_594 : vector<1x24x32xf32> to vector<32x24x32xf32>
    %sub3A_597 = arith.subf %sub3A_595, %sub3A_596 : vector<32x24x32xf32>
    %mul3A_598 = arith.mulf %sub3A_597, %sub3A_597 : vector<32x24x32xf32>
    %reduce_sum3A_599 = arith.constant dense<0.000000e+00> : vector<32x24xf32>
    %reduce_sum3A_600 = vector.multi_reduction <add>, %mul3A_598, %reduce_sum3A_599 [2] : vector<32x24x32xf32> to vector<32x24xf32>
    %jit3A_601 = arith.constant 3.000000e+38 : f32
    %broadcast_in_dim3A_602 = vector.shape_cast %lt3A_584 : vector<1x24xi1> to vector<1x24xi1>
    %broadcast_in_dim3A_603 = vector.broadcast %broadcast_in_dim3A_602 : vector<1x24xi1> to vector<32x24xi1>
    %broadcast_in_dim3A_604 = vector.broadcast %jit3A_601 : f32 to vector<32x24xf32>
    %select_n3A_605 = arith.select %broadcast_in_dim3A_603, %reduce_sum3A_600, %broadcast_in_dim3A_604 : vector<32x24xi1>, vector<32x24xf32>
    %reduce_min3A_606 = arith.constant dense<0x7F800000> : vector<32xf32>
    %reduce_min3A_607 = vector.multi_reduction <minimumf>, %select_n3A_605, %reduce_min3A_606 [1] : vector<32x24xf32> to vector<32xf32>
    %broadcast_in_dim3A_608 = vector.shape_cast %reduce_min3A_607 : vector<32xf32> to vector<32x1xf32>
    %eq3A_609 = vector.broadcast %broadcast_in_dim3A_608 : vector<32x1xf32> to vector<32x24xf32>
    %eq3A_610 = arith.cmpf oeq, %select_n3A_605, %eq3A_609 : vector<32x24xf32>
    %jit3A_611 = arith.constant 24 : i32
    %broadcast_in_dim3A_612 = vector.shape_cast %iota3A_581 : vector<1x24xi32> to vector<1x24xi32>
    %broadcast_in_dim3A_613 = vector.broadcast %broadcast_in_dim3A_612 : vector<1x24xi32> to vector<32x24xi32>
    %broadcast_in_dim3A_614 = vector.broadcast %jit3A_611 : i32 to vector<32x24xi32>
    %select_n3A_615 = arith.select %eq3A_610, %broadcast_in_dim3A_613, %broadcast_in_dim3A_614 : vector<32x24xi1>, vector<32x24xi32>
    %reduce_min3A_616 = arith.constant dense<2147483647> : vector<32xi32>
    %reduce_min3A_617 = vector.multi_reduction <minsi>, %select_n3A_615, %reduce_min3A_616 [1] : vector<32x24xi32> to vector<32xi32>
    %broadcast_in_dim3A_618 = vector.shape_cast %reduce_min3A_617 : vector<32xi32> to vector<32x1xi32>
    %eq3A_619 = vector.broadcast %broadcast_in_dim3A_618 : vector<32x1xi32> to vector<32x24xi32>
    %eq3A_620 = vector.broadcast %iota3A_581 : vector<1x24xi32> to vector<32x24xi32>
    %eq3A_621 = arith.cmpi eq, %eq3A_619, %eq3A_620 : vector<32x24xi32>
    %and3A_622 = vector.broadcast %lt3A_347 : vector<32x1xi1> to vector<32x24xi1>
    %and3A_623 = arith.andi %eq3A_621, %and3A_622 : vector<32x24xi1>
    %convert_element_type3A_624 = arith.extui %and3A_623 : vector<32x24xi1> to vector<32x24xi32>
    %convert_element_type3A_625 = arith.sitofp %convert_element_type3A_624 : vector<32x24xi32> to vector<32x24xf32>
    %iota3A_626 = tpu.iota {dimensions = array<i32: 0>} : vector<32x1xi32>
    %lt3A_627 = arith.constant 9 : i32
    %lt3A_628 = vector.broadcast %lt3A_627 : i32 to vector<32x1xi32>
    %lt3A_629 = arith.cmpi slt, %iota3A_626, %lt3A_628 : vector<32x1xi32>
    %convert_element_type3A_630 = arith.extui %lt3A_629 : vector<32x1xi1> to vector<32x1xi32>
    %convert_element_type3A_631 = arith.sitofp %convert_element_type3A_630 : vector<32x1xi32> to vector<32x1xf32>
    %mul3A_632 = vector.broadcast %convert_element_type3A_631 : vector<32x1xf32> to vector<32x24xf32>
    %mul3A_633 = arith.mulf %convert_element_type3A_625, %mul3A_632 : vector<32x24xf32>
    %reduce_sum3A_634 = arith.constant dense<0.000000e+00> : vector<24xf32>
    %reduce_sum3A_635 = vector.multi_reduction <add>, %mul3A_633, %reduce_sum3A_634 [0] : vector<32x24xf32> to vector<24xf32>
    %broadcast_in_dim3A_636 = vector.shape_cast %reduce_sum3A_635 : vector<24xf32> to vector<1x24xf32>
    %ge3A_637 = arith.constant 9 : i32
    %ge3A_638 = vector.broadcast %ge3A_637 : i32 to vector<32x1xi32>
    %ge3A_639 = arith.cmpi sge, %iota3A_626, %ge3A_638 : vector<32x1xi32>
    %and3A_640 = arith.andi %ge3A_639, %lt3A_347 : vector<32x1xi1>
    %convert_element_type3A_641 = arith.extui %and3A_640 : vector<32x1xi1> to vector<32x1xi32>
    %convert_element_type3A_642 = arith.sitofp %convert_element_type3A_641 : vector<32x1xi32> to vector<32x1xf32>
    %mul3A_643 = vector.broadcast %convert_element_type3A_642 : vector<32x1xf32> to vector<32x24xf32>
    %mul3A_644 = arith.mulf %convert_element_type3A_625, %mul3A_643 : vector<32x24xf32>
    %reduce_sum3A_645 = arith.constant dense<0.000000e+00> : vector<24xf32>
    %reduce_sum3A_646 = vector.multi_reduction <add>, %mul3A_644, %reduce_sum3A_645 [0] : vector<32x24xf32> to vector<24xf32>
    %broadcast_in_dim3A_647 = vector.shape_cast %reduce_sum3A_646 : vector<24xf32> to vector<1x24xf32>
    %eq3A_648 = arith.constant 0.000000e+00 : f32
    %eq3A_649 = vector.broadcast %eq3A_648 : f32 to vector<1x24xf32>
    %eq3A_650 = arith.cmpf oeq, %broadcast_in_dim3A_647, %eq3A_649 : vector<1x24xf32>
    %gt3A_651 = arith.constant 0.000000e+00 : f32
    %gt3A_652 = vector.broadcast %gt3A_651 : f32 to vector<1x24xf32>
    %gt3A_653 = arith.cmpf ogt, %broadcast_in_dim3A_636, %gt3A_652 : vector<1x24xf32>
    %and3A_654 = arith.andi %eq3A_650, %gt3A_653 : vector<1x24xi1>
    %jit3A_655 = arith.constant 0.000000e+00 : f32
    %broadcast_in_dim3A_656 = vector.broadcast %jit3A_655 : f32 to vector<1x24xf32>
    %select_n3A_657 = arith.select %and3A_654, %broadcast_in_dim3A_636, %broadcast_in_dim3A_656 : vector<1x24xi1>, vector<1x24xf32>
    %reduce_max3A_658 = vector.shape_cast %select_n3A_657 : vector<1x24xf32> to vector<1x1x24xf32>
    %reduce_max3A_659 = arith.constant dense<0xFF800000> : vector<1xf32>
    %reduce_max3A_660 = vector.multi_reduction <maximumf>, %reduce_max3A_658, %reduce_max3A_659 [1, 2] : vector<1x1x24xf32> to vector<1xf32>
    %reduce_max3A_661 = vector.shape_cast %reduce_max3A_660 : vector<1xf32> to vector<1x1x1xf32>
    %reduce_max3A_662 = vector.extract %reduce_max3A_661[0, 0, 0] : f32 from vector<1x1x1xf32>
    %eq3A_663 = vector.broadcast %reduce_max3A_662 : f32 to vector<1x24xf32>
    %eq3A_664 = arith.cmpf oeq, %select_n3A_657, %eq3A_663 : vector<1x24xf32>
    %jit3A_665 = arith.constant 24 : i32
    %broadcast_in_dim3A_666 = vector.broadcast %jit3A_665 : i32 to vector<1x24xi32>
    %select_n3A_667 = arith.select %eq3A_664, %iota3A_393, %broadcast_in_dim3A_666 : vector<1x24xi1>, vector<1x24xi32>
    %reduce_min3A_668 = vector.shape_cast %select_n3A_667 : vector<1x24xi32> to vector<1x1x24xi32>
    %reduce_min3A_669 = arith.constant dense<2147483647> : vector<1xi32>
    %reduce_min3A_670 = vector.multi_reduction <minsi>, %reduce_min3A_668, %reduce_min3A_669 [1, 2] : vector<1x1x24xi32> to vector<1xi32>
    %reduce_min3A_671 = vector.shape_cast %reduce_min3A_670 : vector<1xi32> to vector<1x1x1xi32>
    %reduce_min3A_672 = vector.extract %reduce_min3A_671[0, 0, 0] : i32 from vector<1x1x1xi32>
    %eq3A_673 = vector.broadcast %reduce_min3A_672 : i32 to vector<1x24xi32>
    %eq3A_674 = arith.cmpi eq, %iota3A_393, %eq3A_673 : vector<1x24xi32>
    %convert_element_type3A_675 = arith.extui %eq3A_674 : vector<1x24xi1> to vector<1x24xi32>
    %convert_element_type3A_676 = arith.sitofp %convert_element_type3A_675 : vector<1x24xi32> to vector<1x24xf32>
    %dot_general3A_677 = arith.constant dense<0.000000e+00> : vector<1x32xf32>
    %dot_general3A_678 = tpu.matmul %convert_element_type3A_676, %scan3A_592, %dot_general3A_677 {dimension_numbers = #tpu.dot_dimension_numbers<[1], [0], [0], [1], [0, 0, 1, 1], [], []>, transpose_lhs_hint = false} : vector<1x24xf32>, vector<24x32xf32>, vector<1x32xf32> -> vector<1x32xf32>
    %max3A = arith.maximumf %reduce_max3A_467, %reduce_max3A_564 : f32
    %max3A_679 = arith.maximumf %max3A, %reduce_max3A_662 : f32
    %eq3A_680 = arith.cmpf oeq, %reduce_max3A_467, %max3A_679 : f32
    %eq3A_681 = arith.cmpf oeq, %reduce_max3A_564, %max3A_679 : f32
    %not3A = arith.constant true
    %not3A_682 = arith.xori %eq3A_680, %not3A : i1
    %and3A_683 = arith.andi %eq3A_681, %not3A_682 : i1
    %eq3A_684 = arith.cmpf oeq, %reduce_max3A_662, %max3A_679 : f32
    %not3A_685 = arith.constant true
    %not3A_686 = arith.xori %eq3A_680, %not3A_685 : i1
    %and3A_687 = arith.andi %eq3A_684, %not3A_686 : i1
    %not3A_688 = arith.constant true
    %not3A_689 = arith.xori %and3A_683, %not3A_688 : i1
    %and3A_690 = arith.andi %and3A_687, %not3A_689 : i1
    %jit3A_691 = arith.constant 1.000000e+00 : f32
    %jit3A_692 = arith.constant 0.000000e+00 : f32
    %select_n3A_693 = arith.select %eq3A_680, %jit3A_691, %jit3A_692 : f32
    %mul3A_694 = vector.broadcast %select_n3A_693 : f32 to vector<1x32xf32>
    %mul3A_695 = arith.mulf %mul3A_694, %dot_general3A_482 : vector<1x32xf32>
    %jit3A_696 = arith.constant 1.000000e+00 : f32
    %jit3A_697 = arith.constant 0.000000e+00 : f32
    %select_n3A_698 = arith.select %and3A_683, %jit3A_696, %jit3A_697 : f32
    %mul3A_699 = vector.broadcast %select_n3A_698 : f32 to vector<1x32xf32>
    %mul3A_700 = arith.mulf %mul3A_699, %dot_general3A_580 : vector<1x32xf32>
    %add3A_701 = arith.addf %mul3A_695, %mul3A_700 : vector<1x32xf32>
    %jit3A_702 = arith.constant 1.000000e+00 : f32
    %jit3A_703 = arith.constant 0.000000e+00 : f32
    %select_n3A_704 = arith.select %and3A_690, %jit3A_702, %jit3A_703 : f32
    %mul3A_705 = vector.broadcast %select_n3A_704 : f32 to vector<1x32xf32>
    %mul3A_706 = arith.mulf %mul3A_705, %dot_general3A_678 : vector<1x32xf32>
    %add3A_707 = arith.addf %add3A_701, %mul3A_706 : vector<1x32xf32>
    %iota3A_708 = tpu.iota {dimensions = array<i32: 0>} : vector<32x128xi32>
    %iota3A_709 = tpu.iota {dimensions = array<i32: 1>} : vector<32x128xi32>
    %add3A_710 = arith.addi %iota3A_708, %iota3A_709 : vector<32x128xi32>
    %rem3A = arith.constant 32 : i32
    %rem3A_711 = vector.broadcast %rem3A : i32 to vector<32x128xi32>
    %rem3A_712 = arith.remsi %add3A_710, %rem3A_711 : vector<32x128xi32>
    %broadcast_in_dim3A_713 = arith.constant 0.000000e+00 : f32
    %broadcast_in_dim3A_714 = vector.broadcast %broadcast_in_dim3A_713 : f32 to vector<32x128xf32>
    %slice3A_715 = vector.extract_strided_slice %add3A_707 {offsets = [0, 0], sizes = [1, 1], strides = [1, 1]} : vector<1x32xf32> to vector<1x1xf32>
    %squeeze3A = vector.extract %slice3A_715[0, 0] : f32 from vector<1x1xf32>
    %eq3A_716 = arith.constant 0 : i32
    %eq3A_717 = vector.broadcast %eq3A_716 : i32 to vector<32x128xi32>
    %eq3A_718 = arith.cmpi eq, %rem3A_712, %eq3A_717 : vector<32x128xi32>
    %convert_element_type3A_719 = arith.extui %eq3A_718 : vector<32x128xi1> to vector<32x128xi32>
    %convert_element_type3A_720 = arith.sitofp %convert_element_type3A_719 : vector<32x128xi32> to vector<32x128xf32>
    %mul3A_721 = vector.broadcast %squeeze3A : f32 to vector<32x128xf32>
    %mul3A_722 = arith.mulf %mul3A_721, %convert_element_type3A_720 : vector<32x128xf32>
    %add3A_723 = arith.addf %broadcast_in_dim3A_714, %mul3A_722 : vector<32x128xf32>
    %slice3A_724 = vector.extract_strided_slice %add3A_707 {offsets = [0, 1], sizes = [1, 1], strides = [1, 1]} : vector<1x32xf32> to vector<1x1xf32>
    %squeeze3A_725 = vector.extract %slice3A_724[0, 0] : f32 from vector<1x1xf32>
    %eq3A_726 = arith.constant 1 : i32
    %eq3A_727 = vector.broadcast %eq3A_726 : i32 to vector<32x128xi32>
    %eq3A_728 = arith.cmpi eq, %rem3A_712, %eq3A_727 : vector<32x128xi32>
    %convert_element_type3A_729 = arith.extui %eq3A_728 : vector<32x128xi1> to vector<32x128xi32>
    %convert_element_type3A_730 = arith.sitofp %convert_element_type3A_729 : vector<32x128xi32> to vector<32x128xf32>
    %mul3A_731 = vector.broadcast %squeeze3A_725 : f32 to vector<32x128xf32>
    %mul3A_732 = arith.mulf %mul3A_731, %convert_element_type3A_730 : vector<32x128xf32>
    %add3A_733 = arith.addf %add3A_723, %mul3A_732 : vector<32x128xf32>
    %slice3A_734 = vector.extract_strided_slice %add3A_707 {offsets = [0, 2], sizes = [1, 1], strides = [1, 1]} : vector<1x32xf32> to vector<1x1xf32>
    %squeeze3A_735 = vector.extract %slice3A_734[0, 0] : f32 from vector<1x1xf32>
    %eq3A_736 = arith.constant 2 : i32
    %eq3A_737 = vector.broadcast %eq3A_736 : i32 to vector<32x128xi32>
    %eq3A_738 = arith.cmpi eq, %rem3A_712, %eq3A_737 : vector<32x128xi32>
    %convert_element_type3A_739 = arith.extui %eq3A_738 : vector<32x128xi1> to vector<32x128xi32>
    %convert_element_type3A_740 = arith.sitofp %convert_element_type3A_739 : vector<32x128xi32> to vector<32x128xf32>
    %mul3A_741 = vector.broadcast %squeeze3A_735 : f32 to vector<32x128xf32>
    %mul3A_742 = arith.mulf %mul3A_741, %convert_element_type3A_740 : vector<32x128xf32>
    %add3A_743 = arith.addf %add3A_733, %mul3A_742 : vector<32x128xf32>
    %slice3A_744 = vector.extract_strided_slice %add3A_707 {offsets = [0, 3], sizes = [1, 1], strides = [1, 1]} : vector<1x32xf32> to vector<1x1xf32>
    %squeeze3A_745 = vector.extract %slice3A_744[0, 0] : f32 from vector<1x1xf32>
    %eq3A_746 = arith.constant 3 : i32
    %eq3A_747 = vector.broadcast %eq3A_746 : i32 to vector<32x128xi32>
    %eq3A_748 = arith.cmpi eq, %rem3A_712, %eq3A_747 : vector<32x128xi32>
    %convert_element_type3A_749 = arith.extui %eq3A_748 : vector<32x128xi1> to vector<32x128xi32>
    %convert_element_type3A_750 = arith.sitofp %convert_element_type3A_749 : vector<32x128xi32> to vector<32x128xf32>
    %mul3A_751 = vector.broadcast %squeeze3A_745 : f32 to vector<32x128xf32>
    %mul3A_752 = arith.mulf %mul3A_751, %convert_element_type3A_750 : vector<32x128xf32>
    %add3A_753 = arith.addf %add3A_743, %mul3A_752 : vector<32x128xf32>
    %slice3A_754 = vector.extract_strided_slice %add3A_707 {offsets = [0, 4], sizes = [1, 1], strides = [1, 1]} : vector<1x32xf32> to vector<1x1xf32>
    %squeeze3A_755 = vector.extract %slice3A_754[0, 0] : f32 from vector<1x1xf32>
    %eq3A_756 = arith.constant 4 : i32
    %eq3A_757 = vector.broadcast %eq3A_756 : i32 to vector<32x128xi32>
    %eq3A_758 = arith.cmpi eq, %rem3A_712, %eq3A_757 : vector<32x128xi32>
    %convert_element_type3A_759 = arith.extui %eq3A_758 : vector<32x128xi1> to vector<32x128xi32>
    %convert_element_type3A_760 = arith.sitofp %convert_element_type3A_759 : vector<32x128xi32> to vector<32x128xf32>
    %mul3A_761 = vector.broadcast %squeeze3A_755 : f32 to vector<32x128xf32>
    %mul3A_762 = arith.mulf %mul3A_761, %convert_element_type3A_760 : vector<32x128xf32>
    %add3A_763 = arith.addf %add3A_753, %mul3A_762 : vector<32x128xf32>
    %slice3A_764 = vector.extract_strided_slice %add3A_707 {offsets = [0, 5], sizes = [1, 1], strides = [1, 1]} : vector<1x32xf32> to vector<1x1xf32>
    %squeeze3A_765 = vector.extract %slice3A_764[0, 0] : f32 from vector<1x1xf32>
    %eq3A_766 = arith.constant 5 : i32
    %eq3A_767 = vector.broadcast %eq3A_766 : i32 to vector<32x128xi32>
    %eq3A_768 = arith.cmpi eq, %rem3A_712, %eq3A_767 : vector<32x128xi32>
    %convert_element_type3A_769 = arith.extui %eq3A_768 : vector<32x128xi1> to vector<32x128xi32>
    %convert_element_type3A_770 = arith.sitofp %convert_element_type3A_769 : vector<32x128xi32> to vector<32x128xf32>
    %mul3A_771 = vector.broadcast %squeeze3A_765 : f32 to vector<32x128xf32>
    %mul3A_772 = arith.mulf %mul3A_771, %convert_element_type3A_770 : vector<32x128xf32>
    %add3A_773 = arith.addf %add3A_763, %mul3A_772 : vector<32x128xf32>
    %slice3A_774 = vector.extract_strided_slice %add3A_707 {offsets = [0, 6], sizes = [1, 1], strides = [1, 1]} : vector<1x32xf32> to vector<1x1xf32>
    %squeeze3A_775 = vector.extract %slice3A_774[0, 0] : f32 from vector<1x1xf32>
    %eq3A_776 = arith.constant 6 : i32
    %eq3A_777 = vector.broadcast %eq3A_776 : i32 to vector<32x128xi32>
    %eq3A_778 = arith.cmpi eq, %rem3A_712, %eq3A_777 : vector<32x128xi32>
    %convert_element_type3A_779 = arith.extui %eq3A_778 : vector<32x128xi1> to vector<32x128xi32>
    %convert_element_type3A_780 = arith.sitofp %convert_element_type3A_779 : vector<32x128xi32> to vector<32x128xf32>
    %mul3A_781 = vector.broadcast %squeeze3A_775 : f32 to vector<32x128xf32>
    %mul3A_782 = arith.mulf %mul3A_781, %convert_element_type3A_780 : vector<32x128xf32>
    %add3A_783 = arith.addf %add3A_773, %mul3A_782 : vector<32x128xf32>
    %slice3A_784 = vector.extract_strided_slice %add3A_707 {offsets = [0, 7], sizes = [1, 1], strides = [1, 1]} : vector<1x32xf32> to vector<1x1xf32>
    %squeeze3A_785 = vector.extract %slice3A_784[0, 0] : f32 from vector<1x1xf32>
    %eq3A_786 = arith.constant 7 : i32
    %eq3A_787 = vector.broadcast %eq3A_786 : i32 to vector<32x128xi32>
    %eq3A_788 = arith.cmpi eq, %rem3A_712, %eq3A_787 : vector<32x128xi32>
    %convert_element_type3A_789 = arith.extui %eq3A_788 : vector<32x128xi1> to vector<32x128xi32>
    %convert_element_type3A_790 = arith.sitofp %convert_element_type3A_789 : vector<32x128xi32> to vector<32x128xf32>
    %mul3A_791 = vector.broadcast %squeeze3A_785 : f32 to vector<32x128xf32>
    %mul3A_792 = arith.mulf %mul3A_791, %convert_element_type3A_790 : vector<32x128xf32>
    %add3A_793 = arith.addf %add3A_783, %mul3A_792 : vector<32x128xf32>
    %slice3A_794 = vector.extract_strided_slice %add3A_707 {offsets = [0, 8], sizes = [1, 1], strides = [1, 1]} : vector<1x32xf32> to vector<1x1xf32>
    %squeeze3A_795 = vector.extract %slice3A_794[0, 0] : f32 from vector<1x1xf32>
    %eq3A_796 = arith.constant 8 : i32
    %eq3A_797 = vector.broadcast %eq3A_796 : i32 to vector<32x128xi32>
    %eq3A_798 = arith.cmpi eq, %rem3A_712, %eq3A_797 : vector<32x128xi32>
    %convert_element_type3A_799 = arith.extui %eq3A_798 : vector<32x128xi1> to vector<32x128xi32>
    %convert_element_type3A_800 = arith.sitofp %convert_element_type3A_799 : vector<32x128xi32> to vector<32x128xf32>
    %mul3A_801 = vector.broadcast %squeeze3A_795 : f32 to vector<32x128xf32>
    %mul3A_802 = arith.mulf %mul3A_801, %convert_element_type3A_800 : vector<32x128xf32>
    %add3A_803 = arith.addf %add3A_793, %mul3A_802 : vector<32x128xf32>
    %slice3A_804 = vector.extract_strided_slice %add3A_707 {offsets = [0, 9], sizes = [1, 1], strides = [1, 1]} : vector<1x32xf32> to vector<1x1xf32>
    %squeeze3A_805 = vector.extract %slice3A_804[0, 0] : f32 from vector<1x1xf32>
    %eq3A_806 = arith.constant 9 : i32
    %eq3A_807 = vector.broadcast %eq3A_806 : i32 to vector<32x128xi32>
    %eq3A_808 = arith.cmpi eq, %rem3A_712, %eq3A_807 : vector<32x128xi32>
    %convert_element_type3A_809 = arith.extui %eq3A_808 : vector<32x128xi1> to vector<32x128xi32>
    %convert_element_type3A_810 = arith.sitofp %convert_element_type3A_809 : vector<32x128xi32> to vector<32x128xf32>
    %mul3A_811 = vector.broadcast %squeeze3A_805 : f32 to vector<32x128xf32>
    %mul3A_812 = arith.mulf %mul3A_811, %convert_element_type3A_810 : vector<32x128xf32>
    %add3A_813 = arith.addf %add3A_803, %mul3A_812 : vector<32x128xf32>
    %slice3A_814 = vector.extract_strided_slice %add3A_707 {offsets = [0, 10], sizes = [1, 1], strides = [1, 1]} : vector<1x32xf32> to vector<1x1xf32>
    %squeeze3A_815 = vector.extract %slice3A_814[0, 0] : f32 from vector<1x1xf32>
    %eq3A_816 = arith.constant 10 : i32
    %eq3A_817 = vector.broadcast %eq3A_816 : i32 to vector<32x128xi32>
    %eq3A_818 = arith.cmpi eq, %rem3A_712, %eq3A_817 : vector<32x128xi32>
    %convert_element_type3A_819 = arith.extui %eq3A_818 : vector<32x128xi1> to vector<32x128xi32>
    %convert_element_type3A_820 = arith.sitofp %convert_element_type3A_819 : vector<32x128xi32> to vector<32x128xf32>
    %mul3A_821 = vector.broadcast %squeeze3A_815 : f32 to vector<32x128xf32>
    %mul3A_822 = arith.mulf %mul3A_821, %convert_element_type3A_820 : vector<32x128xf32>
    %add3A_823 = arith.addf %add3A_813, %mul3A_822 : vector<32x128xf32>
    %slice3A_824 = vector.extract_strided_slice %add3A_707 {offsets = [0, 11], sizes = [1, 1], strides = [1, 1]} : vector<1x32xf32> to vector<1x1xf32>
    %squeeze3A_825 = vector.extract %slice3A_824[0, 0] : f32 from vector<1x1xf32>
    %eq3A_826 = arith.constant 11 : i32
    %eq3A_827 = vector.broadcast %eq3A_826 : i32 to vector<32x128xi32>
    %eq3A_828 = arith.cmpi eq, %rem3A_712, %eq3A_827 : vector<32x128xi32>
    %convert_element_type3A_829 = arith.extui %eq3A_828 : vector<32x128xi1> to vector<32x128xi32>
    %convert_element_type3A_830 = arith.sitofp %convert_element_type3A_829 : vector<32x128xi32> to vector<32x128xf32>
    %mul3A_831 = vector.broadcast %squeeze3A_825 : f32 to vector<32x128xf32>
    %mul3A_832 = arith.mulf %mul3A_831, %convert_element_type3A_830 : vector<32x128xf32>
    %add3A_833 = arith.addf %add3A_823, %mul3A_832 : vector<32x128xf32>
    %slice3A_834 = vector.extract_strided_slice %add3A_707 {offsets = [0, 12], sizes = [1, 1], strides = [1, 1]} : vector<1x32xf32> to vector<1x1xf32>
    %squeeze3A_835 = vector.extract %slice3A_834[0, 0] : f32 from vector<1x1xf32>
    %eq3A_836 = arith.constant 12 : i32
    %eq3A_837 = vector.broadcast %eq3A_836 : i32 to vector<32x128xi32>
    %eq3A_838 = arith.cmpi eq, %rem3A_712, %eq3A_837 : vector<32x128xi32>
    %convert_element_type3A_839 = arith.extui %eq3A_838 : vector<32x128xi1> to vector<32x128xi32>
    %convert_element_type3A_840 = arith.sitofp %convert_element_type3A_839 : vector<32x128xi32> to vector<32x128xf32>
    %mul3A_841 = vector.broadcast %squeeze3A_835 : f32 to vector<32x128xf32>
    %mul3A_842 = arith.mulf %mul3A_841, %convert_element_type3A_840 : vector<32x128xf32>
    %add3A_843 = arith.addf %add3A_833, %mul3A_842 : vector<32x128xf32>
    %slice3A_844 = vector.extract_strided_slice %add3A_707 {offsets = [0, 13], sizes = [1, 1], strides = [1, 1]} : vector<1x32xf32> to vector<1x1xf32>
    %squeeze3A_845 = vector.extract %slice3A_844[0, 0] : f32 from vector<1x1xf32>
    %eq3A_846 = arith.constant 13 : i32
    %eq3A_847 = vector.broadcast %eq3A_846 : i32 to vector<32x128xi32>
    %eq3A_848 = arith.cmpi eq, %rem3A_712, %eq3A_847 : vector<32x128xi32>
    %convert_element_type3A_849 = arith.extui %eq3A_848 : vector<32x128xi1> to vector<32x128xi32>
    %convert_element_type3A_850 = arith.sitofp %convert_element_type3A_849 : vector<32x128xi32> to vector<32x128xf32>
    %mul3A_851 = vector.broadcast %squeeze3A_845 : f32 to vector<32x128xf32>
    %mul3A_852 = arith.mulf %mul3A_851, %convert_element_type3A_850 : vector<32x128xf32>
    %add3A_853 = arith.addf %add3A_843, %mul3A_852 : vector<32x128xf32>
    %slice3A_854 = vector.extract_strided_slice %add3A_707 {offsets = [0, 14], sizes = [1, 1], strides = [1, 1]} : vector<1x32xf32> to vector<1x1xf32>
    %squeeze3A_855 = vector.extract %slice3A_854[0, 0] : f32 from vector<1x1xf32>
    %eq3A_856 = arith.constant 14 : i32
    %eq3A_857 = vector.broadcast %eq3A_856 : i32 to vector<32x128xi32>
    %eq3A_858 = arith.cmpi eq, %rem3A_712, %eq3A_857 : vector<32x128xi32>
    %convert_element_type3A_859 = arith.extui %eq3A_858 : vector<32x128xi1> to vector<32x128xi32>
    %convert_element_type3A_860 = arith.sitofp %convert_element_type3A_859 : vector<32x128xi32> to vector<32x128xf32>
    %mul3A_861 = vector.broadcast %squeeze3A_855 : f32 to vector<32x128xf32>
    %mul3A_862 = arith.mulf %mul3A_861, %convert_element_type3A_860 : vector<32x128xf32>
    %add3A_863 = arith.addf %add3A_853, %mul3A_862 : vector<32x128xf32>
    %slice3A_864 = vector.extract_strided_slice %add3A_707 {offsets = [0, 15], sizes = [1, 1], strides = [1, 1]} : vector<1x32xf32> to vector<1x1xf32>
    %squeeze3A_865 = vector.extract %slice3A_864[0, 0] : f32 from vector<1x1xf32>
    %eq3A_866 = arith.constant 15 : i32
    %eq3A_867 = vector.broadcast %eq3A_866 : i32 to vector<32x128xi32>
    %eq3A_868 = arith.cmpi eq, %rem3A_712, %eq3A_867 : vector<32x128xi32>
    %convert_element_type3A_869 = arith.extui %eq3A_868 : vector<32x128xi1> to vector<32x128xi32>
    %convert_element_type3A_870 = arith.sitofp %convert_element_type3A_869 : vector<32x128xi32> to vector<32x128xf32>
    %mul3A_871 = vector.broadcast %squeeze3A_865 : f32 to vector<32x128xf32>
    %mul3A_872 = arith.mulf %mul3A_871, %convert_element_type3A_870 : vector<32x128xf32>
    %add3A_873 = arith.addf %add3A_863, %mul3A_872 : vector<32x128xf32>
    %slice3A_874 = vector.extract_strided_slice %add3A_707 {offsets = [0, 16], sizes = [1, 1], strides = [1, 1]} : vector<1x32xf32> to vector<1x1xf32>
    %squeeze3A_875 = vector.extract %slice3A_874[0, 0] : f32 from vector<1x1xf32>
    %eq3A_876 = arith.constant 16 : i32
    %eq3A_877 = vector.broadcast %eq3A_876 : i32 to vector<32x128xi32>
    %eq3A_878 = arith.cmpi eq, %rem3A_712, %eq3A_877 : vector<32x128xi32>
    %convert_element_type3A_879 = arith.extui %eq3A_878 : vector<32x128xi1> to vector<32x128xi32>
    %convert_element_type3A_880 = arith.sitofp %convert_element_type3A_879 : vector<32x128xi32> to vector<32x128xf32>
    %mul3A_881 = vector.broadcast %squeeze3A_875 : f32 to vector<32x128xf32>
    %mul3A_882 = arith.mulf %mul3A_881, %convert_element_type3A_880 : vector<32x128xf32>
    %add3A_883 = arith.addf %add3A_873, %mul3A_882 : vector<32x128xf32>
    %slice3A_884 = vector.extract_strided_slice %add3A_707 {offsets = [0, 17], sizes = [1, 1], strides = [1, 1]} : vector<1x32xf32> to vector<1x1xf32>
    %squeeze3A_885 = vector.extract %slice3A_884[0, 0] : f32 from vector<1x1xf32>
    %eq3A_886 = arith.constant 17 : i32
    %eq3A_887 = vector.broadcast %eq3A_886 : i32 to vector<32x128xi32>
    %eq3A_888 = arith.cmpi eq, %rem3A_712, %eq3A_887 : vector<32x128xi32>
    %convert_element_type3A_889 = arith.extui %eq3A_888 : vector<32x128xi1> to vector<32x128xi32>
    %convert_element_type3A_890 = arith.sitofp %convert_element_type3A_889 : vector<32x128xi32> to vector<32x128xf32>
    %mul3A_891 = vector.broadcast %squeeze3A_885 : f32 to vector<32x128xf32>
    %mul3A_892 = arith.mulf %mul3A_891, %convert_element_type3A_890 : vector<32x128xf32>
    %add3A_893 = arith.addf %add3A_883, %mul3A_892 : vector<32x128xf32>
    %slice3A_894 = vector.extract_strided_slice %add3A_707 {offsets = [0, 18], sizes = [1, 1], strides = [1, 1]} : vector<1x32xf32> to vector<1x1xf32>
    %squeeze3A_895 = vector.extract %slice3A_894[0, 0] : f32 from vector<1x1xf32>
    %eq3A_896 = arith.constant 18 : i32
    %eq3A_897 = vector.broadcast %eq3A_896 : i32 to vector<32x128xi32>
    %eq3A_898 = arith.cmpi eq, %rem3A_712, %eq3A_897 : vector<32x128xi32>
    %convert_element_type3A_899 = arith.extui %eq3A_898 : vector<32x128xi1> to vector<32x128xi32>
    %convert_element_type3A_900 = arith.sitofp %convert_element_type3A_899 : vector<32x128xi32> to vector<32x128xf32>
    %mul3A_901 = vector.broadcast %squeeze3A_895 : f32 to vector<32x128xf32>
    %mul3A_902 = arith.mulf %mul3A_901, %convert_element_type3A_900 : vector<32x128xf32>
    %add3A_903 = arith.addf %add3A_893, %mul3A_902 : vector<32x128xf32>
    %slice3A_904 = vector.extract_strided_slice %add3A_707 {offsets = [0, 19], sizes = [1, 1], strides = [1, 1]} : vector<1x32xf32> to vector<1x1xf32>
    %squeeze3A_905 = vector.extract %slice3A_904[0, 0] : f32 from vector<1x1xf32>
    %eq3A_906 = arith.constant 19 : i32
    %eq3A_907 = vector.broadcast %eq3A_906 : i32 to vector<32x128xi32>
    %eq3A_908 = arith.cmpi eq, %rem3A_712, %eq3A_907 : vector<32x128xi32>
    %convert_element_type3A_909 = arith.extui %eq3A_908 : vector<32x128xi1> to vector<32x128xi32>
    %convert_element_type3A_910 = arith.sitofp %convert_element_type3A_909 : vector<32x128xi32> to vector<32x128xf32>
    %mul3A_911 = vector.broadcast %squeeze3A_905 : f32 to vector<32x128xf32>
    %mul3A_912 = arith.mulf %mul3A_911, %convert_element_type3A_910 : vector<32x128xf32>
    %add3A_913 = arith.addf %add3A_903, %mul3A_912 : vector<32x128xf32>
    %slice3A_914 = vector.extract_strided_slice %add3A_707 {offsets = [0, 20], sizes = [1, 1], strides = [1, 1]} : vector<1x32xf32> to vector<1x1xf32>
    %squeeze3A_915 = vector.extract %slice3A_914[0, 0] : f32 from vector<1x1xf32>
    %eq3A_916 = arith.constant 20 : i32
    %eq3A_917 = vector.broadcast %eq3A_916 : i32 to vector<32x128xi32>
    %eq3A_918 = arith.cmpi eq, %rem3A_712, %eq3A_917 : vector<32x128xi32>
    %convert_element_type3A_919 = arith.extui %eq3A_918 : vector<32x128xi1> to vector<32x128xi32>
    %convert_element_type3A_920 = arith.sitofp %convert_element_type3A_919 : vector<32x128xi32> to vector<32x128xf32>
    %mul3A_921 = vector.broadcast %squeeze3A_915 : f32 to vector<32x128xf32>
    %mul3A_922 = arith.mulf %mul3A_921, %convert_element_type3A_920 : vector<32x128xf32>
    %add3A_923 = arith.addf %add3A_913, %mul3A_922 : vector<32x128xf32>
    %slice3A_924 = vector.extract_strided_slice %add3A_707 {offsets = [0, 21], sizes = [1, 1], strides = [1, 1]} : vector<1x32xf32> to vector<1x1xf32>
    %squeeze3A_925 = vector.extract %slice3A_924[0, 0] : f32 from vector<1x1xf32>
    %eq3A_926 = arith.constant 21 : i32
    %eq3A_927 = vector.broadcast %eq3A_926 : i32 to vector<32x128xi32>
    %eq3A_928 = arith.cmpi eq, %rem3A_712, %eq3A_927 : vector<32x128xi32>
    %convert_element_type3A_929 = arith.extui %eq3A_928 : vector<32x128xi1> to vector<32x128xi32>
    %convert_element_type3A_930 = arith.sitofp %convert_element_type3A_929 : vector<32x128xi32> to vector<32x128xf32>
    %mul3A_931 = vector.broadcast %squeeze3A_925 : f32 to vector<32x128xf32>
    %mul3A_932 = arith.mulf %mul3A_931, %convert_element_type3A_930 : vector<32x128xf32>
    %add3A_933 = arith.addf %add3A_923, %mul3A_932 : vector<32x128xf32>
    %slice3A_934 = vector.extract_strided_slice %add3A_707 {offsets = [0, 22], sizes = [1, 1], strides = [1, 1]} : vector<1x32xf32> to vector<1x1xf32>
    %squeeze3A_935 = vector.extract %slice3A_934[0, 0] : f32 from vector<1x1xf32>
    %eq3A_936 = arith.constant 22 : i32
    %eq3A_937 = vector.broadcast %eq3A_936 : i32 to vector<32x128xi32>
    %eq3A_938 = arith.cmpi eq, %rem3A_712, %eq3A_937 : vector<32x128xi32>
    %convert_element_type3A_939 = arith.extui %eq3A_938 : vector<32x128xi1> to vector<32x128xi32>
    %convert_element_type3A_940 = arith.sitofp %convert_element_type3A_939 : vector<32x128xi32> to vector<32x128xf32>
    %mul3A_941 = vector.broadcast %squeeze3A_935 : f32 to vector<32x128xf32>
    %mul3A_942 = arith.mulf %mul3A_941, %convert_element_type3A_940 : vector<32x128xf32>
    %add3A_943 = arith.addf %add3A_933, %mul3A_942 : vector<32x128xf32>
    %slice3A_944 = vector.extract_strided_slice %add3A_707 {offsets = [0, 23], sizes = [1, 1], strides = [1, 1]} : vector<1x32xf32> to vector<1x1xf32>
    %squeeze3A_945 = vector.extract %slice3A_944[0, 0] : f32 from vector<1x1xf32>
    %eq3A_946 = arith.constant 23 : i32
    %eq3A_947 = vector.broadcast %eq3A_946 : i32 to vector<32x128xi32>
    %eq3A_948 = arith.cmpi eq, %rem3A_712, %eq3A_947 : vector<32x128xi32>
    %convert_element_type3A_949 = arith.extui %eq3A_948 : vector<32x128xi1> to vector<32x128xi32>
    %convert_element_type3A_950 = arith.sitofp %convert_element_type3A_949 : vector<32x128xi32> to vector<32x128xf32>
    %mul3A_951 = vector.broadcast %squeeze3A_945 : f32 to vector<32x128xf32>
    %mul3A_952 = arith.mulf %mul3A_951, %convert_element_type3A_950 : vector<32x128xf32>
    %add3A_953 = arith.addf %add3A_943, %mul3A_952 : vector<32x128xf32>
    %slice3A_954 = vector.extract_strided_slice %add3A_707 {offsets = [0, 24], sizes = [1, 1], strides = [1, 1]} : vector<1x32xf32> to vector<1x1xf32>
    %squeeze3A_955 = vector.extract %slice3A_954[0, 0] : f32 from vector<1x1xf32>
    %eq3A_956 = arith.constant 24 : i32
    %eq3A_957 = vector.broadcast %eq3A_956 : i32 to vector<32x128xi32>
    %eq3A_958 = arith.cmpi eq, %rem3A_712, %eq3A_957 : vector<32x128xi32>
    %convert_element_type3A_959 = arith.extui %eq3A_958 : vector<32x128xi1> to vector<32x128xi32>
    %convert_element_type3A_960 = arith.sitofp %convert_element_type3A_959 : vector<32x128xi32> to vector<32x128xf32>
    %mul3A_961 = vector.broadcast %squeeze3A_955 : f32 to vector<32x128xf32>
    %mul3A_962 = arith.mulf %mul3A_961, %convert_element_type3A_960 : vector<32x128xf32>
    %add3A_963 = arith.addf %add3A_953, %mul3A_962 : vector<32x128xf32>
    %slice3A_964 = vector.extract_strided_slice %add3A_707 {offsets = [0, 25], sizes = [1, 1], strides = [1, 1]} : vector<1x32xf32> to vector<1x1xf32>
    %squeeze3A_965 = vector.extract %slice3A_964[0, 0] : f32 from vector<1x1xf32>
    %eq3A_966 = arith.constant 25 : i32
    %eq3A_967 = vector.broadcast %eq3A_966 : i32 to vector<32x128xi32>
    %eq3A_968 = arith.cmpi eq, %rem3A_712, %eq3A_967 : vector<32x128xi32>
    %convert_element_type3A_969 = arith.extui %eq3A_968 : vector<32x128xi1> to vector<32x128xi32>
    %convert_element_type3A_970 = arith.sitofp %convert_element_type3A_969 : vector<32x128xi32> to vector<32x128xf32>
    %mul3A_971 = vector.broadcast %squeeze3A_965 : f32 to vector<32x128xf32>
    %mul3A_972 = arith.mulf %mul3A_971, %convert_element_type3A_970 : vector<32x128xf32>
    %add3A_973 = arith.addf %add3A_963, %mul3A_972 : vector<32x128xf32>
    %slice3A_974 = vector.extract_strided_slice %add3A_707 {offsets = [0, 26], sizes = [1, 1], strides = [1, 1]} : vector<1x32xf32> to vector<1x1xf32>
    %squeeze3A_975 = vector.extract %slice3A_974[0, 0] : f32 from vector<1x1xf32>
    %eq3A_976 = arith.constant 26 : i32
    %eq3A_977 = vector.broadcast %eq3A_976 : i32 to vector<32x128xi32>
    %eq3A_978 = arith.cmpi eq, %rem3A_712, %eq3A_977 : vector<32x128xi32>
    %convert_element_type3A_979 = arith.extui %eq3A_978 : vector<32x128xi1> to vector<32x128xi32>
    %convert_element_type3A_980 = arith.sitofp %convert_element_type3A_979 : vector<32x128xi32> to vector<32x128xf32>
    %mul3A_981 = vector.broadcast %squeeze3A_975 : f32 to vector<32x128xf32>
    %mul3A_982 = arith.mulf %mul3A_981, %convert_element_type3A_980 : vector<32x128xf32>
    %add3A_983 = arith.addf %add3A_973, %mul3A_982 : vector<32x128xf32>
    %slice3A_984 = vector.extract_strided_slice %add3A_707 {offsets = [0, 27], sizes = [1, 1], strides = [1, 1]} : vector<1x32xf32> to vector<1x1xf32>
    %squeeze3A_985 = vector.extract %slice3A_984[0, 0] : f32 from vector<1x1xf32>
    %eq3A_986 = arith.constant 27 : i32
    %eq3A_987 = vector.broadcast %eq3A_986 : i32 to vector<32x128xi32>
    %eq3A_988 = arith.cmpi eq, %rem3A_712, %eq3A_987 : vector<32x128xi32>
    %convert_element_type3A_989 = arith.extui %eq3A_988 : vector<32x128xi1> to vector<32x128xi32>
    %convert_element_type3A_990 = arith.sitofp %convert_element_type3A_989 : vector<32x128xi32> to vector<32x128xf32>
    %mul3A_991 = vector.broadcast %squeeze3A_985 : f32 to vector<32x128xf32>
    %mul3A_992 = arith.mulf %mul3A_991, %convert_element_type3A_990 : vector<32x128xf32>
    %add3A_993 = arith.addf %add3A_983, %mul3A_992 : vector<32x128xf32>
    %slice3A_994 = vector.extract_strided_slice %add3A_707 {offsets = [0, 28], sizes = [1, 1], strides = [1, 1]} : vector<1x32xf32> to vector<1x1xf32>
    %squeeze3A_995 = vector.extract %slice3A_994[0, 0] : f32 from vector<1x1xf32>
    %eq3A_996 = arith.constant 28 : i32
    %eq3A_997 = vector.broadcast %eq3A_996 : i32 to vector<32x128xi32>
    %eq3A_998 = arith.cmpi eq, %rem3A_712, %eq3A_997 : vector<32x128xi32>
    %convert_element_type3A_999 = arith.extui %eq3A_998 : vector<32x128xi1> to vector<32x128xi32>
    %convert_element_type3A_1000 = arith.sitofp %convert_element_type3A_999 : vector<32x128xi32> to vector<32x128xf32>
    %mul3A_1001 = vector.broadcast %squeeze3A_995 : f32 to vector<32x128xf32>
    %mul3A_1002 = arith.mulf %mul3A_1001, %convert_element_type3A_1000 : vector<32x128xf32>
    %add3A_1003 = arith.addf %add3A_993, %mul3A_1002 : vector<32x128xf32>
    %slice3A_1004 = vector.extract_strided_slice %add3A_707 {offsets = [0, 29], sizes = [1, 1], strides = [1, 1]} : vector<1x32xf32> to vector<1x1xf32>
    %squeeze3A_1005 = vector.extract %slice3A_1004[0, 0] : f32 from vector<1x1xf32>
    %eq3A_1006 = arith.constant 29 : i32
    %eq3A_1007 = vector.broadcast %eq3A_1006 : i32 to vector<32x128xi32>
    %eq3A_1008 = arith.cmpi eq, %rem3A_712, %eq3A_1007 : vector<32x128xi32>
    %convert_element_type3A_1009 = arith.extui %eq3A_1008 : vector<32x128xi1> to vector<32x128xi32>
    %convert_element_type3A_1010 = arith.sitofp %convert_element_type3A_1009 : vector<32x128xi32> to vector<32x128xf32>
    %mul3A_1011 = vector.broadcast %squeeze3A_1005 : f32 to vector<32x128xf32>
    %mul3A_1012 = arith.mulf %mul3A_1011, %convert_element_type3A_1010 : vector<32x128xf32>
    %add3A_1013 = arith.addf %add3A_1003, %mul3A_1012 : vector<32x128xf32>
    %slice3A_1014 = vector.extract_strided_slice %add3A_707 {offsets = [0, 30], sizes = [1, 1], strides = [1, 1]} : vector<1x32xf32> to vector<1x1xf32>
    %squeeze3A_1015 = vector.extract %slice3A_1014[0, 0] : f32 from vector<1x1xf32>
    %eq3A_1016 = arith.constant 30 : i32
    %eq3A_1017 = vector.broadcast %eq3A_1016 : i32 to vector<32x128xi32>
    %eq3A_1018 = arith.cmpi eq, %rem3A_712, %eq3A_1017 : vector<32x128xi32>
    %convert_element_type3A_1019 = arith.extui %eq3A_1018 : vector<32x128xi1> to vector<32x128xi32>
    %convert_element_type3A_1020 = arith.sitofp %convert_element_type3A_1019 : vector<32x128xi32> to vector<32x128xf32>
    %mul3A_1021 = vector.broadcast %squeeze3A_1015 : f32 to vector<32x128xf32>
    %mul3A_1022 = arith.mulf %mul3A_1021, %convert_element_type3A_1020 : vector<32x128xf32>
    %add3A_1023 = arith.addf %add3A_1013, %mul3A_1022 : vector<32x128xf32>
    %slice3A_1024 = vector.extract_strided_slice %add3A_707 {offsets = [0, 31], sizes = [1, 1], strides = [1, 1]} : vector<1x32xf32> to vector<1x1xf32>
    %squeeze3A_1025 = vector.extract %slice3A_1024[0, 0] : f32 from vector<1x1xf32>
    %eq3A_1026 = arith.constant 31 : i32
    %eq3A_1027 = vector.broadcast %eq3A_1026 : i32 to vector<32x128xi32>
    %eq3A_1028 = arith.cmpi eq, %rem3A_712, %eq3A_1027 : vector<32x128xi32>
    %convert_element_type3A_1029 = arith.extui %eq3A_1028 : vector<32x128xi1> to vector<32x128xi32>
    %convert_element_type3A_1030 = arith.sitofp %convert_element_type3A_1029 : vector<32x128xi32> to vector<32x128xf32>
    %mul3A_1031 = vector.broadcast %squeeze3A_1025 : f32 to vector<32x128xf32>
    %mul3A_1032 = arith.mulf %mul3A_1031, %convert_element_type3A_1030 : vector<32x128xf32>
    %add3A_1033 = arith.addf %add3A_1023, %mul3A_1032 : vector<32x128xf32>
    %swap3A = arith.constant 0 : index
    %swap3A_1034 = arith.constant 0 : index
    %swap3A_1035 = vector.load %arg3[%swap3A, %swap3A_1034] : memref<32x128xf32, #tpu.memory_space<vmem>>, vector<32x128xf32>
    tpu.vector_store %arg3[%swap3A, %swap3A_1034], %add3A_1033 {strides = array<i32>} : memref<32x128xf32, #tpu.memory_space<vmem>>, vector<32x128xf32>,
    %convert_element_type3A_1036 = arith.fptosi %max3A_679 : f32 to i32
    %swap3A_1037 = arith.constant 0 : index
    %swap3A_1038 = arith.constant 0 : index
    %swap3A_1039 = memref.load %arg4[%swap3A_1037, %swap3A_1038] : memref<1x1xi32, #tpu.memory_space<smem>>
    memref.store %convert_element_type3A_1036, %arg4[%swap3A_1037, %swap3A_1038] : memref<1x1xi32, #tpu.memory_space<smem>>
    return
  }
}

</mosaic_0001>

<sc_bundles>
// kernel: kernel.5.cloned.1.call-start
scs
__scs_entry_jumppad:
0x0: {  	(pc) =	sbr.rel $0x88, $3  }
0x1: {  	(tag) =	ssettag $0x0;
	lr =	simm.s32 $0x1  }
0x2: {  	[smem:$0x3F9E] =	sst lr;
	_ =	strace $0xD0000000  }
0x3: {  	_ = 	snop  }
0x4: {  	_ = 	snop  }
0x5: {  	_ = 	snop  }
0x6: {  	_ = 	snop  }
0x7: {  	_ = 	snop  }
__scs_overlays_trampoline_lowered:
0x8: {  	[smem:$0x3FAD] =	sst s0  }
0x9: {  	[smem:$0x3FAE] =	sst s1  }
0xa: {  	[smem:$0x3FAF] =	sst s2  }
0xb: {  	[smem:$0x3FB0] =	sst s3  }
0xc: {  	[smem:$0x3FB1] =	sst s4  }
0xd: {  	[smem:$0x3FB2] =	sst s5  }
0xe: {  	[smem:$0x3FB3] =	sst s6  }
0xf: {  	[smem:$0x3FB4] =	sst s7  }
0x10: {  	[smem:$0x3FB5] =	sst s8  }
0x11: {  	[smem:$0x3FB6] =	sst s9;
	s0 =	simm.s32 @!p0 $0x0  }
0x12: {  	s1 =	sld [smem:$0x3F9C];
	s0 =	simm.s32 @p0 $0x1  }
0x13: {  	[smem:$0x3FB7] =	sst s0;
	s0 =	simm.s32 @!p1 $0x0  }
0x14: {  	s2 =	sld [smem:$0x3F9B];
	s0 =	simm.s32 @p1 $0x1  }
0x15: {  	[smem:$0x3FB8] =	sst s0;
	s0 =	simm.s32 @!p2 $0x0  }
0x16: {  	s3 =	sld [smem:$0x3FDB];
	s0 =	simm.s32 @p2 $0x1  }
0x17: {  	s4 =	simm.s32 $0x1BF5;
	[smem:$0x3FBA] =	sst s0  }
0x18: {  	s0 =	sld [smem:$0x3F9D];
	_ =	swait.ge [sflag:s4], $0x0  }
0x19: {  	s7 =	sld [smem:$0x3F9E]  }
0x1a: {  	s8 =	sadd.s32 $0xFFFFE003, lr  }
0x1b: {  	s9 =	sadd.s32 $0xFFFFFEF7, lr;
	s5 =	simm.s32 $0xFFFFFFFF;
	p2 =	slt.u32 s8, $0xFFFFF086  }
0x1c: {  	p1 =	slt.u32 s9, $0xF7A;
	s5 =	simm.s32 @!p2 $0x0  }
0x1d: {  	s5 =	simm.s32 @p1 $0x1;
	p0 =	seq.s32 s7, s2  }
0x1e: {  	s7 =	smul.u32 @!p0 $0xF7A, s2;
	p2 =	seq.s32 @!p0 s5, $0x0  }
0x1f: {  	s9 =	smul.u32 $0xF7A, s1;
	s8 =	simm.s32 @!p0 $0x1BF5;
	p2 =	por !p2, p0  }
0x20: {  	[sflag:s8] =	ssyncset.s32 @!p0 $0xFFFFF086;
	s6 =	sadd.s32 @!p0 s3, s7;
	s7 =	simm.s32 @!p0 $0x108  }
0x21: {  	s3 =	sadd.s32 s3, s9;
	s6 =	sadd.s32 @!p0 $0x88, s6;
	s7 =	simm.s32 @p2 $0x1082  }
0x22: {  	[simem:s7], [sflag:s8] =	dma.local @!p0 [hbm:s6], $0xF7A  }
0x23: {  	s9 =	sor.u32 $0xD0000000, s2;
	s6 =	simm.s32 $0x108;
	_ =	swait.ge @!p0 [sflag:s8], $0x0  }
0x24: {  	s3 =	sadd.s32 $0x88, s3;
	s6 =	simm.s32 @!p1 $0x1082;
	[sflag:s4] =	ssyncset.s32 $0xFFFFF086  }
0x25: {  	[simem:s6], [sflag:s4] =	dma.local [hbm:s3], $0xF7A  }
0x26: {  	[smem:$0x3F9E] =	sst s1;
	(tag) =	ssettag s2;
	_ =	strace s9  }
0x27: {  	s1 =	sld [smem:$0x3FAE]  }
0x28: {  	s2 =	sld [smem:$0x3FAF]  }
0x29: {  	s4 =	sld [smem:$0x3FB1]  }
0x2a: {  	p0 =	seq.s32 s5, $0x0;
	s5 =	sld [smem:$0x3FB2]  }
0x2b: {  	s6 =	sld [smem:$0x3FB3]  }
0x2c: {  	s7 =	sld [smem:$0x3FB4]  }
0x2d: {  	s3 =	simm.s32 $0x108;
	s8 =	sld [smem:$0x3FB5]  }
0x2e: {  	s3 =	simm.s32 @!p0 $0x1082;
	s9 =	sld [smem:$0x3FB6]  }
0x2f: {  	lr =	sadd.s32 s0, s3;
	s0 =	sld [smem:$0x3FAD]  }
0x30: {  	s3 =	sld [smem:$0x3FB0]  }
0x31: {  	[smem:$0x3FB9] =	sst s10  }
0x32: {  	s10 =	sld [smem:$0x3FB7];
	_ =	sdelay $0x3  }
0x33: {  	p0 =	seq.s32 s10, $0x1;
	s10 =	sld [smem:$0x3FB9];
	_ =	sdelay $0x3  }
0x34: {  	[smem:$0x3FB9] =	sst s10  }
0x35: {  	s10 =	sld [smem:$0x3FB8];
	_ =	sdelay $0x3  }
0x36: {  	p1 =	seq.s32 s10, $0x1;
	s10 =	sld [smem:$0x3FB9];
	_ =	sdelay $0x3  }
0x37: {  	[smem:$0x3FB9] =	sst s10  }
0x38: {  	s10 =	sld [smem:$0x3FBA]  }
0x39: {  	_ = 	snop;
	(pc) =	sbr.ind lr, $3  }
0x3a: {  	_ = 	snop  }
0x3b: {  	_ = 	snop  }
0x3c: {  	p2 =	seq.s32 s10, $0x1;
	s10 =	sld [smem:$0x3FB9]  }
0x3d: {  	_ =	shalt  }
0x3e: {  	_ =	shalt  }
0x3f: {  	_ =	shalt  }
0x40: {  	_ =	shalt  }
0x41: {  	_ =	shalt  }
0x42: {  	_ =	shalt  }
0x43: {  	_ =	shalt  }
0x44: {  	_ =	shalt  }
0x45: {  	_ =	shalt  }
0x46: {  	_ =	shalt  }
0x47: {  	_ =	shalt  }
0x48: {  	_ =	shalt  }
0x49: {  	_ =	shalt  }
0x4a: {  	_ =	shalt  }
0x4b: {  	_ =	shalt  }
0x4c: {  	_ =	shalt  }
0x4d: {  	_ =	shalt  }
0x4e: {  	_ =	shalt  }
0x4f: {  	_ =	shalt  }
0x50: {  	_ =	shalt  }
0x51: {  	_ =	shalt  }
0x52: {  	_ =	shalt  }
0x53: {  	_ =	shalt  }
0x54: {  	_ =	shalt  }
0x55: {  	_ =	shalt  }
0x56: {  	_ =	shalt  }
0x57: {  	_ =	shalt  }
0x58: {  	_ =	shalt  }
0x59: {  	_ =	shalt  }
0x5a: {  	_ =	shalt  }
0x5b: {  	_ =	shalt  }
0x5c: {  	_ =	shalt  }
0x5d: {  	_ =	shalt  }
0x5e: {  	_ =	shalt  }
0x5f: {  	_ =	shalt  }
0x60: {  	_ =	shalt  }
0x61: {  	_ =	shalt  }
0x62: {  	_ =	shalt  }
0x63: {  	_ =	shalt  }
0x64: {  	_ =	shalt  }
0x65: {  	_ =	shalt  }
0x66: {  	_ =	shalt  }
0x67: {  	_ =	shalt  }
0x68: {  	_ =	shalt  }
0x69: {  	_ =	shalt  }
0x6a: {  	_ =	shalt  }
0x6b: {  	_ =	shalt  }
0x6c: {  	_ =	shalt  }
0x6d: {  	_ =	shalt  }
0x6e: {  	_ =	shalt  }
0x6f: {  	_ =	shalt  }
0x70: {  	_ =	shalt  }
0x71: {  	_ =	shalt  }
0x72: {  	_ =	shalt  }
0x73: {  	_ =	shalt  }
0x74: {  	_ =	shalt  }
0x75: {  	_ =	shalt  }
0x76: {  	_ =	shalt  }
0x77: {  	_ =	shalt  }
0x78: {  	_ =	shalt  }
0x79: {  	_ =	shalt  }
0x7a: {  	_ =	shalt  }
0x7b: {  	_ =	shalt  }
0x7c: {  	_ =	shalt  }
0x7d: {  	_ =	shalt  }
0x7e: {  	_ =	shalt  }
0x7f: {  	_ =	shalt  }
0x80: {  	_ =	shalt  }
0x81: {  	_ =	shalt  }
0x82: {  	_ =	shalt  }
0x83: {  	_ =	shalt  }
0x84: {  	_ =	shalt  }
0x85: {  	_ =	shalt  }
0x86: {  	_ =	shalt  }
0x87: {  	_ =	shalt  }
.Lfunc_end0:
.L_simem_size_0:
called_computation_lowered:
.L_overlay_start_0:
0x88: {  	s2 =	sld [smem:$0x3FD9]  }
0x89: {  	s3 =	sld [smem:$0x3FFE];
	_ =	sdelay $0x1  }
0x8a: {  	s1 =	srdreg.scid  }
0x8b: {  	s0 =	sand.u32 $0x1, s1  }
0x8c: {  	s16 =	sshll.u32 s0, $0xA;
	s2 =	sadd.s32 s3, s2  }
0x8d: {  	s2 =	sadd.s32 s2, s16  }
0x8e: {  	[smem:$0x3FC5] =	sst s2  }
0x8f: {  	_ = 	snop  }
0x90: {  	(tm) =	ssettm $0x1  }
0x91: {  	s17 =	sld [smem:$0x3FFB];
	_ =	sdelay $0x3  }
0x92: {  	_ =	strace s17  }
0x93: {  	s2 =	sld [smem:$0x3FFC];
	_ =	sdelay $0x3  }
0x94: {  	_ =	strace s2  }
0x95: {  	s2 =	sld [smem:$0x3FFD];
	_ =	sdelay $0x3  }
0x96: {  	_ =	strace s2  }
0x97: {  	_ =	strace $0x8FFFFFFF  }
0x98: {  	s18 =	sld [smem:$0x3FDB];
	_ =	sdelay $0x1  }
0x99: {  	s19 =	simm.s32 $_scs_section_size  }
0x9a: {  	s4 =	simm.s32 $_size__tile_overlayer_lowered;
	s5 =	simm.s32 $_tile_overlayer_lowered  }
0x9b: {  	s22 =	simm.s32 $0x1BFF;
	s21 =	sshll.u32 s5, $0x1;
	s2 =	sadd.s32 s19, s18  }
0x9c: {  	s6 =	simm.s32 $0x0;
	s20 =	sshll.u32 s4, $0x1;
	s4 =	sadd.s32 s21, s2  }
0x9d: {  	[timem:s6], [sflag:s22] =	dma.local [hbm:s4], s20  }
0x9e: {  	_ =	swait.ge [sflag:s22], s20  }
0x9f: {  	s3 =	ssub.s32 $0x0, s20;
	[sflag:s22] =	ssyncset.done $0x0  }
0xa0: {  	[sflag:s22] =	ssyncadd.s32 s3;
	_ =	sdelay $0x1  }
0xa1: {  	s23 =	simm.s32 $0x1B8B  }
0xa2: {  	_ =	swait.ge [sflag:s23], $0x1  }
0xa3: {  	[sflag:s23] =	ssyncset.done $0x0  }
0xa4: {  	s25 =	simm.s32 $0x1B8E;
	s24 =	sld [smem:$0x3FFE];
	[sflag:s23] =	ssyncadd.s32 $0xFFFFFFFF  }
0xa5: {  	s26 =	simm.s32 $execute0_lowered;
	[smem:$0x3FD2] =	sst s25  }
0xa6: {  	s4 =	sshll.u32 s26, $0x1;
	_ =	strace $0x80000046;
	[dreg:$0x1] =	wrdreg $0xFFFFFFFF  }
0xa7: {  	s28 =	simm.s32 $_size_execute0_lowered;
	s2 =	sadd.s32 s2, s4;
	[dreg:$0x0] =	wrdreg $0x0  }
0xa8: {  	s4 =	sshll.u32 s28, $0x1;
	[dreg:$0x2] =	wrdreg s2  }
0xa9: {  	[dreg:$0x3] =	wrdreg s4  }
0xaa: {  	[dreg:$0x4] =	wrdreg $0xC0  }
0xab: {  	_ =	task [dreg:s6], $0x5FFFF  }
0xac: {  	[dreg:$0x1] =	wrdreg $0xFFFFFFFF  }
0xad: {  	[dreg:$0x0] =	wrdreg $0x60  }
0xae: {  	[dreg:$0x2] =	wrdreg s24  }
0xaf: {  	[dreg:$0x3] =	wrdreg $0x9  }
0xb0: {  	_ =	task.clear_ibuf [dreg:s6], $0x4FFFF;
	_ =	strace $0x90000046  }
0xb1: {  	s29 =	simm.s32 $0x9;
	_ =	strace $0x80000048  }
0xb2: {  	_ =	swait.ge [sflag:s29], $0x1  }
0xb3: {  	[sflag:s29] =	ssyncadd.s32 $0xFFFFFFFF  }
0xb4: {  	_ =	strace $0x90000048  }
0xb5: {  	_ =	sfence  }
0xb6: {  	s30 =	sld [smem:$0x0];
	_ =	sdelay $0x2  }
0xb7: {  	s31 =	sshll.u32 s1, $0xD;
	s1 =	sshrl.u32 s1, $0x2  }
0xb8: {  	s3 =	sand.u32 $0x4000, s31;
	s1 =	sadd.s32 s1, s30  }
0xb9: {  	s0 =	sor.u32 s3, s0;
	s1 =	sshll.u32 s1, $0x11  }
0xba: {  	s0 =	sor.u32 s1, s0  }
0xbb: {  	s0 =	sadd.s32 $0x8F2B, s0  }
0xbc: {  	[sflag:s0] =	ssyncadd.remote.s32 $0x1  }
0xbd: {  	_ =	sfence.sel $0xFFFF  }
0xbe: {  	[dreg:$0x0] =	wrdreg $0xFFFFFFFF;
	(pc) =	sbr.abs _section_cstart, $3  }
0xbf: {  	[dreg:$0x1] =	wrdreg $0xFFFFFFFF  }
0xc0: {  	_ =	task.clear_ibuf [dreg:s6], $0x2FFFF;
	_ =	strace $0x9FFFFFFF  }
0xc1: {  	(tm) =	ssettm $0x7FFFFFFF  }
tec
execute0_lowered:
.L_overlay_start_1:
0x0: {  	(tag) =	ssettag $0x1  }
0x1: {  	v0 =	vimm.s32 $0xEBCAA988  }
0x2: {  	v1 =	vimm.s32 $0xEFCEAD8C;
	v2 =	vimm.s32 $0xE7C6A584;
	v3 =	vimm.s32 $0xE3C2A180  }
0x3: {  	v32 =	vlaneseq.u32;
	vm0 =	vcmask $0x1F10;
	v62 =	vimm.s32 $0x74533211  }
0x4: {  	v63 =	vimm.s32 $0xF8D7B695;
	vm8 =	vcmask $0xF00;
	vm1 =	vcmask $0x2320  }
0x5: {  	v5 =	vimm.s32 $0x75543312;
	vm2 =	vcmask $0x2724;
	v6 =	vimm.s32 $0xF9D8B796  }
0x6: {  	vm3 =	vcmask $0x2B28;
	vm4 =	vcmask $0x2F2C;
	vm5 =	vcmask $0x3330  }
0x7: {  	vm6 =	vcmask $0x3734;
	v7 =	vimm.s32 $0x76553413;
	v8 =	vimm.s32 $0xFAD9B897  }
0x8: {  	vm7 =	vcmask $0x3B38;
	v12 =	vimm.s32 $0x77563514;
	v15 =	vimm.s32 $0xFBDAB998  }
0x9: {  	v16 =	vimm.s32 $0x78573615;
	v17 =	vimm.s32 $0xFCDBBA99;
	v21 =	vimm.s32 $0x79583716  }
0xa: {  	v22 =	vimm.s32 $0xFDDCBB9A;
	v26 =	vimm.s32 $0x7A593817;
	v35 =	vimm.s32 $0xFEDDBC9B  }
0xb: {  	v36 =	vimm.s32 $0x7B5A3918;
	v58 =	vimm.s32 $0xFFDEBD9C;
	v0 =	vunpack.c.0.s8.s32 v0  }
0xc: {  	v1 =	vunpack.c.0.s8.s32 v1;
	v2 =	vunpack.c.0.s8.s32 v2;
	v3 =	vunpack.c.0.s8.s32 v3  }
0xd: {  	v4 =	vmul.u32 $0x21, v32;
	v13 =	vunpack.c.0.s8.s32 v12;
	v18 =	vunpack.c.0.s8.s32 v17  }
0xe: {  	v27 =	vunpack.c.0.s8.s32 v26;
	v59 =	vunpack.c.0.s8.s32 v58;
	v12 =	vimm.s32 $0xE2C1A09F  }
0xf: {  	v17 =	vimm.s32 $0x605F3E1D;
	v0 =	vsel vm0, v1, v0;
	v61 =	vsel vm0, v2, v3  }
0x10: {  	v37 =	vadd.s32 $0x1, v4;
	v38 =	vadd.s32 $0x2, v4;
	v39 =	vadd.s32 $0x3, v4  }
0x11: {  	v40 =	vadd.s32 $0x4, v4;
	v41 =	vadd.s32 $0x5, v4;
	v42 =	vadd.s32 $0x6, v4  }
0x12: {  	v43 =	vadd.s32 $0x7, v4;
	v44 =	vadd.s32 $0x8, v4;
	v45 =	vadd.s32 $0x9, v4  }
0x13: {  	v46 =	vadd.s32 $0xA, v4;
	v47 =	vadd.s32 $0xB, v4;
	v1 =	vunpack.c.0.s8.s32 v63  }
0x14: {  	v48 =	vadd.s32 $0xC, v4;
	v34 =	vcombine.low v61, v0;
	v0 =	vunpack.c.0.s8.s32 v62  }
0x15: {  	v49 =	vadd.s32 $0xD, v4;
	v50 =	vadd.s32 $0xE, v4;
	v51 =	vadd.s32 $0xF, v4  }
0x16: {  	v2 =	vunpack.c.0.s8.s32 v6;
	v52 =	vadd.s32 $0x10, v4;
	v0 =	vand.u32 $0xFF, v0  }
0x17: {  	[tilespmem:$0x1FFB0] =	vst v3;
	v3 =	vunpack.c.0.s8.s32 v8;
	v1 =	vand.u32 $0xFF, v1;
	v0 =	vnsel vm8, $0x1E0, v0  }
0x18: {  	v63 =	vimm.s32 $0xE0DFBE9D;
	v0 =	vsel vm0, v1, v0;
	v1 =	vunpack.c.0.s8.s32 v5  }
0x19: {  	[tilespmem:$0x1FFC0] =	vst v4;
	v4 =	vunpack.c.0.s8.s32 v12;
	v62 =	vimm.s32 $0x7C5B3A19;
	v11 =	vand.u32 $0xFF, v3  }
0x1a: {  	v3 =	vunpack.c.0.s8.s32 v16;
	v0 =	vsel vm1, $0x119, v0;
	v1 =	vand.u32 $0xFF, v1  }
0x1b: {  	v2 =	vand.u32 $0xFF, v2;
	v0 =	vsel vm2, $0x13A, v0;
	v1 =	vnsel vm8, $0x1E1, v1  }
0x1c: {  	v3 =	vand.u32 $0xFF, v3;
	v0 =	vsel vm3, $0x15B, v0;
	v1 =	vsel vm0, v2, v1  }
0x1d: {  	v0 =	vsel vm4, $0x17C, v0;
	v2 =	vunpack.c.0.s8.s32 v7;
	v1 =	vsel vm1, $0x11A, v1  }
0x1e: {  	v3 =	vnsel vm8, $0x1E4, v3;
	v0 =	vsel vm5, $0x19D, v0;
	v1 =	vsel vm2, $0x13B, v1  }
0x1f: {  	v0 =	vsel vm6, $0x1BE, v0;
	v10 =	vand.u32 $0xFF, v2;
	v1 =	vsel vm3, $0x15C, v1  }
0x20: {  	v2 =	vand.u32 $0xFF, v13;
	v53 =	vsel vm7, $0x1DF, v0;
	v1 =	vsel vm4, $0x17D, v1  }
0x21: {  	v2 =	vnsel vm8, $0x1E3, v2;
	v9 =	vsel vm5, $0x19E, v1;
	v1 =	vnsel vm8, $0x1E2, v10  }
0x22: {  	v10 =	vimm.s32 $0xE1C0BF9E;
	v0 =	vsel vm6, $0x1BF, v9;
	v1 =	vsel vm0, v11, v1  }
0x23: {  	v9 =	vimm.s32 $0x7D5C3B1A;
	v14 =	vsel vm1, $0x11B, v1;
	v1 =	vunpack.c.0.s8.s32 v15  }
0x24: {  	v11 =	vimm.s32 $0x7E5D3C1B;
	v54 =	vsel vm7, $0x1C0, v0;
	v0 =	vsel vm2, $0x13C, v14  }
0x25: {  	v14 =	vand.u32 $0xFF, v4;
	v0 =	vsel vm3, $0x15D, v0;
	v1 =	vand.u32 $0xFF, v1  }
0x26: {  	v0 =	vsel vm4, $0x17E, v0;
	v1 =	vsel vm0, v1, v2;
	v2 =	vand.u32 $0xFF, v18  }
0x27: {  	v18 =	vimm.s32 $0xE4C3A281;
	v0 =	vsel vm5, $0x19F, v0;
	v1 =	vsel vm1, $0x11C, v1  }
0x28: {  	v2 =	vsel vm0, v2, v3;
	v3 =	vunpack.c.0.s8.s32 v22;
	v22 =	vimm.s32 $0x6241201F  }
0x29: {  	v1 =	vsel vm2, $0x13D, v1;
	v0 =	vsel vm6, $0x1A0, v0;
	v20 =	vsel vm1, $0x11D, v2  }
0x2a: {  	v2 =	vunpack.c.0.s8.s32 v21;
	v1 =	vsel vm3, $0x15E, v1;
	v55 =	vsel vm7, $0x1C1, v0  }
0x2b: {  	v25 =	vand.u32 $0xFF, v3;
	v3 =	vunpack.c.0.s8.s32 v36;
	v19 =	vsel vm4, $0x17F, v1  }
0x2c: {  	v1 =	vsel vm2, $0x13E, v20;
	v24 =	vand.u32 $0xFF, v2;
	v2 =	vand.u32 $0xFF, v27  }
0x2d: {  	v0 =	vsel vm5, $0x180, v19;
	v1 =	vsel vm3, $0x15F, v1;
	v2 =	vnsel vm8, $0x1E6, v2  }
0x2e: {  	v3 =	vand.u32 $0xFF, v3;
	v19 =	vimm.s32 $0x7F5E3D1C;
	v0 =	vsel vm6, $0x1A1, v0  }
0x2f: {  	v1 =	vsel vm4, $0x160, v1;
	v3 =	vnsel vm8, $0x1E7, v3;
	v4 =	vunpack.c.0.s8.s32 v19  }
0x30: {  	v56 =	vsel vm7, $0x1C2, v0;
	v23 =	vsel vm5, $0x181, v1;
	v1 =	vnsel vm8, $0x1E5, v24  }
0x31: {  	v24 =	vimm.s32 $0xE6C5A483;
	v0 =	vsel vm6, $0x1A2, v23;
	v1 =	vsel vm0, v25, v1  }
0x32: {  	v23 =	vunpack.c.0.s8.s32 v22;
	v33 =	vsel vm1, $0x11E, v1;
	v1 =	vunpack.c.0.s8.s32 v35  }
0x33: {  	v26 =	vunpack.c.0.s8.s32 v24;
	v57 =	vsel vm7, $0x1C3, v0;
	v0 =	vsel vm2, $0x13F, v33  }
0x34: {  	v27 =	vand.u32 $0xFF, v4;
	v0 =	vsel vm3, $0x140, v0;
	v1 =	vand.u32 $0xFF, v1  }
0x35: {  	v33 =	vand.u32 $0xFF, v23;
	v0 =	vsel vm4, $0x161, v0;
	v1 =	vsel vm0, v1, v2  }
0x36: {  	v2 =	vand.u32 $0xFF, v59;
	v0 =	vsel vm5, $0x182, v0;
	v1 =	vsel vm1, $0x11F, v1  }
0x37: {  	v2 =	vsel vm0, v2, v3;
	v3 =	vunpack.c.0.s8.s32 v63;
	v1 =	vsel vm2, $0x120, v1  }
0x38: {  	v0 =	vsel vm6, $0x1A3, v0;
	v61 =	vsel vm1, $0x100, v2;
	v2 =	vunpack.c.0.s8.s32 v62  }
0x39: {  	v1 =	vsel vm3, $0x141, v1;
	v58 =	vsel vm7, $0x1C4, v0;
	v7 =	vand.u32 $0xFF, v3  }
0x3a: {  	v3 =	vunpack.c.0.s8.s32 v11;
	v60 =	vsel vm4, $0x162, v1;
	v1 =	vsel vm2, $0x121, v61  }
0x3b: {  	v6 =	vand.u32 $0xFF, v2;
	v2 =	vunpack.c.0.s8.s32 v10;
	v0 =	vsel vm5, $0x183, v60  }
0x3c: {  	v1 =	vsel vm3, $0x142, v1;
	v13 =	vand.u32 $0xFF, v3;
	v3 =	vunpack.c.0.s8.s32 v18  }
0x3d: {  	v60 =	vnsel vm8, $0x1EE, v33;
	v0 =	vsel vm6, $0x1A4, v0;
	v1 =	vsel vm4, $0x163, v1  }
0x3e: {  	v2 =	vand.u32 $0xFF, v2;
	v59 =	vsel vm7, $0x1C5, v0;
	v5 =	vsel vm5, $0x184, v1  }
0x3f: {  	v1 =	vnsel vm8, $0x1E8, v6;
	v6 =	vimm.s32 $0xE5C4A382;
	v3 =	vand.u32 $0xFF, v3  }
0x40: {  	v0 =	vsel vm6, $0x1A5, v5;
	v8 =	vsel vm0, v7, v1;
	v1 =	vunpack.c.0.s8.s32 v9  }
0x41: {  	v5 =	vimm.s32 $0x61403F1E;
	v6 =	vunpack.c.0.s8.s32 v6;
	v0 =	vsel vm7, $0x1C6, v0  }
0x42: {  	v5 =	vunpack.c.0.s8.s32 v5;
	[tilespmem:$0x1FFD0] =	vst v0;
	v0 =	vsel vm1, $0x101, v8;
	v1 =	vand.u32 $0xFF, v1  }
0x43: {  	v21 =	vand.u32 $0xFF, v6;
	v0 =	vsel vm2, $0x122, v0;
	v1 =	vnsel vm8, $0x1E9, v1  }
0x44: {  	v0 =	vsel vm3, $0x143, v0;
	v1 =	vsel vm0, v2, v1;
	v2 =	vnsel vm8, $0x1EA, v13  }
0x45: {  	v1 =	vsel vm1, $0x102, v1;
	v0 =	vsel vm4, $0x164, v0;
	v2 =	vsel vm0, v14, v2  }
0x46: {  	v1 =	vsel vm2, $0x123, v1;
	v0 =	vsel vm5, $0x185, v0;
	v2 =	vsel vm1, $0x103, v2  }
0x47: {  	v1 =	vsel vm3, $0x144, v1;
	v0 =	vsel vm6, $0x1A6, v0;
	v2 =	vsel vm2, $0x124, v2  }
0x48: {  	v1 =	vsel vm4, $0x165, v1;
	v16 =	vsel vm3, $0x145, v2;
	v2 =	vunpack.c.0.s8.s32 v17  }
0x49: {  	s6 =	rddreg [dreg:$0x0];
	v20 =	vand.u32 $0xFF, v5;
	v61 =	vsel vm7, $0x1C7, v0;
	v15 =	vsel vm5, $0x186, v1  }
0x4a: {  	s0 =	rddreg [dreg:$0x1];
	s1 =	simm.s32 $0x0;
	s4 =	srdreg.scid;
	v1 =	vsel vm4, $0x166, v16;
	v0 =	vsel vm6, $0x1A7, v15;
	v2 =	vand.u32 $0xFF, v2  }
0x4b: {  	s2 =	stileid.u32;
	s14 =	simm.s32 $0x8000;
	s15 =	simm.s32 $0x1;
	v1 =	vsel vm5, $0x187, v1;
	v2 =	vnsel vm8, $0x1EC, v2;
	v35 =	vsel vm7, $0x1C8, v0  }
0x4c: {  	s16 =	simm.s32 $0x2;
	s17 =	simm.s32 $0x11000;
	[smem:$0x7FF] =	sst s1;
	v25 =	vsel vm6, $0x1A8, v1;
	v0 =	vnsel vm8, $0x1EB, v27;
	v1 =	vand.u32 $0xFF, v26  }
0x4d: {  	s18 =	simm.s32 $0x11080;
	s19 =	simm.s32 $0x0;
	_ =	strace $0x80000047;
	v2 =	vsel vm0, v3, v2;
	v3 =	vnsel vm8, $0x1ED, v20;
	[tilespmem:$0x1FFE0] =	vst v0;
	v0 =	vsel vm0, v1, v60  }
0x4e: {  	s8 =	sand.u32 $0x1, s4;
	s5 =	sshll.u32 s2, $0x1;
	s12 =	smul.u32 $0xF420, s2;
	v3 =	vsel vm0, v21, v3;
	v0 =	vsel vm1, $0x107, v0  }
0x4f: {  	s3 =	sadd.s32 $0x1600, s6;
	s7 =	sor.u32 s8, s5;
	s13 =	smul.u32 $0x7A10, s8;
	v2 =	vsel vm1, $0x105, v2;
	v3 =	vsel vm1, $0x106, v3;
	v0 =	vsel vm2, $0x128, v0  }
0x50: {  	s4 =	sadd.s32 $0xF43A00, s6;
	s9 =	ssub.s32 $0x2, s8;
	s5 =	smul.u32 $0x7A10, s7;
	v62 =	vsel vm2, $0x126, v2;
	v63 =	vsel vm2, $0x127, v3;
	v0 =	vsel vm3, $0x149, v0  }
0x51: {  	s10 =	sshll.u32 s7, $0x4;
	s11 =	sshrl.u32 s9, $0x1;
	s31 =	smul.u32 $0x1E840, s7;
	v1 =	vsel vm3, $0x147, v62;
	v2 =	vsel vm3, $0x148, v63;
	v0 =	vsel vm4, $0x16A, v0  }
0x52: {  	p0 =	seq.s32 s7, $0x1F;
	s10 =	sadd.s32 s10, s6;
	s6 =	simm.s32 $0x7650;
	v1 =	vsel vm4, $0x168, v1;
	v2 =	vsel vm4, $0x169, v2;
	v0 =	vsel vm5, $0x18B, v0  }
0x53: {  	s11 =	ssub.s32 s9, s11;
	s6 =	simm.s32 @!p0 $0x7610;
	s7 =	sadd.s32 s4, s31;
	v1 =	vsel vm5, $0x189, v1;
	v2 =	vsel vm5, $0x18A, v2;
	v0 =	vsel vm6, $0x1AC, v0  }
0x54: {  	s8 =	sadd.s32 $0x1800, s10;
	s9 =	sadd.s32 $0x1A00, s10;
	s10 =	smax.u32 s11, $0x1;
	v1 =	vsel vm6, $0x1AA, v1;
	v2 =	vsel vm6, $0x1AB, v2;
	v0 =	vsel vm7, $0x1CD, v0  }
0x55: {  	s11 =	sadd.s32 s13, s12;
	s12 =	simm.s32 $0x10000;
	s13 =	simm.s32 $0x3;
	v36 =	vsel vm7, $0x1C9, v25;
	v62 =	vsel vm7, $0x1CB, v1;
	v31 =	vsel vm7, $0x1CC, v2;
	[tilespmem:$0x1FFF0] =	vst v0  }
.LBB2_1:
0x56: {  	[tilespmem:s12], [sflag:$0x3] =	stream.linear.gather [hbm4b:s3+s1], $0x1000, $0x38;
	[tilespmem:$0x11100] =	vst v63  }
0x57: {  	_ =	swait.ge [sflag:s13], $0x1000  }
0x58: {  	[sflag:s13] =	ssyncset.done $0x0  }
0x59: {  	[sflag:s13] =	ssyncadd.s32 $0xFFFFF000  }
0x5a: {  	v2 =	vld [tilespmem:$0x10180];
	_ =	sdelay $0x4  }
0x5b: {  	[tilespmem:$0x1FDC0] =	vst v2;
	v2 =	vld [tilespmem:$0x10500];
	_ =	sdelay $0x4  }
0x5c: {  	[tilespmem:$0x1FDD0] =	vst v2;
	v2 =	vld [tilespmem:$0x10700];
	_ =	sdelay $0x4  }
0x5d: {  	[tilespmem:$0x1FDE0] =	vst v2;
	v2 =	vld [tilespmem:$0x10780];
	_ =	sdelay $0x4  }
0x5e: {  	[tilespmem:$0x1FDF0] =	vst v2;
	v2 =	vld [tilespmem:$0x10800];
	_ =	sdelay $0x4  }
0x5f: {  	[tilespmem:$0x1FE00] =	vst v2;
	v2 =	vld [tilespmem:$0x10880];
	_ =	sdelay $0x4  }
0x60: {  	[tilespmem:$0x1FE10] =	vst v2;
	v2 =	vld [tilespmem:$0x10900];
	_ =	sdelay $0x1  }
0x61: {  	v0 =	vld [tilespmem:$0x10000]  }
0x62: {  	v33 =	vld [tilespmem:$0x10380]  }
0x63: {  	v28 =	vld [tilespmem:$0x10400]  }
0x64: {  	[tilespmem:$0x1FE20] =	vst v2;
	v2 =	vld [tilespmem:$0x10980]  }
0x65: {  	v5 =	vld [tilespmem:$0x10D00]  }
0x66: {  	v16 =	vld [tilespmem:$0x10E80];
	[tilespmem:$0x1FE70] =	vst v0  }
0x67: {  	v19 =	vld [tilespmem:$0x10B00];
	[tilespmem:$0x1FE80] =	vst v33  }
0x68: {  	v3 =	vld [tilespmem:$0x10F80];
	[tilespmem:$0x1FE90] =	vst v28  }
0x69: {  	[tilespmem:$0x1FE30] =	vst v2;
	v2 =	vld [tilespmem:$0x10A00]  }
0x6a: {  	v4 =	vld [tilespmem:$0x10C80];
	[tilespmem:$0x1FEB0] =	vst v5  }
0x6b: {  	v6 =	vld [tilespmem:$0x10D80];
	[tilespmem:$0x1FEC0] =	vst v16  }
0x6c: {  	v7 =	vld [tilespmem:$0x10E00];
	[tilespmem:$0x1FED0] =	vst v19  }
0x6d: {  	v8 =	vld [tilespmem:$0x10C00];
	[tilespmem:$0x1FEE0] =	vst v3  }
0x6e: {  	[tilespmem:$0x1FE40] =	vst v2;
	v2 =	vld [tilespmem:$0x10A80]  }
0x6f: {  	v26 =	vld [tilespmem:$0x10680];
	[tilespmem:$0x1FEF0] =	vst v4  }
0x70: {  	v12 =	vld [tilespmem:$0x10580];
	[tilespmem:$0x1FF00] =	vst v6  }
0x71: {  	v11 =	vld [tilespmem:$0x10480];
	[tilespmem:$0x1FF10] =	vst v7  }
0x72: {  	v13 =	vld [tilespmem:$0x10600];
	[tilespmem:$0x1FF20] =	vst v8  }
0x73: {  	[tilespmem:$0x1FE50] =	vst v2;
	v2 =	vld [tilespmem:$0x10B80]  }
0x74: {  	v27 =	vld [tilespmem:$0x10080];
	[tilespmem:$0x1FF30] =	vst v26  }
0x75: {  	v29 =	vld [tilespmem:$0x10200];
	[tilespmem:$0x1FF40] =	vst v12  }
0x76: {  	v60 =	vld [tilespmem:$0x10280];
	[tilespmem:$0x1FF50] =	vst v11  }
0x77: {  	v30 =	vld [tilespmem:$0x10100];
	[tilespmem:$0x1FF60] =	vst v13  }
0x78: {  	[tilespmem:$0x1FE60] =	vst v2;
	v2 =	vld [tilespmem:$0x10F00]  }
0x79: {  	[tilespmem:$0x1FF70] =	vst v27  }
0x7a: {  	[tilespmem:$0x1FF80] =	vst v29  }
0x7b: {  	[tilespmem:$0x1FF90] =	vst v60  }
0x7c: {  	[tilespmem:$0x1FFA0] =	vst v30;
	v1 =	vld [tilespmem:$0x10300];
	[tilespmem:s1], [sflag:$0x1] =	stream.linear.gather [hbm4b:s7+s1], $0x8000, $0x38  }
0x7d: {  	v9 =	vimm.s32 $0x0;
	s20 =	simm.s32 $0x400;
	s21 =	simm.s32 $0x0;
	v10 =	vimm.f32 $3.000000010e+38;
	s22 =	simm.s32 $0x0;
	[tilespmem:$0x1FEA0] =	vst v2  }
.LBB2_2:
0x7e: {  	s23 =	sshll.u32 s22, $0xB  }
0x7f: {  	s23 =	sor.u32 $0x400, s23  }
0x80: {  	s23 =	smin.u32 s23, s6  }
0x81: {  	s23 =	sadd.s32 s5, s23  }
0x82: {  	s23 =	sshll.u32 s23, $0x2  }
0x83: {  	s24 =	sand.u32 $0x7FFFC0, s23  }
0x84: {  	[tilespmem:$0x1FD40] =	vst v9;
	s31 =	simm.s32 $0x0;
	s24 =	sadd.s32 s4, s24  }
0x85: {  	[tilespmem:s14], [sflag:$0x2] =	stream.linear.gather [hbm4b:s24+s31], $0x8000, $0x38;
	[tilespmem:$0x11100] =	vst v63  }
0x86: {  	_ =	swait.ge [sflag:s15], $0x8000  }
0x87: {  	v5 =	vor.u32 s31, v39;
	v0 =	vld [tilespmem:$0x1FFC0];
	_ =	sdelay $0x2  }
0x88: {  	[sflag:s15] =	ssyncset.done $0x0  }
0x89: {  	[sflag:s15] =	ssyncadd.s32 $0xFFFF8000  }
0x8a: {  	v63 =	vmov v10;
	v5 =	vld.idx.msk [tilespmem:v5+s1+$0x0], $0xffff;
	v10 =	vor.u32 s31, v0;
	v0 =	vadd.s32 s31, v54  }
0x8b: {  	[tilespmem:$0x1FD50] =	vst v0;
	v0 =	vld [tilespmem:$0x1FDC0]  }
0x8c: {  	v11 =	vadd.s32 s31, v62;
	_ =	sdelay $0x3  }
0x8d: {  	v5 =	vsub.f32 v5, v0;
	v0 =	vor.u32 s31, v44  }
0x8e: {  	v13 =	vor.u32 s31, v51;
	[tilespmem:$0x1FD80] =	vst v0;
	v0 =	vld.idx.msk [tilespmem:v11+s1+$0x0], $0xffff  }
0x8f: {  	v11 =	vld [tilespmem:$0x1FFB0];
	_ =	sdelay $0x1  }
0x90: {  	v2 =	vor.u32 s31, v43  }
0x91: {  	v6 =	vor.u32 s31, v40  }
0x92: {  	v9 =	vor.u32 s31, v47;
	v13 =	vld.idx.msk [tilespmem:v13+s1+$0x0], $0xffff  }
0x93: {  	v17 =	vadd.s32 s31, v58;
	v25 =	vand.u32 $0xFF, v11;
	v11 =	vld [tilespmem:$0x1FDF0]  }
0x94: {  	v14 =	vor.u32 s31, v37  }
0x95: {  	v2 =	vld.idx.msk [tilespmem:v2+s1+$0x0], $0xffff  }
0x96: {  	v15 =	vor.u32 s31, v41;
	v6 =	vld.idx.msk [tilespmem:v6+s1+$0x0], $0xffff  }
0x97: {  	v3 =	vmov v16;
	v16 =	vor.u32 s31, v45;
	v9 =	vld.idx.msk [tilespmem:v9+s1+$0x0], $0xffff  }
0x98: {  	v13 =	vsub.f32 v13, v11;
	v11 =	vld.idx.msk [tilespmem:v17+s1+$0x0], $0xffff  }
0x99: {  	v14 =	vld.idx.msk [tilespmem:v14+s1+$0x0], $0xffff;
	[tilespmem:$0x1FD90] =	vst v0;
	v0 =	vor.u32 s31, v48  }
0x9a: {  	v20 =	vor.u32 s31, v49;
	[tilespmem:$0x1FD70] =	vst v0;
	v0 =	vld [tilespmem:$0x1FFE0]  }
0x9b: {  	v4 =	vmov v19;
	v19 =	vadd.s32 s31, v57;
	v15 =	vld.idx.msk [tilespmem:v15+s1+$0x0], $0xffff;
	v2 =	vsub.f32 v2, v33  }
0x9c: {  	v18 =	vor.u32 s31, v46;
	v16 =	vld.idx.msk [tilespmem:v16+s1+$0x0], $0xffff;
	v9 =	vsub.f32 v9, v12  }
0x9d: {  	v2 =	vmul.f32 v2, v2;
	v5 =	vmul.f32 v5, v5;
	[tilespmem:$0x1FDA0] =	vst v11;
	v11 =	vld [tilespmem:$0x1FF50]  }
0x9e: {  	v6 =	vsub.f32 v6, v29;
	v9 =	vmul.f32 v9, v9  }
0x9f: {  	v20 =	vld.idx.msk [tilespmem:v20+s1+$0x0], $0xffff;
	v2 =	vadd.f32 v2, v5;
	v5 =	vadd.s32 s31, v59;
	v25 =	vsel vm0, v25, v0  }
0xa0: {  	v19 =	vld.idx.msk [tilespmem:v19+s1+$0x0], $0xffff;
	v14 =	vsub.f32 v14, v27;
	v22 =	vmul.f32 v6, v6;
	v6 =	vsel vm1, $0x104, v25  }
0xa1: {  	v18 =	vld.idx.msk [tilespmem:v18+s1+$0x0], $0xffff;
	v15 =	vsub.f32 v15, v60;
	v9 =	vadd.f32 v9, v2;
	v6 =	vsel vm2, $0x125, v6  }
0xa2: {  	v2 =	vmul.f32 v14, v14;
	v6 =	vsel vm3, $0x146, v6;
	v14 =	vsub.f32 v16, v11;
	v11 =	vld [tilespmem:$0x1FD50]  }
0xa3: {  	v15 =	vmul.f32 v15, v15;
	v25 =	vsel vm4, $0x167, v6;
	v6 =	vld [tilespmem:$0x1FE50]  }
0xa4: {  	v7 =	vor.u32 s31, v42;
	v16 =	vsub.f32 v20, v26;
	v26 =	vld.idx.msk [tilespmem:v5+s1+$0x0], $0xffff  }
0xa5: {  	v5 =	vadd.f32 v15, v2;
	v2 =	vld [tilespmem:$0x1FDD0]  }
0xa6: {  	v8 =	vor.u32 s31, v38  }
0xa7: {  	v10 =	vand.u32 v34, v10;
	v14 =	vmul.f32 v14, v14  }
0xa8: {  	v6 =	vsub.f32 v19, v6;
	v19 =	vsel vm5, $0x188, v25  }
0xa9: {  	v7 =	vld.idx.msk [tilespmem:v7+s1+$0x0], $0xffff;
	v13 =	vmul.f32 v13, v13;
	v12 =	vsel vm6, $0x1A9, v19;
	v5 =	vadd.f32 v14, v5  }
0xaa: {  	v18 =	vsub.f32 v18, v2;
	v27 =	vld.idx.msk [tilespmem:v11+s1+$0x0], $0xffff;
	v11 =	vsel vm7, $0x1CA, v12;
	v12 =	vmul.f32 v16, v16  }
0xab: {  	v21 =	vadd.s32 s31, v53;
	v8 =	vld.idx.msk [tilespmem:v8+s1+$0x0], $0xffff;
	v20 =	vadd.f32 v13, v9  }
0xac: {  	v10 =	vld.idx.msk [tilespmem:v10+s1+$0x0], $0xffff;
	v9 =	vmul.f32 v18, v18;
	v18 =	vadd.f32 v12, v5;
	v5 =	vadd.s32 s31, v36  }
0xad: {  	[tilespmem:$0x1FDB0] =	vst v5;
	v5 =	vld [tilespmem:$0x1FD90]  }
0xae: {  	v0 =	vld [tilespmem:$0x1FE70];
	_ =	sdelay $0x1  }
0xaf: {  	v7 =	vsub.f32 v7, v1;
	v8 =	vsub.f32 v8, v30  }
0xb0: {  	v21 =	vld.idx.msk [tilespmem:v21+s1+$0x0], $0xffff  }
0xb1: {  	v7 =	vmul.f32 v7, v7;
	v8 =	vmul.f32 v8, v8;
	v5 =	vsub.f32 v5, v3;
	v3 =	vld [tilespmem:$0x1FE10]  }
0xb2: {  	v24 =	vadd.s32 s31, v55;
	v10 =	vsub.f32 v10, v0  }
0xb3: {  	v7 =	vadd.f32 v7, v8  }
0xb4: {  	v10 =	vmul.f32 v10, v10  }
0xb5: {  	v8 =	vadd.s32 s31, v56;
	v9 =	vadd.f32 v9, v7;
	v7 =	vld [tilespmem:$0x1FFD0]  }
0xb6: {  	v10 =	vadd.f32 v22, v10;
	v22 =	vsub.f32 v21, v3;
	v3 =	vld [tilespmem:$0x1FDA0]  }
0xb7: {  	v24 =	vld.idx.msk [tilespmem:v24+s1+$0x0], $0xffff  }
0xb8: {  	v13 =	vld [tilespmem:$0x1FE30]  }
0xb9: {  	v15 =	vadd.s32 s31, v31  }
0xba: {  	v17 =	vld.idx.msk [tilespmem:v8+s1+$0x0], $0xffff;
	v8 =	vadd.s32 s31, v35  }
0xbb: {  	v19 =	vadd.s32 s31, v7;
	v7 =	vsub.f32 v3, v4;
	v3 =	vld [tilespmem:$0x1FE40];
	_ =	sdelay $0x1  }
0xbc: {  	v16 =	vsub.f32 v24, v13  }
0xbd: {  	v12 =	vld.idx.msk [tilespmem:v15+s1+$0x0], $0xffff  }
0xbe: {  	v14 =	vadd.s32 s31, v11;
	v15 =	vmul.f32 v16, v16;
	v16 =	vld.idx.msk [tilespmem:v8+s1+$0x0], $0xffff  }
0xbf: {  	v8 =	vsub.f32 v17, v3;
	v3 =	vld [tilespmem:$0x1FFF0];
	_ =	sdelay $0x3  }
0xc0: {  	v25 =	vor.u32 s31, v52;
	v17 =	vld.idx.msk [tilespmem:v14+s1+$0x0], $0xffff  }
0xc1: {  	v14 =	vadd.s32 s31, v3;
	v3 =	vld [tilespmem:$0x1FE60]  }
0xc2: {  	v13 =	vld [tilespmem:$0x1FD70];
	_ =	sdelay $0x2  }
0xc3: {  	v25 =	vld.idx.msk [tilespmem:v25+s1+$0x0], $0xffff  }
0xc4: {  	v26 =	vsub.f32 v26, v3;
	v3 =	vld [tilespmem:$0x1FE00];
	_ =	sdelay $0x3  }
0xc5: {  	v23 =	vor.u32 s31, v50;
	v24 =	vld.idx.msk [tilespmem:v13+s1+$0x0], $0xffff  }
0xc6: {  	v21 =	vadd.f32 v15, v20;
	v20 =	vsub.f32 v25, v3;
	v3 =	vld [tilespmem:$0x1FF60];
	_ =	sdelay $0x3  }
0xc7: {  	v23 =	vld.idx.msk [tilespmem:v23+s1+$0x0], $0xffff  }
0xc8: {  	v25 =	vsub.f32 v24, v3;
	v3 =	vld [tilespmem:$0x1FDE0];
	_ =	sdelay $0x4  }
0xc9: {  	v15 =	vsub.f32 v23, v3;
	v3 =	vld [tilespmem:$0x1FE20];
	_ =	sdelay $0x3  }
0xca: {  	v13 =	vld [tilespmem:$0x1FD80]  }
0xcb: {  	[tilespmem:$0x1FD60] =	vst v11;
	v11 =	vadd.s32 s31, v61;
	v23 =	vsub.f32 v27, v3;
	v3 =	vld [tilespmem:$0x1FDB0];
	_ =	sdelay $0x4  }
0xcc: {  	p0 =	slt.s32 s6, s21;
	s24 =	smov.u32 s21;
	v11 =	vld.idx.msk [tilespmem:v11+s1+$0x0], $0xffff  }
0xcd: {  	s25 =	smov.u32 s20;
	s24 =	smov.u32 @p0 s6;
	p0 =	slt.s32 s6, s20;
	v19 =	vld.idx.msk [tilespmem:v19+s1+$0x0], $0xffff  }
0xce: {  	s25 =	smov.u32 @p0 s6;
	s24 =	sadd.s32 s24, s11;
	v5 =	vmul.f32 v5, v5;
	v13 =	vld.idx.msk [tilespmem:v13+s1+$0x0], $0xffff;
	v8 =	vmul.f32 v8, v8  }
0xcf: {  	s26 =	simm.s32 $0x200;
	s23 =	sadd.s32 s25, s11;
	s25 =	smov.u32 s24;
	v26 =	vmul.f32 v26, v26;
	v24 =	vmul.f32 v22, v22;
	v22 =	vld.idx.msk [tilespmem:v3+s1+$0x0], $0xffff  }
.LBB2_3:
0xd0: {  	v3 =	vld [tilespmem:$0x1FEB0];
	_ =	sdelay $0x4  }
0xd1: {  	v16 =	vsub.f32 v16, v3;
	v3 =	vld [tilespmem:$0x1FF10];
	_ =	sdelay $0x4  }
0xd2: {  	v17 =	vsub.f32 v17, v3;
	v3 =	vld [tilespmem:$0x1FEA0];
	_ =	sdelay $0x4  }
0xd3: {  	v12 =	vsub.f32 v12, v3;
	v3 =	vld [tilespmem:$0x1FF20];
	_ =	sdelay $0x4  }
0xd4: {  	v19 =	vsub.f32 v19, v3;
	v3 =	vld [tilespmem:$0x1FF00]  }
0xd5: {  	v13 =	vsub.f32 v13, v28;
	_ =	sdelay $0x1  }
0xd6: {  	v13 =	vmul.f32 v13, v13;
	_ =	sdelay $0x1  }
0xd7: {  	v10 =	vadd.f32 v13, v10;
	v13 =	vsub.f32 v22, v3;
	v3 =	vld [tilespmem:$0x1FEF0];
	_ =	sdelay $0x3  }
0xd8: {  	v14 =	vld.idx.msk [tilespmem:v14+s1+$0x0], $0xffff  }
0xd9: {  	v15 =	vmul.f32 v15, v15;
	v11 =	vsub.f32 v11, v3;
	v3 =	vld [tilespmem:$0x1FEE0]  }
0xda: {  	v25 =	vmul.f32 v25, v25;
	v6 =	vmul.f32 v6, v6  }
0xdb: {  	v20 =	vmul.f32 v20, v20;
	v23 =	vmul.f32 v23, v23;
	v9 =	vadd.f32 v15, v9  }
0xdc: {  	s28 =	smov.u32 s26;
	v7 =	vmul.f32 v7, v7;
	v18 =	vadd.f32 v24, v18;
	v10 =	vadd.f32 v25, v10  }
0xdd: {  	v21 =	vadd.f32 v26, v21;
	v9 =	vadd.f32 v23, v9;
	v22 =	vor.u32 s28, v39  }
0xde: {  	v10 =	vadd.f32 v20, v10;
	v14 =	vsub.f32 v14, v3;
	v3 =	vld [tilespmem:$0x1FFC0]  }
0xdf: {  	v6 =	vadd.f32 v6, v18;
	v7 =	vadd.f32 v7, v9;
	v16 =	vmul.f32 v16, v16  }
0xe0: {  	v8 =	vadd.f32 v8, v10;
	v15 =	vmul.f32 v19, v19;
	v13 =	vmul.f32 v13, v13  }
0xe1: {  	v7 =	vadd.f32 v16, v7;
	v9 =	vmul.f32 v17, v17;
	v11 =	vmul.f32 v11, v11  }
0xe2: {  	v12 =	vmul.f32 v12, v12;
	v8 =	vadd.f32 v15, v8;
	v13 =	vadd.f32 v13, v21;
	v15 =	vld.idx.msk [tilespmem:v22+s1+$0x0], $0xffff  }
0xe3: {  	v6 =	vadd.f32 v11, v6;
	v11 =	vmul.f32 v14, v14;
	v21 =	vor.u32 s28, v3;
	v3 =	vld [tilespmem:$0x1FDC0]  }
0xe4: {  	v7 =	vadd.f32 v12, v7;
	v19 =	vor.u32 s28, v43;
	v8 =	vadd.f32 v9, v8  }
0xe5: {  	v5 =	vadd.f32 v5, v6;
	v11 =	vadd.f32 v11, v13;
	_ =	sdelay $0x1  }
0xe6: {  	v5 =	vadd.f32 v5, v8;
	v7 =	vadd.f32 v11, v7  }
0xe7: {  	v23 =	vor.u32 s28, v51;
	v15 =	vsub.f32 v15, v3;
	v3 =	vld [tilespmem:$0x1FD40]  }
0xe8: {  	v24 =	vor.u32 s25, v32;
	v17 =	vld.idx.msk [tilespmem:v19+s1+$0x0], $0xffff;
	v5 =	vadd.f32 v7, v5  }
0xe9: {  	vm8 =	vlt.u32 v24, $0xF423F  }
0xea: {  	v5 =	vnsel vm8, $0x7F61B1E6, v5  }
0xeb: {  	vm8 =	vlt.f32 v5, v63  }
0xec: {  	v23 =	vld.idx.msk [tilespmem:v23+s1+$0x0], $0xffff;
	v6 =	vor.u32 s28, v47;
	v3 =	vsel vm8, v24, v3  }
0xed: {  	v8 =	vsub.f32 v17, v33;
	[tilespmem:$0x1FD40] =	vst v3;
	v3 =	vld [tilespmem:$0x1FDF0]  }
0xee: {  	v20 =	vor.u32 s28, v42  }
0xef: {  	v10 =	vor.u32 s28, v38;
	v8 =	vmul.f32 v8, v8  }
0xf0: {  	v13 =	vand.u32 v34, v21;
	v21 =	vor.u32 s28, v37;
	v15 =	vmul.f32 v15, v15  }
0xf1: {  	v6 =	vld.idx.msk [tilespmem:v6+s1+$0x0], $0xffff  }
0xf2: {  	v8 =	vadd.f32 v8, v15;
	v15 =	vsub.f32 v23, v3;
	v3 =	vld [tilespmem:$0x1FF40]  }
0xf3: {  	v12 =	vld.idx.msk [tilespmem:v20+s1+$0x0], $0xffff  }
0xf4: {  	v26 =	vadd.s32 s28, v57;
	v10 =	vld.idx.msk [tilespmem:v10+s1+$0x0], $0xffff  }
0xf5: {  	v27 =	vadd.s32 s28, v53;
	v7 =	vld.idx.msk [tilespmem:v21+s1+$0x0], $0xffff  }
0xf6: {  	v13 =	vld.idx.msk [tilespmem:v13+s1+$0x0], $0xffff  }
0xf7: {  	v6 =	vsub.f32 v6, v3;
	v3 =	vld [tilespmem:$0x1FF70]  }
0xf8: {  	v12 =	vsub.f32 v12, v1  }
0xf9: {  	v26 =	vld.idx.msk [tilespmem:v26+s1+$0x0], $0xffff  }
0xfa: {  	v63 =	vsel vm8, v5, v63;
	v5 =	vmul.f32 v12, v12;
	v12 =	vld.idx.msk [tilespmem:v27+s1+$0x0], $0xffff  }
0xfb: {  	v25 =	vadd.s32 s28, v58;
	v13 =	vsub.f32 v13, v0;
	v0 =	vld [tilespmem:$0x1FE10]  }
0xfc: {  	v10 =	vsub.f32 v10, v30;
	v24 =	vsub.f32 v7, v3;
	v3 =	vld [tilespmem:$0x1FE50];
	_ =	sdelay $0x1  }
0xfd: {  	v10 =	vmul.f32 v10, v10;
	_ =	sdelay $0x1  }
0xfe: {  	v25 =	vld.idx.msk [tilespmem:v25+s1+$0x0], $0xffff;
	v9 =	vor.u32 s28, v49;
	v27 =	vadd.f32 v5, v10  }
0xff: {  	v5 =	vmul.f32 v6, v6;
	v6 =	vsub.f32 v26, v3;
	v26 =	vsub.f32 v12, v0;
	v0 =	vld [tilespmem:$0x1FED0];
	_ =	sdelay $0x2  }
0x100: {  	v20 =	vor.u32 s28, v46  }
0x101: {  	v9 =	vld.idx.msk [tilespmem:v9+s1+$0x0], $0xffff;
	v17 =	vadd.s32 s28, v55  }
0x102: {  	v7 =	vsub.f32 v25, v0;
	v0 =	vld [tilespmem:$0x1FF30];
	_ =	sdelay $0x2  }
0x103: {  	v20 =	vld.idx.msk [tilespmem:v20+s1+$0x0], $0xffff  }
0x104: {  	v21 =	vadd.s32 s28, v59;
	v10 =	vld.idx.msk [tilespmem:v17+s1+$0x0], $0xffff  }
0x105: {  	v5 =	vadd.f32 v5, v8;
	v8 =	vsub.f32 v9, v0;
	v0 =	vld [tilespmem:$0x1FE30];
	_ =	sdelay $0x3  }
0x106: {  	v19 =	vadd.s32 s28, v62;
	v9 =	vld.idx.msk [tilespmem:v21+s1+$0x0], $0xffff  }
0x107: {  	v21 =	vmul.f32 v13, v13;
	v13 =	vsub.f32 v20, v2;
	v2 =	vmovc v30;
	v30 =	vsub.f32 v10, v0;
	v0 =	vld [tilespmem:$0x1FD60]  }
0x108: {  	v16 =	vor.u32 s28, v41  }
0x109: {  	v14 =	vor.u32 s28, v40;
	_ =	sdelay $0x1  }
0x10a: {  	v22 =	vor.u32 s28, v45;
	v19 =	vld.idx.msk [tilespmem:v19+s1+$0x0], $0xffff  }
0x10b: {  	v33 =	vadd.s32 s28, v0;
	v0 =	vld [tilespmem:$0x1FEC0]  }
0x10c: {  	v16 =	vld.idx.msk [tilespmem:v16+s1+$0x0], $0xffff  }
0x10d: {  	v14 =	vld.idx.msk [tilespmem:v14+s1+$0x0], $0xffff;
	_ =	sdelay $0x1  }
0x10e: {  	v17 =	vld.idx.msk [tilespmem:v22+s1+$0x0], $0xffff  }
0x10f: {  	v11 =	vor.u32 s28, v44;
	v19 =	vsub.f32 v19, v0;
	v0 =	vld [tilespmem:$0x1FF50]  }
0x110: {  	v18 =	vadd.s32 s28, v54  }
0x111: {  	v16 =	vsub.f32 v16, v60;
	v14 =	vsub.f32 v14, v29;
	v29 =	vor.u32 s28, v48  }
0x112: {  	v23 =	vadd.s32 s28, v56;
	v15 =	vmul.f32 v15, v15;
	v3 =	vmovc v60;
	v60 =	vmovc v57;
	v57 =	vmov v54  }
0x113: {  	v54 =	vmovc v51;
	v51 =	vmovc v48;
	v48 =	vmov v45;
	v45 =	vmov v42;
	v42 =	vmov v39  }
0x114: {  	v39 =	vmovc v34;
	v34 =	vmul.f32 v13, v13;
	v13 =	vld.idx.msk [tilespmem:v11+s1+$0x0], $0xffff;
	v11 =	vsub.f32 v17, v0;
	v0 =	vmov v49  }
0x115: {  	v49 =	vmovc v46;
	v46 =	vmovc v43;
	v43 =	vmov v40;
	v40 =	vmov v37;
	v37 =	vadd.f32 v15, v5;
	v5 =	vld [tilespmem:$0x1FFD0];
	_ =	sdelay $0x3  }
0x116: {  	v20 =	vld.idx.msk [tilespmem:v23+s1+$0x0], $0xffff  }
0x117: {  	v15 =	vadd.s32 s28, v5;
	v5 =	vmul.f32 v19, v19;
	v19 =	vmul.f32 v11, v11;
	v11 =	vld [tilespmem:$0x1FE40];
	_ =	sdelay $0x2  }
0x118: {  	v14 =	vmul.f32 v14, v14  }
0x119: {  	v28 =	vor.u32 s28, v50  }
0x11a: {  	v10 =	vadd.f32 v14, v21;
	v21 =	vsub.f32 v20, v11;
	v11 =	vld [tilespmem:$0x1FFF0];
	_ =	sdelay $0x3  }
0x11b: {  	v23 =	vmul.f32 v24, v24;
	v24 =	vld.idx.msk [tilespmem:v28+s1+$0x0], $0xffff  }
0x11c: {  	v28 =	vadd.s32 s28, v35;
	v14 =	vadd.s32 s28, v11;
	v11 =	vld [tilespmem:$0x1FE60]  }
0x11d: {  	v22 =	vor.u32 s28, v52;
	_ =	sdelay $0x3  }
0x11e: {  	v17 =	vmul.f32 v16, v16;
	v16 =	vld.idx.msk [tilespmem:v28+s1+$0x0], $0xffff;
	v28 =	vmul.f32 v30, v30;
	v30 =	vsub.f32 v9, v11  }
0x11f: {  	v22 =	vld.idx.msk [tilespmem:v22+s1+$0x0], $0xffff;
	v9 =	vadd.f32 v34, v27;
	v34 =	vmovc v39;
	v39 =	vmovc v42;
	v42 =	vmov v45;
	v45 =	vmov v48  }
0x120: {  	v48 =	vmovc v51;
	v51 =	vmovc v54;
	v54 =	vmov v57;
	v57 =	vmov v60;
	v60 =	vmov v3;
	v3 =	vld [tilespmem:$0x1FE00];
	_ =	sdelay $0x3  }
0x121: {  	v29 =	vld.idx.msk [tilespmem:v29+s1+$0x0], $0xffff;
	v25 =	vadd.s32 s28, v61  }
0x122: {  	v20 =	vsub.f32 v22, v3;
	v3 =	vld [tilespmem:$0x1FF60]  }
0x123: {  	v12 =	vadd.s32 s28, v31;
	_ =	sdelay $0x1  }
0x124: {  	v18 =	vld.idx.msk [tilespmem:v18+s1+$0x0], $0xffff  }
0x125: {  	v11 =	vld.idx.msk [tilespmem:v25+s1+$0x0], $0xffff  }
0x126: {  	v25 =	vsub.f32 v29, v3;
	v3 =	vld [tilespmem:$0x1FDE0]  }
0x127: {  	v12 =	vld.idx.msk [tilespmem:v12+s1+$0x0], $0xffff  }
0x128: {  	v23 =	vadd.f32 v17, v23;
	v17 =	vld.idx.msk [tilespmem:v33+s1+$0x0], $0xffff  }
0x129: {  	v4 =	vmov v1;
	v32 =	vadd.s32 s28, v36;
	v33 =	vld [tilespmem:$0x1FE80]  }
0x12a: {  	v1 =	vmovc v31;
	v31 =	vmovc v62;
	v62 =	vmov v59;
	v59 =	vmov v56;
	v22 =	vadd.f32 v19, v23;
	v19 =	vld.idx.msk [tilespmem:v15+s1+$0x0], $0xffff  }
0x12b: {  	p0 =	sne.s32 s26, $0x7E00;
	v56 =	vmovc v53;
	v53 =	vmovc v50;
	v50 =	vmov v47;
	v47 =	vmov v44;
	v15 =	vsub.f32 v24, v3;
	v3 =	vld [tilespmem:$0x1FE20]  }
.Ltmp0:
0x12c: {  	v27 =	vmul.f32 v8, v8;
	v8 =	vmul.f32 v21, v21;
	v21 =	vadd.f32 v28, v37;
	v28 =	vld [tilespmem:$0x1FE90];
	(pc) =	sbr.rel @p0 .LBB2_3-.Ltmp0, $4  }
0x12d: {  	v37 =	vmovc v40;
	v40 =	vmovc v43;
	v43 =	vmov v46;
	v46 =	vmov v49;
	v49 =	vmov v0;
	v0 =	vld [tilespmem:$0x1FE70]  }
0x12e: {  	v44 =	vmovc v47;
	v47 =	vmovc v50;
	v50 =	vmov v53;
	v53 =	vmov v56;
	v56 =	vmov v59;
	v29 =	vld [tilespmem:$0x1FF80]  }
0x12f: {  	s24 =	sadd.s32 $0x10, s24;
	v59 =	vmovc v62;
	v62 =	vmovc v31;
	v24 =	vmul.f32 v26, v26;
	v26 =	vmul.f32 v30, v30;
	v30 =	vmov v2;
	v2 =	vld [tilespmem:$0x1FDD0]  }
0x130: {  	s26 =	sadd.s32 $0x200, s26;
	s25 =	smov.u32 s24;
	v31 =	vmovc v1;
	v1 =	vmovc v4;
	v23 =	vsub.f32 v18, v3;
	v18 =	vadd.f32 v27, v22;
	v22 =	vld.idx.msk [tilespmem:v32+s1+$0x0], $0xffff;
	v32 =	vlaneseq.u32  }
0x131: {  	v3 =	vld [tilespmem:$0x1FEB0];
	_ =	sdelay $0x4  }
0x132: {  	v16 =	vsub.f32 v16, v3;
	v3 =	vld [tilespmem:$0x1FF10];
	_ =	sdelay $0x4  }
0x133: {  	v17 =	vsub.f32 v17, v3;
	v3 =	vld [tilespmem:$0x1FEA0];
	_ =	sdelay $0x4  }
0x134: {  	v12 =	vsub.f32 v12, v3;
	v3 =	vld [tilespmem:$0x1FF20];
	_ =	sdelay $0x4  }
0x135: {  	v19 =	vsub.f32 v19, v3;
	v3 =	vld [tilespmem:$0x1FF00];
	_ =	sdelay $0x1  }
0x136: {  	v13 =	vsub.f32 v13, v28;
	_ =	sdelay $0x1  }
0x137: {  	v13 =	vmul.f32 v13, v13  }
0x138: {  	v22 =	vsub.f32 v22, v3;
	v3 =	vld [tilespmem:$0x1FEF0]  }
0x139: {  	v10 =	vadd.f32 v13, v10;
	v13 =	vmul.f32 v15, v15  }
0x13a: {  	v18 =	vadd.f32 v24, v18;
	v24 =	vmul.f32 v25, v25  }
0x13b: {  	s24 =	sshll.u32 s22, $0x1;
	v15 =	vmul.f32 v23, v23;
	v9 =	vadd.f32 v13, v9  }
0x13c: {  	v6 =	vmul.f32 v6, v6;
	v14 =	vld.idx.msk [tilespmem:v14+s1+$0x0], $0xffff;
	v20 =	vmul.f32 v20, v20;
	s24 =	smin.u32 s24, $0x1D;
	v10 =	vadd.f32 v24, v10  }
0x13d: {  	v7 =	vmul.f32 v7, v7;
	s24 =	sshll.u32 s24, $0xA;
	v9 =	vadd.f32 v15, v9;
	v11 =	vsub.f32 v11, v3;
	v3 =	vld [tilespmem:$0x1FEE0]  }
0x13e: {  	v6 =	vadd.f32 v6, v18;
	s24 =	sadd.s32 $0x800, s24;
	v10 =	vadd.f32 v20, v10  }
0x13f: {  	s24 =	smin.u32 s24, s6;
	v13 =	vmul.f32 v16, v16;
	v7 =	vadd.f32 v7, v9;
	v11 =	vmul.f32 v11, v11  }
0x140: {  	v21 =	vadd.f32 v26, v21;
	s24 =	sadd.s32 s5, s24;
	v8 =	vadd.f32 v8, v10  }
0x141: {  	s24 =	sshll.u32 s24, $0x2;
	v7 =	vadd.f32 v13, v7;
	v15 =	vmul.f32 v19, v19;
	v6 =	vadd.f32 v11, v6  }
0x142: {  	s26 =	sand.u32 $0x7FFFC0, s24;
	s24 =	simm.s32 $0x0;
	v12 =	vmul.f32 v12, v12;
	v16 =	vmul.f32 v22, v22;
	v14 =	vsub.f32 v14, v3  }
0x143: {  	s26 =	sadd.s32 s4, s26;
	v8 =	vadd.f32 v15, v8;
	v5 =	vadd.f32 v5, v6;
	v6 =	vor.u32 s24, v43  }
0x144: {  	[tilespmem:s24], [sflag:$0x1] =	stream.linear.gather [hbm4b:s26+s24], $0x8000, $0x38;
	v9 =	vadd.f32 v16, v21;
	v11 =	vmul.f32 v17, v17;
	v10 =	vmul.f32 v14, v14;
	[tilespmem:$0x11100] =	vst v63  }
0x145: {  	v7 =	vadd.f32 v12, v7;
	_ =	swait.ge [sflag:s16], $0x8000  }
0x146: {  	v13 =	vor.u32 s24, v47;
	[sflag:s16] =	ssyncset.done $0x0;
	v8 =	vadd.f32 v11, v8;
	v9 =	vadd.f32 v10, v9  }
0x147: {  	[sflag:s16] =	ssyncadd.s32 $0xFFFF8000;
	v11 =	vor.u32 s24, v39  }
0x148: {  	v5 =	vadd.f32 v5, v8;
	v7 =	vadd.f32 v9, v7;
	v6 =	vld.idx.msk [tilespmem:v6+s14+$0x0], $0xffff  }
0x149: {  	v9 =	vor.u32 s24, v38  }
0x14a: {  	v12 =	vor.u32 s25, v32;
	v5 =	vadd.f32 v7, v5  }
0x14b: {  	vm8 =	vlt.u32 v12, $0xF423F;
	v13 =	vld.idx.msk [tilespmem:v13+s14+$0x0], $0xffff;
	v8 =	vor.u32 s24, v42  }
0x14c: {  	v11 =	vld.idx.msk [tilespmem:v11+s14+$0x0], $0xffff;
	v5 =	vnsel vm8, $0x7F61B1E6, v5  }
0x14d: {  	vm8 =	vlt.f32 v5, v63;
	v6 =	vsub.f32 v6, v33;
	v33 =	vld [tilespmem:$0x1FF40]  }
0x14e: {  	v4 =	vsel vm8, v5, v63;
	v5 =	vld.idx.msk [tilespmem:v9+s14+$0x0], $0xffff  }
0x14f: {  	v9 =	vor.u32 s24, v51;
	v63 =	vld [tilespmem:$0x1FDC0]  }
0x150: {  	v8 =	vld.idx.msk [tilespmem:v8+s14+$0x0], $0xffff;
	_ =	sdelay $0x2  }
0x151: {  	v13 =	vsub.f32 v13, v33;
	v33 =	vld [tilespmem:$0x1FDF0]  }
0x152: {  	v11 =	vsub.f32 v11, v63;
	v9 =	vld.idx.msk [tilespmem:v9+s14+$0x0], $0xffff  }
0x153: {  	v8 =	vsub.f32 v8, v1;
	v5 =	vsub.f32 v5, v30  }
0x154: {  	v6 =	vmul.f32 v6, v6;
	v11 =	vmul.f32 v11, v11  }
0x155: {  	v15 =	vor.u32 s24, v37;
	v8 =	vmul.f32 v8, v8;
	v5 =	vmul.f32 v5, v5  }
0x156: {  	v22 =	vor.u32 s24, v48;
	v3 =	vld [tilespmem:$0x1FFC0];
	v6 =	vadd.f32 v6, v11  }
0x157: {  	v8 =	vadd.f32 v8, v5;
	v5 =	vmul.f32 v13, v13;
	v9 =	vsub.f32 v9, v33  }
0x158: {  	v16 =	vor.u32 s24, v44  }
0x159: {  	v10 =	vor.u32 s24, v40;
	v5 =	vadd.f32 v5, v6;
	v9 =	vmul.f32 v9, v9  }
0x15a: {  	v15 =	vld.idx.msk [tilespmem:v15+s14+$0x0], $0xffff;
	v13 =	vadd.s32 s24, v59  }
0x15b: {  	v7 =	vor.u32 s24, v3;
	v5 =	vadd.f32 v9, v5;
	v9 =	vld [tilespmem:$0x1FFD0]  }
0x15c: {  	v22 =	vld.idx.msk [tilespmem:v22+s14+$0x0], $0xffff;
	v7 =	vand.u32 v34, v7  }
0x15d: {  	v16 =	vld.idx.msk [tilespmem:v16+s14+$0x0], $0xffff  }
0x15e: {  	v23 =	vor.u32 s24, v45;
	v10 =	vld.idx.msk [tilespmem:v10+s14+$0x0], $0xffff  }
0x15f: {  	v14 =	vor.u32 s24, v41;
	v25 =	vld.idx.msk [tilespmem:v13+s14+$0x0], $0xffff  }
0x160: {  	v13 =	vadd.s32 s24, v9;
	v9 =	vld [tilespmem:$0x1FF60]  }
0x161: {  	v7 =	vld.idx.msk [tilespmem:v7+s14+$0x0], $0xffff  }
0x162: {  	v3 =	vld [tilespmem:$0x1FD40]  }
0x163: {  	v23 =	vld.idx.msk [tilespmem:v23+s14+$0x0], $0xffff  }
0x164: {  	v24 =	vadd.s32 s24, v55;
	v14 =	vld.idx.msk [tilespmem:v14+s14+$0x0], $0xffff  }
0x165: {  	v6 =	vadd.s32 s24, v53;
	v9 =	vsub.f32 v22, v9;
	v22 =	vld [tilespmem:$0x1FF50]  }
0x166: {  	v10 =	vsub.f32 v10, v29;
	v7 =	vsub.f32 v7, v0;
	v33 =	vld [tilespmem:$0x1FF70]  }
0x167: {  	v17 =	vor.u32 s24, v46;
	v16 =	vsub.f32 v16, v28;
	v3 =	vsel vm8, v12, v3  }
0x168: {  	v12 =	vor.u32 s24, v52;
	v10 =	vmul.f32 v10, v10;
	v7 =	vmul.f32 v7, v7  }
0x169: {  	v20 =	vadd.s32 s24, v54;
	v24 =	vld.idx.msk [tilespmem:v24+s14+$0x0], $0xffff  }
0x16a: {  	v16 =	vmul.f32 v16, v16;
	v7 =	vadd.f32 v10, v7;
	v22 =	vsub.f32 v23, v22;
	v23 =	vld.idx.msk [tilespmem:v6+s14+$0x0], $0xffff  }
0x16b: {  	v18 =	vadd.s32 s24, v57;
	v14 =	vsub.f32 v14, v60;
	v15 =	vsub.f32 v15, v33;
	v6 =	vld [tilespmem:$0x1FE30]  }
0x16c: {  	v21 =	vadd.s32 s24, v56;
	v17 =	vld.idx.msk [tilespmem:v17+s14+$0x0], $0xffff;
	v7 =	vadd.f32 v16, v7;
	v9 =	vmul.f32 v9, v9  }
0x16d: {  	v14 =	vmul.f32 v14, v14;
	v11 =	vor.u32 s24, v49;
	v33 =	vld.idx.msk [tilespmem:v12+s14+$0x0], $0xffff;
	v15 =	vmul.f32 v15, v15  }
0x16e: {  	v12 =	vadd.f32 v9, v7;
	v7 =	vld [tilespmem:$0x1FFF0]  }
0x16f: {  	v20 =	vld.idx.msk [tilespmem:v20+s14+$0x0], $0xffff;
	v14 =	vadd.f32 v14, v15;
	v15 =	vadd.s32 s24, v58  }
0x170: {  	v18 =	vld.idx.msk [tilespmem:v18+s14+$0x0], $0xffff;
	v6 =	vsub.f32 v24, v6  }
0x171: {  	v21 =	vld.idx.msk [tilespmem:v21+s14+$0x0], $0xffff;
	v17 =	vsub.f32 v17, v2;
	v22 =	vmul.f32 v22, v22  }
0x172: {  	v10 =	vor.u32 s24, v50;
	v11 =	vld.idx.msk [tilespmem:v11+s14+$0x0], $0xffff;
	v6 =	vmul.f32 v6, v6  }
0x173: {  	v14 =	vadd.f32 v22, v14;
	v22 =	vadd.s32 s24, v7;
	v7 =	vmul.f32 v17, v17;
	v17 =	vld [tilespmem:$0x1FF30]  }
0x174: {  	v5 =	vadd.f32 v6, v5;
	v6 =	vld.idx.msk [tilespmem:v15+s14+$0x0], $0xffff  }
0x175: {  	v15 =	vld [tilespmem:$0x1FE50]  }
0x176: {  	v60 =	vld [tilespmem:$0x1FE40]  }
0x177: {  	v19 =	vadd.s32 s24, v36;
	v16 =	vld [tilespmem:$0x1FD60]  }
0x178: {  	v10 =	vld.idx.msk [tilespmem:v10+s14+$0x0], $0xffff  }
0x179: {  	v11 =	vsub.f32 v11, v17;
	v17 =	vld [tilespmem:$0x1FE20]  }
0x17a: {  	v15 =	vsub.f32 v18, v15;
	v18 =	vld [tilespmem:$0x1FDE0];
	_ =	sdelay $0x1  }
0x17b: {  	v16 =	vadd.s32 s24, v16;
	v9 =	vld.idx.msk [tilespmem:v19+s14+$0x0], $0xffff  }
0x17c: {  	v19 =	vadd.f32 v7, v8;
	v8 =	vld [tilespmem:$0x1FE10]  }
0x17d: {  	v21 =	vsub.f32 v21, v60  }
0x17e: {  	v60 =	vadd.s32 s24, v61;
	v17 =	vsub.f32 v20, v17;
	v20 =	vsub.f32 v10, v18;
	v10 =	vld [tilespmem:$0x1FE00]  }
0x17f: {  	v11 =	vmul.f32 v11, v11  }
0x180: {  	v16 =	vld.idx.msk [tilespmem:v16+s14+$0x0], $0xffff  }
0x181: {  	v27 =	vadd.s32 s24, v35;
	v8 =	vsub.f32 v23, v8;
	v11 =	vadd.f32 v11, v14;
	v14 =	vld [tilespmem:$0x1FE60]  }
0x182: {  	v13 =	vld.idx.msk [tilespmem:v13+s14+$0x0], $0xffff  }
0x183: {  	v7 =	vmul.f32 v21, v21;
	v18 =	vld.idx.msk [tilespmem:v60+s14+$0x0], $0xffff;
	v21 =	vsub.f32 v33, v10;
	v10 =	vmul.f32 v8, v8  }
0x184: {  	v8 =	vmul.f32 v15, v15;
	v15 =	vmul.f32 v17, v17;
	v17 =	vld.idx.msk [tilespmem:v22+s14+$0x0], $0xffff  }
0x185: {  	v60 =	vmov v63;
	v63 =	vmov v1;
	v1 =	vmov v29;
	v33 =	vld [tilespmem:$0x1FF70]  }
0x186: {  	s26 =	simm.s32 $0x200;
	s25 =	smov.u32 s23;
	v20 =	vmul.f32 v20, v20;
	v22 =	vmul.f32 v21, v21;
	v21 =	vsub.f32 v25, v14;
	v14 =	vld.idx.msk [tilespmem:v27+s14+$0x0], $0xffff  }
.LBB2_5:
0x187: {  	v23 =	vld [tilespmem:$0x1FF20]  }
0x188: {  	v19 =	vadd.f32 v20, v19;
	v20 =	vmul.f32 v21, v21;
	v21 =	vld [tilespmem:$0x1FF10]  }
0x189: {  	v12 =	vadd.f32 v22, v12;
	_ =	sdelay $0x1  }
0x18a: {  	v7 =	vadd.f32 v7, v12;
	v12 =	vld [tilespmem:$0x1FEF0]  }
0x18b: {  	v13 =	vsub.f32 v13, v23;
	v23 =	vld [tilespmem:$0x1FF00]  }
0x18c: {  	v16 =	vsub.f32 v16, v21;
	v21 =	vld [tilespmem:$0x1FED0];
	_ =	sdelay $0x2  }
0x18d: {  	v15 =	vadd.f32 v15, v19;
	v19 =	vld [tilespmem:$0x1FEB0];
	v12 =	vsub.f32 v18, v12;
	v18 =	vadd.s32 s24, v31;
	_ =	sdelay $0x1  }
0x18e: {  	v9 =	vsub.f32 v9, v23;
	v6 =	vsub.f32 v6, v21  }
0x18f: {  	s28 =	smov.u32 s26;
	v10 =	vadd.f32 v10, v11;
	v20 =	vadd.f32 v20, v5;
	v5 =	vld [tilespmem:$0x1FEE0]  }
0x190: {  	v23 =	vadd.s32 s24, v62;
	s24 =	smov.u32 s28;
	v9 =	vmul.f32 v9, v9;
	v6 =	vmul.f32 v6, v6  }
0x191: {  	v13 =	vmul.f32 v13, v13;
	v14 =	vsub.f32 v14, v19;
	v19 =	vor.u32 s24, v43;
	v11 =	vld.idx.msk [tilespmem:v18+s14+$0x0], $0xffff  }
0x192: {  	v9 =	vadd.f32 v9, v20;
	v20 =	vor.u32 s24, v39;
	v6 =	vadd.f32 v6, v15;
	v15 =	vld [tilespmem:$0x1FEA0];
	_ =	sdelay $0x1  }
0x193: {  	v17 =	vsub.f32 v17, v5;
	v7 =	vadd.f32 v13, v7;
	v13 =	vmul.f32 v16, v16  }
0x194: {  	v29 =	vld [tilespmem:$0x1FE80]  }
0x195: {  	v7 =	vadd.f32 v13, v7;
	v13 =	vmul.f32 v17, v17;
	v19 =	vld.idx.msk [tilespmem:v19+s14+$0x0], $0xffff  }
0x196: {  	v11 =	vsub.f32 v11, v15;
	v15 =	vld.idx.msk [tilespmem:v20+s14+$0x0], $0xffff  }
0x197: {  	v14 =	vmul.f32 v14, v14;
	v9 =	vadd.f32 v13, v9;
	v13 =	vor.u32 s24, v38  }
0x198: {  	v27 =	vor.u32 s24, v51  }
0x199: {  	v6 =	vadd.f32 v14, v6;
	v11 =	vmul.f32 v11, v11  }
0x19a: {  	v22 =	vld [tilespmem:$0x1FEC0];
	v19 =	vsub.f32 v19, v29  }
0x19b: {  	v16 =	vld.idx.msk [tilespmem:v23+s14+$0x0], $0xffff;
	v6 =	vadd.f32 v11, v6;
	v11 =	vsub.f32 v15, v60  }
0x19c: {  	v23 =	vor.u32 s24, v41;
	v13 =	vld.idx.msk [tilespmem:v13+s14+$0x0], $0xffff  }
0x19d: {  	v6 =	vadd.f32 v9, v6;
	v9 =	vmul.f32 v11, v11;
	v11 =	vmul.f32 v19, v19;
	v19 =	vld.idx.msk [tilespmem:v27+s14+$0x0], $0xffff  }
0x19e: {  	v27 =	vld [tilespmem:$0x1FFA0];
	_ =	sdelay $0x2  }
0x19f: {  	v8 =	vadd.f32 v8, v10;
	v10 =	vor.u32 s24, v42  }
0x1a0: {  	v16 =	vsub.f32 v16, v22;
	v22 =	vor.u32 s24, v47;
	v23 =	vld.idx.msk [tilespmem:v23+s14+$0x0], $0xffff  }
0x1a1: {  	v29 =	vor.u32 s24, v45;
	v13 =	vsub.f32 v13, v27;
	v27 =	vld [tilespmem:$0x1FF90]  }
0x1a2: {  	v18 =	vld [tilespmem:$0x1FFC0];
	_ =	sdelay $0x1  }
0x1a3: {  	v10 =	vld.idx.msk [tilespmem:v10+s14+$0x0], $0xffff  }
0x1a4: {  	v12 =	vmul.f32 v12, v12;
	v22 =	vld.idx.msk [tilespmem:v22+s14+$0x0], $0xffff  }
0x1a5: {  	v17 =	vor.u32 s24, v40;
	v23 =	vsub.f32 v23, v27;
	v27 =	vld.idx.msk [tilespmem:v29+s14+$0x0], $0xffff  }
0x1a6: {  	v8 =	vadd.f32 v12, v8;
	v18 =	vor.u32 s24, v18;
	v12 =	vmul.f32 v16, v16;
	v29 =	vld [tilespmem:$0x1FF40]  }
0x1a7: {  	v18 =	vand.u32 v34, v18  }
0x1a8: {  	v8 =	vadd.f32 v12, v8  }
0x1a9: {  	v10 =	vsub.f32 v10, v63  }
0x1aa: {  	v28 =	vor.u32 s25, v32;
	v12 =	vor.u32 s24, v44;
	v7 =	vadd.f32 v8, v7  }
0x1ab: {  	v16 =	vld.idx.msk [tilespmem:v17+s14+$0x0], $0xffff;
	v10 =	vmul.f32 v10, v10;
	v13 =	vmul.f32 v13, v13;
	v22 =	vsub.f32 v22, v29  }
0x1ac: {  	vm8 =	vlt.s32 v28, $0xF423F;
	v18 =	vld.idx.msk [tilespmem:v18+s14+$0x0], $0xffff;
	v6 =	vadd.f32 v6, v7  }
0x1ad: {  	v25 =	vadd.s32 s24, v56;
	v29 =	vadd.f32 v10, v13;
	v13 =	vmul.f32 v22, v22;
	v22 =	vld [tilespmem:$0x1FDF0]  }
0x1ae: {  	v20 =	vadd.s32 s24, v57;
	v6 =	vnsel vm8, $0x7F61B1E6, v6  }
0x1af: {  	v21 =	vor.u32 s24, v37;
	v12 =	vld.idx.msk [tilespmem:v12+s14+$0x0], $0xffff;
	vm8 =	vlt.f32 v6, v4  }
0x1b0: {  	v14 =	vadd.s32 s24, v54;
	v3 =	vsel vm8, v28, v3;
	v28 =	vld [tilespmem:$0x1FE90]  }
0x1b1: {  	v16 =	vsub.f32 v16, v1;
	v7 =	vadd.f32 v11, v9  }
0x1b2: {  	v25 =	vld.idx.msk [tilespmem:v25+s14+$0x0], $0xffff;
	v15 =	vor.u32 s24, v49;
	v18 =	vsub.f32 v18, v0;
	v19 =	vsub.f32 v19, v22  }
0x1b3: {  	v20 =	vld.idx.msk [tilespmem:v20+s14+$0x0], $0xffff;
	v16 =	vmul.f32 v16, v16;
	v4 =	vsel vm8, v6, v4  }
0x1b4: {  	v8 =	vld.idx.msk [tilespmem:v21+s14+$0x0], $0xffff;
	v6 =	vmul.f32 v18, v18;
	v13 =	vadd.f32 v13, v7;
	v19 =	vmul.f32 v19, v19  }
0x1b5: {  	v26 =	vor.u32 s24, v48;
	v9 =	vld.idx.msk [tilespmem:v14+s14+$0x0], $0xffff;
	v12 =	vsub.f32 v12, v28  }
0x1b6: {  	v6 =	vadd.f32 v16, v6;
	v16 =	vadd.f32 v19, v13;
	v13 =	vld [tilespmem:$0x1FE50]  }
0x1b7: {  	v11 =	vor.u32 s24, v50;
	v15 =	vld.idx.msk [tilespmem:v15+s14+$0x0], $0xffff;
	v12 =	vmul.f32 v12, v12  }
0x1b8: {  	v18 =	vld [tilespmem:$0x1FE40]  }
0x1b9: {  	v6 =	vadd.f32 v12, v6;
	v12 =	vld [tilespmem:$0x1FF30]  }
0x1ba: {  	v8 =	vsub.f32 v8, v33;
	v10 =	vld.idx.msk [tilespmem:v26+s14+$0x0], $0xffff  }
0x1bb: {  	v19 =	vsub.f32 v20, v13;
	v20 =	vld [tilespmem:$0x1FF60]  }
0x1bc: {  	v21 =	vadd.s32 s24, v53;
	v8 =	vmul.f32 v8, v8;
	v11 =	vld.idx.msk [tilespmem:v11+s14+$0x0], $0xffff;
	v23 =	vmul.f32 v23, v23  }
0x1bd: {  	v30 =	vadd.s32 s24, v55;
	v18 =	vsub.f32 v25, v18;
	v25 =	vld [tilespmem:$0x1FD60]  }
0x1be: {  	v8 =	vadd.f32 v23, v8;
	v23 =	vld [tilespmem:$0x1FF50]  }
0x1bf: {  	v15 =	vsub.f32 v15, v12;
	v12 =	vld [tilespmem:$0x1FFF0]  }
0x1c0: {  	v24 =	vadd.s32 s24, v36;
	v10 =	vsub.f32 v10, v20;
	v20 =	vld [tilespmem:$0x1FE20]  }
0x1c1: {  	v5 =	vor.u32 s24, v52;
	v7 =	vmul.f32 v18, v18;
	v18 =	vld.idx.msk [tilespmem:v21+s14+$0x0], $0xffff  }
0x1c2: {  	v22 =	vld.idx.msk [tilespmem:v30+s14+$0x0], $0xffff;
	v10 =	vmul.f32 v10, v10  }
0x1c3: {  	v17 =	vor.u32 s24, v46;
	v13 =	vld [tilespmem:$0x1FFD0]  }
0x1c4: {  	v21 =	vadd.s32 s24, v58;
	v26 =	vadd.s32 s24, v12;
	v12 =	vadd.f32 v10, v6;
	v10 =	vld [tilespmem:$0x1FDE0]  }
0x1c5: {  	v20 =	vsub.f32 v9, v20;
	v9 =	vld.idx.msk [tilespmem:v24+s14+$0x0], $0xffff  }
0x1c6: {  	v23 =	vsub.f32 v27, v23;
	v24 =	vld.idx.msk [tilespmem:v5+s14+$0x0], $0xffff  }
0x1c7: {  	v14 =	vadd.s32 s24, v59;
	v5 =	vld [tilespmem:$0x1FE30]  }
0x1c8: {  	v17 =	vld.idx.msk [tilespmem:v17+s14+$0x0], $0xffff;
	v23 =	vmul.f32 v23, v23  }
0x1c9: {  	v6 =	vld.idx.msk [tilespmem:v21+s14+$0x0], $0xffff  }
0x1ca: {  	v13 =	vadd.s32 s24, v13;
	v21 =	vadd.f32 v23, v8;
	v8 =	vld [tilespmem:$0x1FE10]  }
0x1cb: {  	v25 =	vadd.s32 s24, v25;
	v15 =	vmul.f32 v15, v15;
	v23 =	vsub.f32 v11, v10;
	v10 =	vld [tilespmem:$0x1FE00]  }
0x1cc: {  	v14 =	vld.idx.msk [tilespmem:v14+s14+$0x0], $0xffff;
	v5 =	vsub.f32 v22, v5  }
0x1cd: {  	v17 =	vsub.f32 v17, v2;
	v27 =	vadd.s32 s24, v35;
	v11 =	vadd.f32 v15, v21;
	v21 =	vld [tilespmem:$0x1FE60]  }
0x1ce: {  	p0 =	sne.s32 s26, $0x7E00;
	v22 =	vadd.s32 s24, v61;
	v5 =	vmul.f32 v5, v5  }
.Ltmp1:
0x1cf: {  	v17 =	vmul.f32 v17, v17;
	v13 =	vld.idx.msk [tilespmem:v13+s14+$0x0], $0xffff;
	v8 =	vsub.f32 v18, v8;
	(pc) =	sbr.rel @p0 .LBB2_5-.Ltmp1, $4  }
0x1d0: {  	v5 =	vadd.f32 v5, v16;
	v16 =	vld.idx.msk [tilespmem:v25+s14+$0x0], $0xffff;
	v24 =	vsub.f32 v24, v10  }
0x1d1: {  	v10 =	vmul.f32 v8, v8;
	v8 =	vmul.f32 v19, v19;
	v19 =	vadd.f32 v17, v29;
	v17 =	vld.idx.msk [tilespmem:v26+s14+$0x0], $0xffff  }
0x1d2: {  	s23 =	sadd.s32 $0x10, s23;
	v15 =	vmul.f32 v20, v20;
	v21 =	vsub.f32 v14, v21;
	v14 =	vld.idx.msk [tilespmem:v27+s14+$0x0], $0xffff  }
0x1d3: {  	s26 =	sadd.s32 $0x200, s26;
	s25 =	smov.u32 s23;
	v20 =	vmul.f32 v23, v23;
	v18 =	vld.idx.msk [tilespmem:v22+s14+$0x0], $0xffff;
	v22 =	vmul.f32 v24, v24  }
0x1d4: {  	v25 =	vld [tilespmem:$0x1FF10];
	_ =	sdelay $0x1  }
0x1d5: {  	v19 =	vadd.f32 v20, v19  }
0x1d6: {  	v60 =	vld [tilespmem:$0x1FF20]  }
0x1d7: {  	v15 =	vadd.f32 v15, v19;
	v19 =	vld [tilespmem:$0x1FED0]  }
0x1d8: {  	v2 =	vadd.s32 s24, v62;
	v16 =	vsub.f32 v16, v25  }
0x1d9: {  	v27 =	vmov v33;
	v23 =	vadd.s32 s24, v31;
	v33 =	vld [tilespmem:$0x1FEF0]  }
0x1da: {  	v10 =	vadd.f32 v10, v11;
	v20 =	vmul.f32 v21, v21;
	v11 =	vmul.f32 v16, v16;
	v16 =	vld [tilespmem:$0x1FEB0]  }
0x1db: {  	v24 =	vld [tilespmem:$0x1FF00];
	v12 =	vadd.f32 v22, v12;
	v13 =	vsub.f32 v13, v60  }
0x1dc: {  	v5 =	vadd.f32 v20, v5;
	v20 =	vld [tilespmem:$0x1FEE0];
	v6 =	vsub.f32 v6, v19  }
0x1dd: {  	v7 =	vadd.f32 v7, v12;
	v2 =	vld.idx.msk [tilespmem:v2+s14+$0x0], $0xffff;
	v13 =	vmul.f32 v13, v13  }
0x1de: {  	v12 =	vsub.f32 v18, v33;
	v18 =	vld.idx.msk [tilespmem:v23+s14+$0x0], $0xffff;
	v6 =	vmul.f32 v6, v6  }
0x1df: {  	v7 =	vadd.f32 v13, v7;
	v13 =	vsub.f32 v14, v16;
	v16 =	vld [tilespmem:$0x1FEC0]  }
0x1e0: {  	v6 =	vadd.f32 v6, v15;
	v15 =	vld [tilespmem:$0x1FEA0];
	_ =	sdelay $0x1  }
0x1e1: {  	v9 =	vsub.f32 v9, v24  }
0x1e2: {  	v8 =	vadd.f32 v8, v10  }
0x1e3: {  	v9 =	vmul.f32 v9, v9;
	v12 =	vmul.f32 v12, v12;
	v17 =	vsub.f32 v17, v20  }
0x1e4: {  	v10 =	vmul.f32 v13, v13;
	v2 =	vsub.f32 v2, v16;
	v13 =	vsub.f32 v18, v15  }
0x1e5: {  	v5 =	vadd.f32 v9, v5;
	v8 =	vadd.f32 v12, v8;
	v9 =	vmul.f32 v17, v17  }
0x1e6: {  	v6 =	vadd.f32 v10, v6;
	v2 =	vmul.f32 v2, v2;
	v10 =	vmul.f32 v13, v13  }
0x1e7: {  	v7 =	vadd.f32 v11, v7;
	v5 =	vadd.f32 v9, v5  }
0x1e8: {  	v2 =	vadd.f32 v2, v8;
	v6 =	vadd.f32 v10, v6;
	_ =	sdelay $0x1  }
0x1e9: {  	s22 =	sadd.s32 $0x1, s22;
	v2 =	vadd.f32 v2, v7;
	v5 =	vadd.f32 v5, v6  }
0x1ea: {  	p0 =	sne.s32 s22, $0x10  }
.Ltmp2:
0x1eb: {  	v30 =	vld [tilespmem:$0x1FFA0];
	v60 =	vor.u32 s25, v32;
	v2 =	vadd.f32 v5, v2;
	(pc) =	sbr.rel @p0 .LBB2_2-.Ltmp2, $4  }
0x1ec: {  	v26 =	vld [tilespmem:$0x1FF30];
	vm8 =	vlt.s32 v60, $0xF423F  }
0x1ed: {  	v33 =	vld [tilespmem:$0x1FE80];
	v2 =	vnsel vm8, $0x7F61B1E6, v2  }
0x1ee: {  	v12 =	vld [tilespmem:$0x1FF40];
	vm8 =	vlt.f32 v2, v4  }
0x1ef: {  	s21 =	sadd.s32 $0x800, s21;
	s20 =	sadd.s32 $0x800, s20;
	v29 =	vmovc v1;
	v1 =	vmov v63;
	v9 =	vsel vm8, v60, v3;
	v10 =	vsel vm8, v2, v4;
	v60 =	vld [tilespmem:$0x1FF90]  }
0x1f0: {  	_ =	swait.ge [sflag:s15], $0x8000  }
0x1f1: {  	[sflag:s15] =	ssyncset.done $0x0  }
0x1f2: {  	[sflag:s15] =	ssyncadd.s32 $0xFFFF8000  }
0x1f3: {  	[tilespmem:$0x11000] =	vst v10  }
0x1f4: {  	v0 =	vimm.f32 $3.000000010e+38;
	[tilespmem:$0x11080] =	vst v9  }
0x1f5: {  	v2 =	vimm.s32 $0xF4240;
	[tilespmem:$0x11010] =	vst v0  }
0x1f6: {  	[tilespmem:$0x11090] =	vst v2  }
0x1f7: {  	[tilespmem:$0x11020] =	vst v0  }
0x1f8: {  	[tilespmem:$0x110A0] =	vst v2  }
0x1f9: {  	[tilespmem:$0x11030] =	vst v0  }
0x1fa: {  	[tilespmem:$0x110B0] =	vst v2  }
0x1fb: {  	[tilespmem:$0x11040] =	vst v0  }
0x1fc: {  	[tilespmem:$0x110C0] =	vst v2  }
0x1fd: {  	[tilespmem:$0x11050] =	vst v0  }
0x1fe: {  	[tilespmem:$0x110D0] =	vst v2  }
0x1ff: {  	[tilespmem:$0x11060] =	vst v0  }
0x200: {  	[tilespmem:$0x110E0] =	vst v2  }
0x201: {  	[tilespmem:$0x11070] =	vst v0  }
0x202: {  	[tilespmem:$0x110F0] =	vst v2  }
0x203: {  	[hbm4b:s8+s1] =	stream.linear.scatter [tilespmem:s17], [sflag:$0x3], $0x80, $0x38;
	[tilespmem:$0x11100] =	vst v63  }
0x204: {  	s19 =	sadd.s32 $0x1, s19;
	_ =	swait.ge [sflag:s13], $0x80  }
0x205: {  	p0 =	sne.s32 s19, s10;
	[sflag:s13] =	ssyncset.done $0x0  }
.Ltmp3:
0x206: {  	[sflag:s13] =	ssyncadd.s32 $0xFFFFFF80;
	(pc) =	sbr.rel @p0 .LBB2_1-.Ltmp3, $4  }
0x207: {  	[hbm4b:s9+s1] =	stream.linear.scatter [tilespmem:s18], [sflag:$0x3], $0x80, $0x38;
	[tilespmem:$0x11100] =	vst v63  }
0x208: {  	_ =	swait.ge [sflag:s13], $0x80  }
0x209: {  	[sflag:s13] =	ssyncset.done $0x0  }
0x20a: {  	[sflag:s13] =	ssyncadd.s32 $0xFFFFFF80  }
0x20b: {  	_ =	sfence.sel $0x180000  }
0x20c: {  	[bflag:$0x0] =	sbarrier.arrive $0xFFFF  }
0x20d: {  	p0 =	sne.s32 s2, $0x0;
	_ =	strace $0x90000047  }
0x20e: {  	s0 =	sadd.s32 @!p0 $0x100000, s0;
	[bflag:$0x2] =	sbarrier.arrive $0xFFFF  }
0x20f: {  	[sflag:s0] =	ssyncadd.tile.s32 @!p0 $0x1;
	_ =	shalt  }
.Lfunc_end2:
_tile_overlayer_lowered:
.L_overlay_start_2:
0x210: {  	(tag) =	ssettag $0x2  }
0x211: {  	s0 =	rddreg [dreg:$0x0];
	s2 =	stileid.u32  }
0x212: {  	s1 =	rddreg [dreg:$0x1];
	p0 =	sne.s32 s2, $0x0  }
0x213: {  	s3 =	rddreg [dreg:$0x2];
	[bflag:$0x3] =	sbarrier.arrive $0xFFFF;
	s2 =	simm.s32 @!p0 $0x1C03  }
0x214: {  	[timem:s3], [sflag:s2] =	dma.local @!p0 [hbm:s0], s1  }
0x215: {  	s0 =	simm.s32 @!p0 $0x3  }
0x216: {  	_ =	swait.ge @!p0 [sflag:s0], s1  }
0x217: {  	s1 =	ssub.s32 @!p0 $0x0, s1;
	[sflag:s0] =	ssyncset.done @!p0 $0x0  }
0x218: {  	[sflag:s0] =	ssyncadd.s32 @!p0 s1  }
0x219: {  	[bflag:$0x3] =	sbarrier.arrive $0xFFFF  }
0x21a: {  	_ =	shalt  }

</sc_bundles>
